<compile_context>
chip_gen: v7x
topology: tpu7x:2x2x1
jax: 0.10.2.dev20260603
libtpu: 0.0.44.dev20260713+nightly
codegen_flags: <defaults>
</compile_context>

<pallas_src>
import jax
import jax.numpy as jnp
from jax import lax
from jax.experimental import pallas as pl
from jax.experimental.pallas import tpu as pltpu
from jax.experimental.pallas import tpu_sc as plsc

E = 8
TOP = 2
EMB = 384
HID = 2 * EMB
B = 16
HW = 1024
N_GATES = 4


def _merge_body(W1_ref, W2_ref, b1_ref, b2_ref, gamma_ref, beta_ref, rm_ref,
                rv_ref, W3_ref, W12T_ref, b12r_ref, W3T_ref):
    s_r = gamma_ref[0] * lax.rsqrt(rv_ref[0] + 1e-5)
    t_r = beta_ref[0] - rm_ref[0] * s_r
    b12_r = jax.lax.dot_general(b1_ref[0], W2_ref[0], (((1,), (1,)), ((), ())),
                                preferred_element_type=jnp.float32) + b2_ref[0]
    b12r_ref[0] = s_r * b12_r + t_r
    w12t = jax.lax.dot_general(W1_ref[0], W2_ref[0], (((0,), (1,)), ((), ())),
                               preferred_element_type=jnp.float32)
    W12T_ref[0] = w12t * s_r
    ii = lax.broadcasted_iota(jnp.int32, (HID, HID), 0)
    jj = lax.broadcasted_iota(jnp.int32, (HID, HID), 1)
    eye = (ii == jj).astype(jnp.float32)
    W3T_ref[0] = jax.lax.dot_general(eye, W3_ref[0], (((1,), (1,)), ((), ())),
                                     preferred_element_type=jnp.float32)


def _router_body(x_ref, gates_ref, lg_ref):
    pooled = jnp.sum(x_ref[...], axis=1) * (1.0 / HW)
    for g in range(N_GATES):
        lg_ref[g] = jax.lax.dot_general(gates_ref[g], pooled,
                                        (((0,), (1,)), ((), ())),
                                        preferred_element_type=jnp.float32)


def _route_sc_body(lg_hbm, w_hbm, cnt_hbm, se_hbm, lg_v, w_v, cnt_v, se_v):
    c = lax.axis_index("c")
    s = lax.axis_index("s")

    @pl.when(jnp.logical_and(c == 0, s == 0))
    def _():
        pltpu.sync_copy(lg_hbm, lg_v)
        iota = lax.iota(jnp.int32, 16)
        neginf = jnp.full((16,), -jnp.inf, jnp.float32)
        one = jnp.full((16,), 1, jnp.int32)
        zero = jnp.full((16,), 0, jnp.int32)
        for k in range(E):
            se_v[pl.ds(k * 16, 16)] = zero
        u = [zero for _ in range(E)]
        for g in range(N_GATES):
            l = [lg_v[g, e, :] for e in range(E)]
            m = l[0]
            for e in range(1, E):
                m = jnp.maximum(m, l[e])
            ex = [jnp.exp(l[e] - m) for e in range(E)]
            z = ex[0]
            for e in range(1, E):
                z = z + ex[e]
            p = [ex[e] / z for e in range(E)]
            m1 = p[0]
            for e in range(1, E):
                m1 = jnp.maximum(m1, p[e])
            i1 = jnp.full((16,), E, jnp.int32)
            for e in range(E - 1, -1, -1):
                i1 = jnp.where(p[e] == m1, jnp.full((16,), e, jnp.int32), i1)
            p2 = [jnp.where(i1 == e, neginf, p[e]) for e in range(E)]
            m2 = p2[0]
            for e in range(1, E):
                m2 = jnp.maximum(m2, p2[e])
            i2 = jnp.full((16,), E, jnp.int32)
            for e in range(E - 1, -1, -1):
                i2 = jnp.where(p2[e] == m2, jnp.full((16,), e, jnp.int32), i2)
            e1 = jnp.exp(m1)
            e2 = jnp.exp(m2)
            w1 = e1 / (e1 + e2)
            w2 = e2 / (e1 + e2)
            for e in range(E):
                sel1 = i1 == e
                sel2 = i2 == e
                we = jnp.where(sel1, w1, jnp.where(sel2, w2, 0.0))
                w_v[g, e, :] = we
                u[e] = jnp.maximum(u[e], jnp.where(sel1 | sel2, one, zero))
        run = zero
        for e in range(E):
            mask = u[e] > 0
            plsc.store_scatter(se_v, [iota * E + run],
                               jnp.full((16,), e, jnp.int32), mask=mask)
            run = run + u[e]
        cnt_v[...] = run
        pltpu.sync_copy(w_v, w_hbm)
        pltpu.sync_copy(cnt_v, cnt_hbm)
        pltpu.sync_copy(se_v, se_hbm)


def _main_body(cnt_ref, se_ref, w_ref, x_ref, W12T_ref, b12r_ref, W3T_ref,
               b3_ref, o0_ref, o1_ref, o2_ref, o3_ref):
    t = pl.program_id(0)
    s = pl.program_id(1)
    outs = (o0_ref, o1_ref, o2_ref, o3_ref)

    @pl.when(s == 0)
    def _():
        for o in outs:
            o[0] = jnp.zeros((HW, EMB), jnp.float32)

    @pl.when(s < cnt_ref[t])
    def _():
        e = se_ref[t, s]
        xb = x_ref[0]
        h = jnp.dot(xb, W12T_ref[e], preferred_element_type=jnp.float32)
        h = jnp.maximum(h + b12r_ref[e], 0.0)
        y = jnp.dot(h, W3T_ref[e], preferred_element_type=jnp.float32)
        y = y + b3_ref[e]
        for g in range(N_GATES):
            wg = w_ref[g, e, t]

            @pl.when(wg != 0.0)
            def _():
                outs[g][0] += wg * y


def kernel(x, gates, W1, b1, W2, b2, gamma, beta, rm, rv, W3, b3):
    xt = jnp.transpose(x, (0, 2, 3, 1)).reshape(B, HW, EMB)

    lgT = pl.pallas_call(
        _router_body,
        grid=(1,),
        in_specs=[
            pl.BlockSpec((B, HW, EMB), lambda i: (0, 0, 0)),
            pl.BlockSpec((N_GATES, EMB, E), lambda i: (0, 0, 0)),
        ],
        out_specs=pl.BlockSpec((N_GATES, E, B), lambda i: (0, 0, 0)),
        out_shape=jax.ShapeDtypeStruct((N_GATES, E, B), jnp.float32),
    )(xt, gates)

    route = pl.kernel(
        _route_sc_body,
        out_type=[
            jax.ShapeDtypeStruct((N_GATES, E, B), jnp.float32),
            jax.ShapeDtypeStruct((B,), jnp.int32),
            jax.ShapeDtypeStruct((B * E,), jnp.int32),
        ],
        mesh=plsc.VectorSubcoreMesh(core_axis_name="c", subcore_axis_name="s",
                                    num_cores=2, num_subcores=16),
        scratch_types=[
            pltpu.VMEM((N_GATES, E, B), jnp.float32),
            pltpu.VMEM((N_GATES, E, B), jnp.float32),
            pltpu.VMEM((B,), jnp.int32),
            pltpu.VMEM((B * E,), jnp.int32),
        ],
        compiler_params=pltpu.CompilerParams(needs_layout_passes=False),
    )
    w, cnt, se_flat = route(lgT)
    se = se_flat.reshape(B, E)

    merged = pl.pallas_call(
        _merge_body,
        grid=(E,),
        in_specs=[
            pl.BlockSpec((1, HID, EMB), lambda e: (e, 0, 0)),
            pl.BlockSpec((1, HID, HID), lambda e: (e, 0, 0)),
            pl.BlockSpec((1, 1, HID), lambda e: (e, 0, 0)),
            pl.BlockSpec((1, 1, HID), lambda e: (e, 0, 0)),
            pl.BlockSpec((1, 1, HID), lambda e: (e, 0, 0)),
            pl.BlockSpec((1, 1, HID), lambda e: (e, 0, 0)),
            pl.BlockSpec((1, 1, HID), lambda e: (e, 0, 0)),
            pl.BlockSpec((1, 1, HID), lambda e: (e, 0, 0)),
            pl.BlockSpec((1, EMB, HID), lambda e: (e, 0, 0)),
        ],
        out_specs=[
            pl.BlockSpec((1, EMB, HID), lambda e: (e, 0, 0)),
            pl.BlockSpec((1, 1, HID), lambda e: (e, 0, 0)),
            pl.BlockSpec((1, HID, EMB), lambda e: (e, 0, 0)),
        ],
        out_shape=[
            jax.ShapeDtypeStruct((E, EMB, HID), jnp.float32),
            jax.ShapeDtypeStruct((E, 1, HID), jnp.float32),
            jax.ShapeDtypeStruct((E, HID, EMB), jnp.float32),
        ],
    )(W1, W2, b1.reshape(E, 1, HID), b2.reshape(E, 1, HID),
      gamma.reshape(E, 1, HID), beta.reshape(E, 1, HID),
      rm.reshape(E, 1, HID), rv.reshape(E, 1, HID), W3)
    W12T, b12r, W3T = merged

    grid_spec = pltpu.PrefetchScalarGridSpec(
        num_scalar_prefetch=3,
        grid=(B, E),
        in_specs=[
            pl.BlockSpec((1, HW, EMB), lambda t, s, c, e, w_: (t, 0, 0)),
            pl.BlockSpec((E, EMB, HID), lambda t, s, c, e, w_: (0, 0, 0)),
            pl.BlockSpec((E, 1, HID), lambda t, s, c, e, w_: (0, 0, 0)),
            pl.BlockSpec((E, HID, EMB), lambda t, s, c, e, w_: (0, 0, 0)),
            pl.BlockSpec((E, 1, EMB), lambda t, s, c, e, w_: (0, 0, 0)),
        ],
        out_specs=[
            pl.BlockSpec((1, HW, EMB), lambda t, s, c, e, w_: (t, 0, 0))
            for _ in range(N_GATES)
        ],
    )
    outs = pl.pallas_call(
        _main_body,
        grid_spec=grid_spec,
        out_shape=[jax.ShapeDtypeStruct((B, HW, EMB), jnp.float32)
                   for _ in range(N_GATES)],
        compiler_params=pltpu.CompilerParams(
            dimension_semantics=("arbitrary", "arbitrary"),
        ),
    )(cnt, se, w, xt, W12T, b12r, W3T, b3.reshape(E, 1, EMB))

    return tuple(
        o.reshape(B, 32, 32, EMB).transpose(0, 3, 1, 2) for o in outs)

# --- scband reference (transcript-rebuilt; emitter-appended) ---
"""Pipeline reference for scband-mo-e-24867860644521 (READ-ONLY COPY).

The authoritative reference and input builder live on the scoring server;
editing this copy changes nothing except your own understanding.
"""

import jax, jax.numpy as jnp
import numpy as np

E = 8
TOP = 2
EMB = 384
HID = 2 * EMB
B = 16
H = 32
W = 32
N_GATES = 4


def setup_inputs(seed: int = 0) -> dict:
    key = jax.random.key(seed)
    ks = jax.random.split(key, 12)
    x = jax.random.normal(ks[0], (B, EMB, H, W), dtype=jnp.float32)
    # gates: xavier_uniform on (emb_size, num_experts)
    lim = float(np.sqrt(6.0 / (EMB + E)))
    gates = jax.random.uniform(ks[1], (N_GATES, EMB, E), minval=-lim, maxval=lim, dtype=jnp.float32)
    # expert conv1x1 weights stored as dense [out, in] matrices, stacked over experts
    W1 = jax.random.normal(ks[2], (E, HID, EMB), dtype=jnp.float32) / np.sqrt(EMB)
    b1 = jax.random.normal(ks[3], (E, HID), dtype=jnp.float32) * 0.01
    W2 = jax.random.normal(ks[4], (E, HID, HID), dtype=jnp.float32) / np.sqrt(HID)
    b2 = jax.random.normal(ks[5], (E, HID), dtype=jnp.float32) * 0.01
    gamma = jnp.ones((E, HID), dtype=jnp.float32)
    beta = jnp.zeros((E, HID), dtype=jnp.float32)
    rm = jnp.zeros((E, HID), dtype=jnp.float32)
    rv = jnp.ones((E, HID), dtype=jnp.float32)
    W3 = jax.random.normal(ks[6], (E, EMB, HID), dtype=jnp.float32) / np.sqrt(HID)
    b3 = jax.random.normal(ks[7], (E, EMB), dtype=jnp.float32) * 0.01
    return {"x": x, "gates": gates, "W1": W1, "b1": b1, "W2": W2, "b2": b2,
            "gamma": gamma, "beta": beta, "rm": rm, "rv": rv, "W3": W3, "b3": b3}


def reference(x, gates, W1, b1, W2, b2, gamma, beta, rm, rv, W3, b3):
    Bn = x.shape[0]

    def expert_fwd(e, x4):  # x4: [B, H, W, C]
        h = x4 @ W1[e].T + b1[e]
        h = h @ W2[e].T + b2[e]
        # BatchNorm2d in eval mode (running stats)
        h = (h - rm[e]) * jax.lax.rsqrt(rv[e] + 1e-5) * gamma[e] + beta[e]
        h = jax.nn.relu(h)
        return h @ W3[e].T + b3[e]

    def process_gate(g):
        # global average pool -> gating
        x0 = jnp.mean(x, axis=(2, 3))  # [B, C]
        gate_out = jax.nn.softmax(x0 @ g, axis=1)  # [B, E]
        top_w, top_idx = jax.lax.top_k(gate_out, TOP)
        top_w = jax.nn.softmax(top_w, axis=1)  # [B, TOP]
        flat_idx = top_idx.reshape(-1)  # [B*TOP]
        xt = jnp.transpose(x, (0, 2, 3, 1))  # [B, H, W, C]
        y = jnp.zeros((Bn * TOP, H, W, EMB), dtype=x.dtype)
        for e in range(E):
            ye = expert_fwd(e, xt)  # [B, H, W, C]
            ye_rep = jnp.broadcast_to(ye[:, None], (Bn, TOP, H, W, EMB)).reshape(Bn * TOP, H, W, EMB)
            mask = (flat_idx == e).astype(x.dtype)[:, None, None, None]
            y = y + ye_rep * mask
        y = y * top_w.reshape(-1, 1, 1, 1)
        y = y.reshape(Bn, TOP, H, W, EMB).sum(axis=1)  # [B, H, W, C]
        return jnp.transpose(y, (0, 3, 1, 2))  # [B, C, H, W]

    return tuple(process_gate(gates[i]) for i in range(N_GATES))

if __name__ == "__main__":
    import jax
    _d = setup_inputs()
    print(jax.jit(kernel)(*tuple(_d.values())))

</pallas_src>

<mosaic_0001>
#map = affine_map<(d0, d1) -> (0, 0, 0)>
#map1 = affine_map<(d0, d1) -> (0)>
module attributes {stable_mosaic.version = 14 : i64} {
  func.func @_route_sc_body(%arg0: i32, %arg1: i32, %arg2: memref<4x8x16xf32, #tpu.memory_space<hbm>>, %arg3: memref<4x8x16xf32, #tpu.memory_space<hbm>>, %arg4: memref<16xi32, #tpu.memory_space<hbm>>, %arg5: memref<128xi32, #tpu.memory_space<hbm>>, %arg6: memref<4x8x16xf32, #tpu.memory_space<vmem>>, %arg7: memref<4x8x16xf32, #tpu.memory_space<vmem>>, %arg8: memref<16xi32, #tpu.memory_space<vmem>>, %arg9: memref<128xi32, #tpu.memory_space<vmem>>) attributes {dimension_semantics = [#tpu.dimension_semantics<core_parallel>, #tpu.dimension_semantics<subcore_parallel>], iteration_bounds = array<i64: 2, 16>, scalar_prefetch = 0 : i64, scratch_operands = 4 : i64, tpu.core_type = #tpu.core_type<sc_vector_subcore>, window_params = [{transform_indices = #map}, {transform_indices = #map}, {transform_indices = #map1}, {transform_indices = #map1}]} {
    %eq3A = arith.constant 0 : i32
    %eq3A_0 = arith.cmpi eq, %arg0, %eq3A : i32
    %eq3A_1 = arith.constant 0 : i32
    %eq3A_2 = arith.cmpi eq, %arg1, %eq3A_1 : i32
    %and3A = arith.andi %eq3A_0, %eq3A_2 : i1
    %convert_element_type3A = arith.extui %and3A : i1 to i32
    %cond3A = arith.constant 0 : i32
    %cond3A_3 = arith.cmpi ne, %convert_element_type3A, %cond3A : i32
    scf.if %cond3A_3 {
      "tpu.region"() ({
        %run_scoped3A = tpu.sem_alloc : memref<!tpu.dma_semaphore, #tpu.memory_space<semaphore_mem>>
        tpu.enqueue_dma source(%arg2 : memref<4x8x16xf32, #tpu.memory_space<hbm>>) target(%arg6 : memref<4x8x16xf32, #tpu.memory_space<vmem>>) target_semaphore(%run_scoped3A : memref<!tpu.dma_semaphore, #tpu.memory_space<semaphore_mem>>)
        tpu.wait_dma2 semaphore(%run_scoped3A : memref<!tpu.dma_semaphore, #tpu.memory_space<semaphore_mem>>) src(%arg2 : memref<4x8x16xf32, #tpu.memory_space<hbm>>) dst(%arg6 : memref<4x8x16xf32, #tpu.memory_space<vmem>>)
        tpu.yield
      }) : () -> ()
      %iota3A = tpu.iota {dimensions = array<i32: 0>} : vector<16xi32>
      %broadcast_in_dim3A = arith.constant 0xFF800000 : f32
      %broadcast_in_dim3A_4 = vector.broadcast %broadcast_in_dim3A : f32 to vector<16xf32>
      %broadcast_in_dim3A_5 = arith.constant 1 : i32
      %broadcast_in_dim3A_6 = vector.broadcast %broadcast_in_dim3A_5 : i32 to vector<16xi32>
      %broadcast_in_dim3A_7 = arith.constant 0 : i32
      %broadcast_in_dim3A_8 = vector.broadcast %broadcast_in_dim3A_7 : i32 to vector<16xi32>
      %swap3A = arith.constant 0 : index
      %swap3A_9 = tpu.vector_load %arg9[%swap3A] {strides = array<i32>} : memref<128xi32, #tpu.memory_space<vmem>>, vector<16xi32>,
      tpu.vector_store %arg9[%swap3A], %broadcast_in_dim3A_8 {strides = array<i32>} : memref<128xi32, #tpu.memory_space<vmem>>, vector<16xi32>,
      %swap3A_10 = arith.constant 16 : index
      %swap3A_11 = tpu.vector_load %arg9[%swap3A_10] {strides = array<i32>} : memref<128xi32, #tpu.memory_space<vmem>>, vector<16xi32>,
      tpu.vector_store %arg9[%swap3A_10], %broadcast_in_dim3A_8 {strides = array<i32>} : memref<128xi32, #tpu.memory_space<vmem>>, vector<16xi32>,
      %swap3A_12 = arith.constant 32 : index
      %swap3A_13 = tpu.vector_load %arg9[%swap3A_12] {strides = array<i32>} : memref<128xi32, #tpu.memory_space<vmem>>, vector<16xi32>,
      tpu.vector_store %arg9[%swap3A_12], %broadcast_in_dim3A_8 {strides = array<i32>} : memref<128xi32, #tpu.memory_space<vmem>>, vector<16xi32>,
      %swap3A_14 = arith.constant 48 : index
      %swap3A_15 = tpu.vector_load %arg9[%swap3A_14] {strides = array<i32>} : memref<128xi32, #tpu.memory_space<vmem>>, vector<16xi32>,
      tpu.vector_store %arg9[%swap3A_14], %broadcast_in_dim3A_8 {strides = array<i32>} : memref<128xi32, #tpu.memory_space<vmem>>, vector<16xi32>,
      %swap3A_16 = arith.constant 64 : index
      %swap3A_17 = tpu.vector_load %arg9[%swap3A_16] {strides = array<i32>} : memref<128xi32, #tpu.memory_space<vmem>>, vector<16xi32>,
      tpu.vector_store %arg9[%swap3A_16], %broadcast_in_dim3A_8 {strides = array<i32>} : memref<128xi32, #tpu.memory_space<vmem>>, vector<16xi32>,
      %swap3A_18 = arith.constant 80 : index
      %swap3A_19 = tpu.vector_load %arg9[%swap3A_18] {strides = array<i32>} : memref<128xi32, #tpu.memory_space<vmem>>, vector<16xi32>,
      tpu.vector_store %arg9[%swap3A_18], %broadcast_in_dim3A_8 {strides = array<i32>} : memref<128xi32, #tpu.memory_space<vmem>>, vector<16xi32>,
      %swap3A_20 = arith.constant 96 : index
      %swap3A_21 = tpu.vector_load %arg9[%swap3A_20] {strides = array<i32>} : memref<128xi32, #tpu.memory_space<vmem>>, vector<16xi32>,
      tpu.vector_store %arg9[%swap3A_20], %broadcast_in_dim3A_8 {strides = array<i32>} : memref<128xi32, #tpu.memory_space<vmem>>, vector<16xi32>,
      %swap3A_22 = arith.constant 112 : index
      %swap3A_23 = tpu.vector_load %arg9[%swap3A_22] {strides = array<i32>} : memref<128xi32, #tpu.memory_space<vmem>>, vector<16xi32>,
      tpu.vector_store %arg9[%swap3A_22], %broadcast_in_dim3A_8 {strides = array<i32>} : memref<128xi32, #tpu.memory_space<vmem>>, vector<16xi32>,
      %get3A = arith.constant 0 : i32
      %get3A_24 = arith.constant 0 : i32
      %get3A_25 = arith.index_cast %get3A : i32 to index
      %get3A_26 = arith.index_cast %get3A_24 : i32 to index
      %get3A_27 = arith.constant 0 : index
      %get3A_28 = tpu.vector_load %arg6[%get3A_25, %get3A_26, %get3A_27] {strides = array<i32>} : memref<4x8x16xf32, #tpu.memory_space<vmem>>, vector<16xf32>,
      %get3A_29 = arith.constant 0 : i32
      %get3A_30 = arith.constant 1 : i32
      %get3A_31 = arith.index_cast %get3A_29 : i32 to index
      %get3A_32 = arith.index_cast %get3A_30 : i32 to index
      %get3A_33 = arith.constant 0 : index
      %get3A_34 = tpu.vector_load %arg6[%get3A_31, %get3A_32, %get3A_33] {strides = array<i32>} : memref<4x8x16xf32, #tpu.memory_space<vmem>>, vector<16xf32>,
      %get3A_35 = arith.constant 0 : i32
      %get3A_36 = arith.constant 2 : i32
      %get3A_37 = arith.index_cast %get3A_35 : i32 to index
      %get3A_38 = arith.index_cast %get3A_36 : i32 to index
      %get3A_39 = arith.constant 0 : index
      %get3A_40 = tpu.vector_load %arg6[%get3A_37, %get3A_38, %get3A_39] {strides = array<i32>} : memref<4x8x16xf32, #tpu.memory_space<vmem>>, vector<16xf32>,
      %get3A_41 = arith.constant 0 : i32
      %get3A_42 = arith.constant 3 : i32
      %get3A_43 = arith.index_cast %get3A_41 : i32 to index
      %get3A_44 = arith.index_cast %get3A_42 : i32 to index
      %get3A_45 = arith.constant 0 : index
      %get3A_46 = tpu.vector_load %arg6[%get3A_43, %get3A_44, %get3A_45] {strides = array<i32>} : memref<4x8x16xf32, #tpu.memory_space<vmem>>, vector<16xf32>,
      %get3A_47 = arith.constant 0 : i32
      %get3A_48 = arith.constant 4 : i32
      %get3A_49 = arith.index_cast %get3A_47 : i32 to index
      %get3A_50 = arith.index_cast %get3A_48 : i32 to index
      %get3A_51 = arith.constant 0 : index
      %get3A_52 = tpu.vector_load %arg6[%get3A_49, %get3A_50, %get3A_51] {strides = array<i32>} : memref<4x8x16xf32, #tpu.memory_space<vmem>>, vector<16xf32>,
      %get3A_53 = arith.constant 0 : i32
      %get3A_54 = arith.constant 5 : i32
      %get3A_55 = arith.index_cast %get3A_53 : i32 to index
      %get3A_56 = arith.index_cast %get3A_54 : i32 to index
      %get3A_57 = arith.constant 0 : index
      %get3A_58 = tpu.vector_load %arg6[%get3A_55, %get3A_56, %get3A_57] {strides = array<i32>} : memref<4x8x16xf32, #tpu.memory_space<vmem>>, vector<16xf32>,
      %get3A_59 = arith.constant 0 : i32
      %get3A_60 = arith.constant 6 : i32
      %get3A_61 = arith.index_cast %get3A_59 : i32 to index
      %get3A_62 = arith.index_cast %get3A_60 : i32 to index
      %get3A_63 = arith.constant 0 : index
      %get3A_64 = tpu.vector_load %arg6[%get3A_61, %get3A_62, %get3A_63] {strides = array<i32>} : memref<4x8x16xf32, #tpu.memory_space<vmem>>, vector<16xf32>,
      %get3A_65 = arith.constant 0 : i32
      %get3A_66 = arith.constant 7 : i32
      %get3A_67 = arith.index_cast %get3A_65 : i32 to index
      %get3A_68 = arith.index_cast %get3A_66 : i32 to index
      %get3A_69 = arith.constant 0 : index
      %get3A_70 = tpu.vector_load %arg6[%get3A_67, %get3A_68, %get3A_69] {strides = array<i32>} : memref<4x8x16xf32, #tpu.memory_space<vmem>>, vector<16xf32>,
      %max3A = arith.maximumf %get3A_28, %get3A_34 : vector<16xf32>
      %max3A_71 = arith.maximumf %max3A, %get3A_40 : vector<16xf32>
      %max3A_72 = arith.maximumf %max3A_71, %get3A_46 : vector<16xf32>
      %max3A_73 = arith.maximumf %max3A_72, %get3A_52 : vector<16xf32>
      %max3A_74 = arith.maximumf %max3A_73, %get3A_58 : vector<16xf32>
      %max3A_75 = arith.maximumf %max3A_74, %get3A_64 : vector<16xf32>
      %max3A_76 = arith.maximumf %max3A_75, %get3A_70 : vector<16xf32>
      %sub3A = arith.subf %get3A_28, %max3A_76 : vector<16xf32>
      %exp3A = math.exp %sub3A : vector<16xf32>
      %sub3A_77 = arith.subf %get3A_34, %max3A_76 : vector<16xf32>
      %exp3A_78 = math.exp %sub3A_77 : vector<16xf32>
      %sub3A_79 = arith.subf %get3A_40, %max3A_76 : vector<16xf32>
      %exp3A_80 = math.exp %sub3A_79 : vector<16xf32>
      %sub3A_81 = arith.subf %get3A_46, %max3A_76 : vector<16xf32>
      %exp3A_82 = math.exp %sub3A_81 : vector<16xf32>
      %sub3A_83 = arith.subf %get3A_52, %max3A_76 : vector<16xf32>
      %exp3A_84 = math.exp %sub3A_83 : vector<16xf32>
      %sub3A_85 = arith.subf %get3A_58, %max3A_76 : vector<16xf32>
      %exp3A_86 = math.exp %sub3A_85 : vector<16xf32>
      %sub3A_87 = arith.subf %get3A_64, %max3A_76 : vector<16xf32>
      %exp3A_88 = math.exp %sub3A_87 : vector<16xf32>
      %sub3A_89 = arith.subf %get3A_70, %max3A_76 : vector<16xf32>
      %exp3A_90 = math.exp %sub3A_89 : vector<16xf32>
      %add3A = arith.addf %exp3A, %exp3A_78 : vector<16xf32>
      %add3A_91 = arith.addf %add3A, %exp3A_80 : vector<16xf32>
      %add3A_92 = arith.addf %add3A_91, %exp3A_82 : vector<16xf32>
      %add3A_93 = arith.addf %add3A_92, %exp3A_84 : vector<16xf32>
      %add3A_94 = arith.addf %add3A_93, %exp3A_86 : vector<16xf32>
      %add3A_95 = arith.addf %add3A_94, %exp3A_88 : vector<16xf32>
      %add3A_96 = arith.addf %add3A_95, %exp3A_90 : vector<16xf32>
      %div3A = arith.divf %exp3A, %add3A_96 : vector<16xf32>
      %div3A_97 = arith.divf %exp3A_78, %add3A_96 : vector<16xf32>
      %div3A_98 = arith.divf %exp3A_80, %add3A_96 : vector<16xf32>
      %div3A_99 = arith.divf %exp3A_82, %add3A_96 : vector<16xf32>
      %div3A_100 = arith.divf %exp3A_84, %add3A_96 : vector<16xf32>
      %div3A_101 = arith.divf %exp3A_86, %add3A_96 : vector<16xf32>
      %div3A_102 = arith.divf %exp3A_88, %add3A_96 : vector<16xf32>
      %div3A_103 = arith.divf %exp3A_90, %add3A_96 : vector<16xf32>
      %max3A_104 = arith.maximumf %div3A, %div3A_97 : vector<16xf32>
      %max3A_105 = arith.maximumf %max3A_104, %div3A_98 : vector<16xf32>
      %max3A_106 = arith.maximumf %max3A_105, %div3A_99 : vector<16xf32>
      %max3A_107 = arith.maximumf %max3A_106, %div3A_100 : vector<16xf32>
      %max3A_108 = arith.maximumf %max3A_107, %div3A_101 : vector<16xf32>
      %max3A_109 = arith.maximumf %max3A_108, %div3A_102 : vector<16xf32>
      %max3A_110 = arith.maximumf %max3A_109, %div3A_103 : vector<16xf32>
      %broadcast_in_dim3A_111 = arith.constant 8 : i32
      %broadcast_in_dim3A_112 = vector.broadcast %broadcast_in_dim3A_111 : i32 to vector<16xi32>
      %eq3A_113 = arith.cmpf oeq, %div3A_103, %max3A_110 : vector<16xf32>
      %broadcast_in_dim3A_114 = arith.constant 7 : i32
      %broadcast_in_dim3A_115 = vector.broadcast %broadcast_in_dim3A_114 : i32 to vector<16xi32>
      %select_n3A = arith.select %eq3A_113, %broadcast_in_dim3A_115, %broadcast_in_dim3A_112 : vector<16xi1>, vector<16xi32>
      %eq3A_116 = arith.cmpf oeq, %div3A_102, %max3A_110 : vector<16xf32>
      %broadcast_in_dim3A_117 = arith.constant 6 : i32
      %broadcast_in_dim3A_118 = vector.broadcast %broadcast_in_dim3A_117 : i32 to vector<16xi32>
      %select_n3A_119 = arith.select %eq3A_116, %broadcast_in_dim3A_118, %select_n3A : vector<16xi1>, vector<16xi32>
      %eq3A_120 = arith.cmpf oeq, %div3A_101, %max3A_110 : vector<16xf32>
      %broadcast_in_dim3A_121 = arith.constant 5 : i32
      %broadcast_in_dim3A_122 = vector.broadcast %broadcast_in_dim3A_121 : i32 to vector<16xi32>
      %select_n3A_123 = arith.select %eq3A_120, %broadcast_in_dim3A_122, %select_n3A_119 : vector<16xi1>, vector<16xi32>
      %eq3A_124 = arith.cmpf oeq, %div3A_100, %max3A_110 : vector<16xf32>
      %broadcast_in_dim3A_125 = arith.constant 4 : i32
      %broadcast_in_dim3A_126 = vector.broadcast %broadcast_in_dim3A_125 : i32 to vector<16xi32>
      %select_n3A_127 = arith.select %eq3A_124, %broadcast_in_dim3A_126, %select_n3A_123 : vector<16xi1>, vector<16xi32>
      %eq3A_128 = arith.cmpf oeq, %div3A_99, %max3A_110 : vector<16xf32>
      %broadcast_in_dim3A_129 = arith.constant 3 : i32
      %broadcast_in_dim3A_130 = vector.broadcast %broadcast_in_dim3A_129 : i32 to vector<16xi32>
      %select_n3A_131 = arith.select %eq3A_128, %broadcast_in_dim3A_130, %select_n3A_127 : vector<16xi1>, vector<16xi32>
      %eq3A_132 = arith.cmpf oeq, %div3A_98, %max3A_110 : vector<16xf32>
      %broadcast_in_dim3A_133 = arith.constant 2 : i32
      %broadcast_in_dim3A_134 = vector.broadcast %broadcast_in_dim3A_133 : i32 to vector<16xi32>
      %select_n3A_135 = arith.select %eq3A_132, %broadcast_in_dim3A_134, %select_n3A_131 : vector<16xi1>, vector<16xi32>
      %eq3A_136 = arith.cmpf oeq, %div3A_97, %max3A_110 : vector<16xf32>
      %broadcast_in_dim3A_137 = arith.constant 1 : i32
      %broadcast_in_dim3A_138 = vector.broadcast %broadcast_in_dim3A_137 : i32 to vector<16xi32>
      %select_n3A_139 = arith.select %eq3A_136, %broadcast_in_dim3A_138, %select_n3A_135 : vector<16xi1>, vector<16xi32>
      %eq3A_140 = arith.cmpf oeq, %div3A, %max3A_110 : vector<16xf32>
      %broadcast_in_dim3A_141 = arith.constant 0 : i32
      %broadcast_in_dim3A_142 = vector.broadcast %broadcast_in_dim3A_141 : i32 to vector<16xi32>
      %select_n3A_143 = arith.select %eq3A_140, %broadcast_in_dim3A_142, %select_n3A_139 : vector<16xi1>, vector<16xi32>
      %eq3A_144 = arith.constant 0 : i32
      %eq3A_145 = vector.broadcast %eq3A_144 : i32 to vector<16xi32>
      %eq3A_146 = arith.cmpi eq, %select_n3A_143, %eq3A_145 : vector<16xi32>
      %select_n3A_147 = arith.select %eq3A_146, %broadcast_in_dim3A_4, %div3A : vector<16xi1>, vector<16xf32>
      %eq3A_148 = arith.constant 1 : i32
      %eq3A_149 = vector.broadcast %eq3A_148 : i32 to vector<16xi32>
      %eq3A_150 = arith.cmpi eq, %select_n3A_143, %eq3A_149 : vector<16xi32>
      %select_n3A_151 = arith.select %eq3A_150, %broadcast_in_dim3A_4, %div3A_97 : vector<16xi1>, vector<16xf32>
      %eq3A_152 = arith.constant 2 : i32
      %eq3A_153 = vector.broadcast %eq3A_152 : i32 to vector<16xi32>
      %eq3A_154 = arith.cmpi eq, %select_n3A_143, %eq3A_153 : vector<16xi32>
      %select_n3A_155 = arith.select %eq3A_154, %broadcast_in_dim3A_4, %div3A_98 : vector<16xi1>, vector<16xf32>
      %eq3A_156 = arith.constant 3 : i32
      %eq3A_157 = vector.broadcast %eq3A_156 : i32 to vector<16xi32>
      %eq3A_158 = arith.cmpi eq, %select_n3A_143, %eq3A_157 : vector<16xi32>
      %select_n3A_159 = arith.select %eq3A_158, %broadcast_in_dim3A_4, %div3A_99 : vector<16xi1>, vector<16xf32>
      %eq3A_160 = arith.constant 4 : i32
      %eq3A_161 = vector.broadcast %eq3A_160 : i32 to vector<16xi32>
      %eq3A_162 = arith.cmpi eq, %select_n3A_143, %eq3A_161 : vector<16xi32>
      %select_n3A_163 = arith.select %eq3A_162, %broadcast_in_dim3A_4, %div3A_100 : vector<16xi1>, vector<16xf32>
      %eq3A_164 = arith.constant 5 : i32
      %eq3A_165 = vector.broadcast %eq3A_164 : i32 to vector<16xi32>
      %eq3A_166 = arith.cmpi eq, %select_n3A_143, %eq3A_165 : vector<16xi32>
      %select_n3A_167 = arith.select %eq3A_166, %broadcast_in_dim3A_4, %div3A_101 : vector<16xi1>, vector<16xf32>
      %eq3A_168 = arith.constant 6 : i32
      %eq3A_169 = vector.broadcast %eq3A_168 : i32 to vector<16xi32>
      %eq3A_170 = arith.cmpi eq, %select_n3A_143, %eq3A_169 : vector<16xi32>
      %select_n3A_171 = arith.select %eq3A_170, %broadcast_in_dim3A_4, %div3A_102 : vector<16xi1>, vector<16xf32>
      %eq3A_172 = arith.constant 7 : i32
      %eq3A_173 = vector.broadcast %eq3A_172 : i32 to vector<16xi32>
      %eq3A_174 = arith.cmpi eq, %select_n3A_143, %eq3A_173 : vector<16xi32>
      %select_n3A_175 = arith.select %eq3A_174, %broadcast_in_dim3A_4, %div3A_103 : vector<16xi1>, vector<16xf32>
      %max3A_176 = arith.maximumf %select_n3A_147, %select_n3A_151 : vector<16xf32>
      %max3A_177 = arith.maximumf %max3A_176, %select_n3A_155 : vector<16xf32>
      %max3A_178 = arith.maximumf %max3A_177, %select_n3A_159 : vector<16xf32>
      %max3A_179 = arith.maximumf %max3A_178, %select_n3A_163 : vector<16xf32>
      %max3A_180 = arith.maximumf %max3A_179, %select_n3A_167 : vector<16xf32>
      %max3A_181 = arith.maximumf %max3A_180, %select_n3A_171 : vector<16xf32>
      %max3A_182 = arith.maximumf %max3A_181, %select_n3A_175 : vector<16xf32>
      %broadcast_in_dim3A_183 = arith.constant 8 : i32
      %broadcast_in_dim3A_184 = vector.broadcast %broadcast_in_dim3A_183 : i32 to vector<16xi32>
      %eq3A_185 = arith.cmpf oeq, %select_n3A_175, %max3A_182 : vector<16xf32>
      %broadcast_in_dim3A_186 = arith.constant 7 : i32
      %broadcast_in_dim3A_187 = vector.broadcast %broadcast_in_dim3A_186 : i32 to vector<16xi32>
      %select_n3A_188 = arith.select %eq3A_185, %broadcast_in_dim3A_187, %broadcast_in_dim3A_184 : vector<16xi1>, vector<16xi32>
      %eq3A_189 = arith.cmpf oeq, %select_n3A_171, %max3A_182 : vector<16xf32>
      %broadcast_in_dim3A_190 = arith.constant 6 : i32
      %broadcast_in_dim3A_191 = vector.broadcast %broadcast_in_dim3A_190 : i32 to vector<16xi32>
      %select_n3A_192 = arith.select %eq3A_189, %broadcast_in_dim3A_191, %select_n3A_188 : vector<16xi1>, vector<16xi32>
      %eq3A_193 = arith.cmpf oeq, %select_n3A_167, %max3A_182 : vector<16xf32>
      %broadcast_in_dim3A_194 = arith.constant 5 : i32
      %broadcast_in_dim3A_195 = vector.broadcast %broadcast_in_dim3A_194 : i32 to vector<16xi32>
      %select_n3A_196 = arith.select %eq3A_193, %broadcast_in_dim3A_195, %select_n3A_192 : vector<16xi1>, vector<16xi32>
      %eq3A_197 = arith.cmpf oeq, %select_n3A_163, %max3A_182 : vector<16xf32>
      %broadcast_in_dim3A_198 = arith.constant 4 : i32
      %broadcast_in_dim3A_199 = vector.broadcast %broadcast_in_dim3A_198 : i32 to vector<16xi32>
      %select_n3A_200 = arith.select %eq3A_197, %broadcast_in_dim3A_199, %select_n3A_196 : vector<16xi1>, vector<16xi32>
      %eq3A_201 = arith.cmpf oeq, %select_n3A_159, %max3A_182 : vector<16xf32>
      %broadcast_in_dim3A_202 = arith.constant 3 : i32
      %broadcast_in_dim3A_203 = vector.broadcast %broadcast_in_dim3A_202 : i32 to vector<16xi32>
      %select_n3A_204 = arith.select %eq3A_201, %broadcast_in_dim3A_203, %select_n3A_200 : vector<16xi1>, vector<16xi32>
      %eq3A_205 = arith.cmpf oeq, %select_n3A_155, %max3A_182 : vector<16xf32>
      %broadcast_in_dim3A_206 = arith.constant 2 : i32
      %broadcast_in_dim3A_207 = vector.broadcast %broadcast_in_dim3A_206 : i32 to vector<16xi32>
      %select_n3A_208 = arith.select %eq3A_205, %broadcast_in_dim3A_207, %select_n3A_204 : vector<16xi1>, vector<16xi32>
      %eq3A_209 = arith.cmpf oeq, %select_n3A_151, %max3A_182 : vector<16xf32>
      %broadcast_in_dim3A_210 = arith.constant 1 : i32
      %broadcast_in_dim3A_211 = vector.broadcast %broadcast_in_dim3A_210 : i32 to vector<16xi32>
      %select_n3A_212 = arith.select %eq3A_209, %broadcast_in_dim3A_211, %select_n3A_208 : vector<16xi1>, vector<16xi32>
      %eq3A_213 = arith.cmpf oeq, %select_n3A_147, %max3A_182 : vector<16xf32>
      %broadcast_in_dim3A_214 = arith.constant 0 : i32
      %broadcast_in_dim3A_215 = vector.broadcast %broadcast_in_dim3A_214 : i32 to vector<16xi32>
      %select_n3A_216 = arith.select %eq3A_213, %broadcast_in_dim3A_215, %select_n3A_212 : vector<16xi1>, vector<16xi32>
      %exp3A_217 = math.exp %max3A_110 : vector<16xf32>
      %exp3A_218 = math.exp %max3A_182 : vector<16xf32>
      %add3A_219 = arith.addf %exp3A_217, %exp3A_218 : vector<16xf32>
      %div3A_220 = arith.divf %exp3A_217, %add3A_219 : vector<16xf32>
      %add3A_221 = arith.addf %exp3A_217, %exp3A_218 : vector<16xf32>
      %div3A_222 = arith.divf %exp3A_218, %add3A_221 : vector<16xf32>
      %eq3A_223 = arith.constant 0 : i32
      %eq3A_224 = vector.broadcast %eq3A_223 : i32 to vector<16xi32>
      %eq3A_225 = arith.cmpi eq, %select_n3A_143, %eq3A_224 : vector<16xi32>
      %eq3A_226 = arith.constant 0 : i32
      %eq3A_227 = vector.broadcast %eq3A_226 : i32 to vector<16xi32>
      %eq3A_228 = arith.cmpi eq, %select_n3A_216, %eq3A_227 : vector<16xi32>
      %jit3A = arith.constant 0.000000e+00 : f32
      %broadcast_in_dim3A_229 = vector.broadcast %jit3A : f32 to vector<16xf32>
      %select_n3A_230 = arith.select %eq3A_228, %div3A_222, %broadcast_in_dim3A_229 : vector<16xi1>, vector<16xf32>
      %select_n3A_231 = arith.select %eq3A_225, %div3A_220, %select_n3A_230 : vector<16xi1>, vector<16xf32>
      %swap3A_232 = arith.constant 0 : i32
      %swap3A_233 = arith.constant 0 : i32
      %swap3A_234 = arith.index_cast %swap3A_232 : i32 to index
      %swap3A_235 = arith.index_cast %swap3A_233 : i32 to index
      %swap3A_236 = arith.constant 0 : index
      %swap3A_237 = tpu.vector_load %arg7[%swap3A_234, %swap3A_235, %swap3A_236] {strides = array<i32>} : memref<4x8x16xf32, #tpu.memory_space<vmem>>, vector<16xf32>,
      tpu.vector_store %arg7[%swap3A_234, %swap3A_235, %swap3A_236], %select_n3A_231 {strides = array<i32>} : memref<4x8x16xf32, #tpu.memory_space<vmem>>, vector<16xf32>,
      %or3A = arith.ori %eq3A_225, %eq3A_228 : vector<16xi1>
      %select_n3A_238 = arith.select %or3A, %broadcast_in_dim3A_6, %broadcast_in_dim3A_8 : vector<16xi1>, vector<16xi32>
      %max3A_239 = arith.maxsi %broadcast_in_dim3A_8, %select_n3A_238 : vector<16xi32>
      %eq3A_240 = arith.constant 1 : i32
      %eq3A_241 = vector.broadcast %eq3A_240 : i32 to vector<16xi32>
      %eq3A_242 = arith.cmpi eq, %select_n3A_143, %eq3A_241 : vector<16xi32>
      %eq3A_243 = arith.constant 1 : i32
      %eq3A_244 = vector.broadcast %eq3A_243 : i32 to vector<16xi32>
      %eq3A_245 = arith.cmpi eq, %select_n3A_216, %eq3A_244 : vector<16xi32>
      %jit3A_246 = arith.constant 0.000000e+00 : f32
      %broadcast_in_dim3A_247 = vector.broadcast %jit3A_246 : f32 to vector<16xf32>
      %select_n3A_248 = arith.select %eq3A_245, %div3A_222, %broadcast_in_dim3A_247 : vector<16xi1>, vector<16xf32>
      %select_n3A_249 = arith.select %eq3A_242, %div3A_220, %select_n3A_248 : vector<16xi1>, vector<16xf32>
      %swap3A_250 = arith.constant 0 : i32
      %swap3A_251 = arith.constant 1 : i32
      %swap3A_252 = arith.index_cast %swap3A_250 : i32 to index
      %swap3A_253 = arith.index_cast %swap3A_251 : i32 to index
      %swap3A_254 = arith.constant 0 : index
      %swap3A_255 = tpu.vector_load %arg7[%swap3A_252, %swap3A_253, %swap3A_254] {strides = array<i32>} : memref<4x8x16xf32, #tpu.memory_space<vmem>>, vector<16xf32>,
      tpu.vector_store %arg7[%swap3A_252, %swap3A_253, %swap3A_254], %select_n3A_249 {strides = array<i32>} : memref<4x8x16xf32, #tpu.memory_space<vmem>>, vector<16xf32>,
      %or3A_256 = arith.ori %eq3A_242, %eq3A_245 : vector<16xi1>
      %select_n3A_257 = arith.select %or3A_256, %broadcast_in_dim3A_6, %broadcast_in_dim3A_8 : vector<16xi1>, vector<16xi32>
      %max3A_258 = arith.maxsi %broadcast_in_dim3A_8, %select_n3A_257 : vector<16xi32>
      %eq3A_259 = arith.constant 2 : i32
      %eq3A_260 = vector.broadcast %eq3A_259 : i32 to vector<16xi32>
      %eq3A_261 = arith.cmpi eq, %select_n3A_143, %eq3A_260 : vector<16xi32>
      %eq3A_262 = arith.constant 2 : i32
      %eq3A_263 = vector.broadcast %eq3A_262 : i32 to vector<16xi32>
      %eq3A_264 = arith.cmpi eq, %select_n3A_216, %eq3A_263 : vector<16xi32>
      %jit3A_265 = arith.constant 0.000000e+00 : f32
      %broadcast_in_dim3A_266 = vector.broadcast %jit3A_265 : f32 to vector<16xf32>
      %select_n3A_267 = arith.select %eq3A_264, %div3A_222, %broadcast_in_dim3A_266 : vector<16xi1>, vector<16xf32>
      %select_n3A_268 = arith.select %eq3A_261, %div3A_220, %select_n3A_267 : vector<16xi1>, vector<16xf32>
      %swap3A_269 = arith.constant 0 : i32
      %swap3A_270 = arith.constant 2 : i32
      %swap3A_271 = arith.index_cast %swap3A_269 : i32 to index
      %swap3A_272 = arith.index_cast %swap3A_270 : i32 to index
      %swap3A_273 = arith.constant 0 : index
      %swap3A_274 = tpu.vector_load %arg7[%swap3A_271, %swap3A_272, %swap3A_273] {strides = array<i32>} : memref<4x8x16xf32, #tpu.memory_space<vmem>>, vector<16xf32>,
      tpu.vector_store %arg7[%swap3A_271, %swap3A_272, %swap3A_273], %select_n3A_268 {strides = array<i32>} : memref<4x8x16xf32, #tpu.memory_space<vmem>>, vector<16xf32>,
      %or3A_275 = arith.ori %eq3A_261, %eq3A_264 : vector<16xi1>
      %select_n3A_276 = arith.select %or3A_275, %broadcast_in_dim3A_6, %broadcast_in_dim3A_8 : vector<16xi1>, vector<16xi32>
      %max3A_277 = arith.maxsi %broadcast_in_dim3A_8, %select_n3A_276 : vector<16xi32>
      %eq3A_278 = arith.constant 3 : i32
      %eq3A_279 = vector.broadcast %eq3A_278 : i32 to vector<16xi32>
      %eq3A_280 = arith.cmpi eq, %select_n3A_143, %eq3A_279 : vector<16xi32>
      %eq3A_281 = arith.constant 3 : i32
      %eq3A_282 = vector.broadcast %eq3A_281 : i32 to vector<16xi32>
      %eq3A_283 = arith.cmpi eq, %select_n3A_216, %eq3A_282 : vector<16xi32>
      %jit3A_284 = arith.constant 0.000000e+00 : f32
      %broadcast_in_dim3A_285 = vector.broadcast %jit3A_284 : f32 to vector<16xf32>
      %select_n3A_286 = arith.select %eq3A_283, %div3A_222, %broadcast_in_dim3A_285 : vector<16xi1>, vector<16xf32>
      %select_n3A_287 = arith.select %eq3A_280, %div3A_220, %select_n3A_286 : vector<16xi1>, vector<16xf32>
      %swap3A_288 = arith.constant 0 : i32
      %swap3A_289 = arith.constant 3 : i32
      %swap3A_290 = arith.index_cast %swap3A_288 : i32 to index
      %swap3A_291 = arith.index_cast %swap3A_289 : i32 to index
      %swap3A_292 = arith.constant 0 : index
      %swap3A_293 = tpu.vector_load %arg7[%swap3A_290, %swap3A_291, %swap3A_292] {strides = array<i32>} : memref<4x8x16xf32, #tpu.memory_space<vmem>>, vector<16xf32>,
      tpu.vector_store %arg7[%swap3A_290, %swap3A_291, %swap3A_292], %select_n3A_287 {strides = array<i32>} : memref<4x8x16xf32, #tpu.memory_space<vmem>>, vector<16xf32>,
      %or3A_294 = arith.ori %eq3A_280, %eq3A_283 : vector<16xi1>
      %select_n3A_295 = arith.select %or3A_294, %broadcast_in_dim3A_6, %broadcast_in_dim3A_8 : vector<16xi1>, vector<16xi32>
      %max3A_296 = arith.maxsi %broadcast_in_dim3A_8, %select_n3A_295 : vector<16xi32>
      %eq3A_297 = arith.constant 4 : i32
      %eq3A_298 = vector.broadcast %eq3A_297 : i32 to vector<16xi32>
      %eq3A_299 = arith.cmpi eq, %select_n3A_143, %eq3A_298 : vector<16xi32>
      %eq3A_300 = arith.constant 4 : i32
      %eq3A_301 = vector.broadcast %eq3A_300 : i32 to vector<16xi32>
      %eq3A_302 = arith.cmpi eq, %select_n3A_216, %eq3A_301 : vector<16xi32>
      %jit3A_303 = arith.constant 0.000000e+00 : f32
      %broadcast_in_dim3A_304 = vector.broadcast %jit3A_303 : f32 to vector<16xf32>
      %select_n3A_305 = arith.select %eq3A_302, %div3A_222, %broadcast_in_dim3A_304 : vector<16xi1>, vector<16xf32>
      %select_n3A_306 = arith.select %eq3A_299, %div3A_220, %select_n3A_305 : vector<16xi1>, vector<16xf32>
      %swap3A_307 = arith.constant 0 : i32
      %swap3A_308 = arith.constant 4 : i32
      %swap3A_309 = arith.index_cast %swap3A_307 : i32 to index
      %swap3A_310 = arith.index_cast %swap3A_308 : i32 to index
      %swap3A_311 = arith.constant 0 : index
      %swap3A_312 = tpu.vector_load %arg7[%swap3A_309, %swap3A_310, %swap3A_311] {strides = array<i32>} : memref<4x8x16xf32, #tpu.memory_space<vmem>>, vector<16xf32>,
      tpu.vector_store %arg7[%swap3A_309, %swap3A_310, %swap3A_311], %select_n3A_306 {strides = array<i32>} : memref<4x8x16xf32, #tpu.memory_space<vmem>>, vector<16xf32>,
      %or3A_313 = arith.ori %eq3A_299, %eq3A_302 : vector<16xi1>
      %select_n3A_314 = arith.select %or3A_313, %broadcast_in_dim3A_6, %broadcast_in_dim3A_8 : vector<16xi1>, vector<16xi32>
      %max3A_315 = arith.maxsi %broadcast_in_dim3A_8, %select_n3A_314 : vector<16xi32>
      %eq3A_316 = arith.constant 5 : i32
      %eq3A_317 = vector.broadcast %eq3A_316 : i32 to vector<16xi32>
      %eq3A_318 = arith.cmpi eq, %select_n3A_143, %eq3A_317 : vector<16xi32>
      %eq3A_319 = arith.constant 5 : i32
      %eq3A_320 = vector.broadcast %eq3A_319 : i32 to vector<16xi32>
      %eq3A_321 = arith.cmpi eq, %select_n3A_216, %eq3A_320 : vector<16xi32>
      %jit3A_322 = arith.constant 0.000000e+00 : f32
      %broadcast_in_dim3A_323 = vector.broadcast %jit3A_322 : f32 to vector<16xf32>
      %select_n3A_324 = arith.select %eq3A_321, %div3A_222, %broadcast_in_dim3A_323 : vector<16xi1>, vector<16xf32>
      %select_n3A_325 = arith.select %eq3A_318, %div3A_220, %select_n3A_324 : vector<16xi1>, vector<16xf32>
      %swap3A_326 = arith.constant 0 : i32
      %swap3A_327 = arith.constant 5 : i32
      %swap3A_328 = arith.index_cast %swap3A_326 : i32 to index
      %swap3A_329 = arith.index_cast %swap3A_327 : i32 to index
      %swap3A_330 = arith.constant 0 : index
      %swap3A_331 = tpu.vector_load %arg7[%swap3A_328, %swap3A_329, %swap3A_330] {strides = array<i32>} : memref<4x8x16xf32, #tpu.memory_space<vmem>>, vector<16xf32>,
      tpu.vector_store %arg7[%swap3A_328, %swap3A_329, %swap3A_330], %select_n3A_325 {strides = array<i32>} : memref<4x8x16xf32, #tpu.memory_space<vmem>>, vector<16xf32>,
      %or3A_332 = arith.ori %eq3A_318, %eq3A_321 : vector<16xi1>
      %select_n3A_333 = arith.select %or3A_332, %broadcast_in_dim3A_6, %broadcast_in_dim3A_8 : vector<16xi1>, vector<16xi32>
      %max3A_334 = arith.maxsi %broadcast_in_dim3A_8, %select_n3A_333 : vector<16xi32>
      %eq3A_335 = arith.constant 6 : i32
      %eq3A_336 = vector.broadcast %eq3A_335 : i32 to vector<16xi32>
      %eq3A_337 = arith.cmpi eq, %select_n3A_143, %eq3A_336 : vector<16xi32>
      %eq3A_338 = arith.constant 6 : i32
      %eq3A_339 = vector.broadcast %eq3A_338 : i32 to vector<16xi32>
      %eq3A_340 = arith.cmpi eq, %select_n3A_216, %eq3A_339 : vector<16xi32>
      %jit3A_341 = arith.constant 0.000000e+00 : f32
      %broadcast_in_dim3A_342 = vector.broadcast %jit3A_341 : f32 to vector<16xf32>
      %select_n3A_343 = arith.select %eq3A_340, %div3A_222, %broadcast_in_dim3A_342 : vector<16xi1>, vector<16xf32>
      %select_n3A_344 = arith.select %eq3A_337, %div3A_220, %select_n3A_343 : vector<16xi1>, vector<16xf32>
      %swap3A_345 = arith.constant 0 : i32
      %swap3A_346 = arith.constant 6 : i32
      %swap3A_347 = arith.index_cast %swap3A_345 : i32 to index
      %swap3A_348 = arith.index_cast %swap3A_346 : i32 to index
      %swap3A_349 = arith.constant 0 : index
      %swap3A_350 = tpu.vector_load %arg7[%swap3A_347, %swap3A_348, %swap3A_349] {strides = array<i32>} : memref<4x8x16xf32, #tpu.memory_space<vmem>>, vector<16xf32>,
      tpu.vector_store %arg7[%swap3A_347, %swap3A_348, %swap3A_349], %select_n3A_344 {strides = array<i32>} : memref<4x8x16xf32, #tpu.memory_space<vmem>>, vector<16xf32>,
      %or3A_351 = arith.ori %eq3A_337, %eq3A_340 : vector<16xi1>
      %select_n3A_352 = arith.select %or3A_351, %broadcast_in_dim3A_6, %broadcast_in_dim3A_8 : vector<16xi1>, vector<16xi32>
      %max3A_353 = arith.maxsi %broadcast_in_dim3A_8, %select_n3A_352 : vector<16xi32>
      %eq3A_354 = arith.constant 7 : i32
      %eq3A_355 = vector.broadcast %eq3A_354 : i32 to vector<16xi32>
      %eq3A_356 = arith.cmpi eq, %select_n3A_143, %eq3A_355 : vector<16xi32>
      %eq3A_357 = arith.constant 7 : i32
      %eq3A_358 = vector.broadcast %eq3A_357 : i32 to vector<16xi32>
      %eq3A_359 = arith.cmpi eq, %select_n3A_216, %eq3A_358 : vector<16xi32>
      %jit3A_360 = arith.constant 0.000000e+00 : f32
      %broadcast_in_dim3A_361 = vector.broadcast %jit3A_360 : f32 to vector<16xf32>
      %select_n3A_362 = arith.select %eq3A_359, %div3A_222, %broadcast_in_dim3A_361 : vector<16xi1>, vector<16xf32>
      %select_n3A_363 = arith.select %eq3A_356, %div3A_220, %select_n3A_362 : vector<16xi1>, vector<16xf32>
      %swap3A_364 = arith.constant 0 : i32
      %swap3A_365 = arith.constant 7 : i32
      %swap3A_366 = arith.index_cast %swap3A_364 : i32 to index
      %swap3A_367 = arith.index_cast %swap3A_365 : i32 to index
      %swap3A_368 = arith.constant 0 : index
      %swap3A_369 = tpu.vector_load %arg7[%swap3A_366, %swap3A_367, %swap3A_368] {strides = array<i32>} : memref<4x8x16xf32, #tpu.memory_space<vmem>>, vector<16xf32>,
      tpu.vector_store %arg7[%swap3A_366, %swap3A_367, %swap3A_368], %select_n3A_363 {strides = array<i32>} : memref<4x8x16xf32, #tpu.memory_space<vmem>>, vector<16xf32>,
      %or3A_370 = arith.ori %eq3A_356, %eq3A_359 : vector<16xi1>
      %select_n3A_371 = arith.select %or3A_370, %broadcast_in_dim3A_6, %broadcast_in_dim3A_8 : vector<16xi1>, vector<16xi32>
      %max3A_372 = arith.maxsi %broadcast_in_dim3A_8, %select_n3A_371 : vector<16xi32>
      %get3A_373 = arith.constant 1 : i32
      %get3A_374 = arith.constant 0 : i32
      %get3A_375 = arith.index_cast %get3A_373 : i32 to index
      %get3A_376 = arith.index_cast %get3A_374 : i32 to index
      %get3A_377 = arith.constant 0 : index
      %get3A_378 = tpu.vector_load %arg6[%get3A_375, %get3A_376, %get3A_377] {strides = array<i32>} : memref<4x8x16xf32, #tpu.memory_space<vmem>>, vector<16xf32>,
      %get3A_379 = arith.constant 1 : i32
      %get3A_380 = arith.constant 1 : i32
      %get3A_381 = arith.index_cast %get3A_379 : i32 to index
      %get3A_382 = arith.index_cast %get3A_380 : i32 to index
      %get3A_383 = arith.constant 0 : index
      %get3A_384 = tpu.vector_load %arg6[%get3A_381, %get3A_382, %get3A_383] {strides = array<i32>} : memref<4x8x16xf32, #tpu.memory_space<vmem>>, vector<16xf32>,
      %get3A_385 = arith.constant 1 : i32
      %get3A_386 = arith.constant 2 : i32
      %get3A_387 = arith.index_cast %get3A_385 : i32 to index
      %get3A_388 = arith.index_cast %get3A_386 : i32 to index
      %get3A_389 = arith.constant 0 : index
      %get3A_390 = tpu.vector_load %arg6[%get3A_387, %get3A_388, %get3A_389] {strides = array<i32>} : memref<4x8x16xf32, #tpu.memory_space<vmem>>, vector<16xf32>,
      %get3A_391 = arith.constant 1 : i32
      %get3A_392 = arith.constant 3 : i32
      %get3A_393 = arith.index_cast %get3A_391 : i32 to index
      %get3A_394 = arith.index_cast %get3A_392 : i32 to index
      %get3A_395 = arith.constant 0 : index
      %get3A_396 = tpu.vector_load %arg6[%get3A_393, %get3A_394, %get3A_395] {strides = array<i32>} : memref<4x8x16xf32, #tpu.memory_space<vmem>>, vector<16xf32>,
      %get3A_397 = arith.constant 1 : i32
      %get3A_398 = arith.constant 4 : i32
      %get3A_399 = arith.index_cast %get3A_397 : i32 to index
      %get3A_400 = arith.index_cast %get3A_398 : i32 to index
      %get3A_401 = arith.constant 0 : index
      %get3A_402 = tpu.vector_load %arg6[%get3A_399, %get3A_400, %get3A_401] {strides = array<i32>} : memref<4x8x16xf32, #tpu.memory_space<vmem>>, vector<16xf32>,
      %get3A_403 = arith.constant 1 : i32
      %get3A_404 = arith.constant 5 : i32
      %get3A_405 = arith.index_cast %get3A_403 : i32 to index
      %get3A_406 = arith.index_cast %get3A_404 : i32 to index
      %get3A_407 = arith.constant 0 : index
      %get3A_408 = tpu.vector_load %arg6[%get3A_405, %get3A_406, %get3A_407] {strides = array<i32>} : memref<4x8x16xf32, #tpu.memory_space<vmem>>, vector<16xf32>,
      %get3A_409 = arith.constant 1 : i32
      %get3A_410 = arith.constant 6 : i32
      %get3A_411 = arith.index_cast %get3A_409 : i32 to index
      %get3A_412 = arith.index_cast %get3A_410 : i32 to index
      %get3A_413 = arith.constant 0 : index
      %get3A_414 = tpu.vector_load %arg6[%get3A_411, %get3A_412, %get3A_413] {strides = array<i32>} : memref<4x8x16xf32, #tpu.memory_space<vmem>>, vector<16xf32>,
      %get3A_415 = arith.constant 1 : i32
      %get3A_416 = arith.constant 7 : i32
      %get3A_417 = arith.index_cast %get3A_415 : i32 to index
      %get3A_418 = arith.index_cast %get3A_416 : i32 to index
      %get3A_419 = arith.constant 0 : index
      %get3A_420 = tpu.vector_load %arg6[%get3A_417, %get3A_418, %get3A_419] {strides = array<i32>} : memref<4x8x16xf32, #tpu.memory_space<vmem>>, vector<16xf32>,
      %max3A_421 = arith.maximumf %get3A_378, %get3A_384 : vector<16xf32>
      %max3A_422 = arith.maximumf %max3A_421, %get3A_390 : vector<16xf32>
      %max3A_423 = arith.maximumf %max3A_422, %get3A_396 : vector<16xf32>
      %max3A_424 = arith.maximumf %max3A_423, %get3A_402 : vector<16xf32>
      %max3A_425 = arith.maximumf %max3A_424, %get3A_408 : vector<16xf32>
      %max3A_426 = arith.maximumf %max3A_425, %get3A_414 : vector<16xf32>
      %max3A_427 = arith.maximumf %max3A_426, %get3A_420 : vector<16xf32>
      %sub3A_428 = arith.subf %get3A_378, %max3A_427 : vector<16xf32>
      %exp3A_429 = math.exp %sub3A_428 : vector<16xf32>
      %sub3A_430 = arith.subf %get3A_384, %max3A_427 : vector<16xf32>
      %exp3A_431 = math.exp %sub3A_430 : vector<16xf32>
      %sub3A_432 = arith.subf %get3A_390, %max3A_427 : vector<16xf32>
      %exp3A_433 = math.exp %sub3A_432 : vector<16xf32>
      %sub3A_434 = arith.subf %get3A_396, %max3A_427 : vector<16xf32>
      %exp3A_435 = math.exp %sub3A_434 : vector<16xf32>
      %sub3A_436 = arith.subf %get3A_402, %max3A_427 : vector<16xf32>
      %exp3A_437 = math.exp %sub3A_436 : vector<16xf32>
      %sub3A_438 = arith.subf %get3A_408, %max3A_427 : vector<16xf32>
      %exp3A_439 = math.exp %sub3A_438 : vector<16xf32>
      %sub3A_440 = arith.subf %get3A_414, %max3A_427 : vector<16xf32>
      %exp3A_441 = math.exp %sub3A_440 : vector<16xf32>
      %sub3A_442 = arith.subf %get3A_420, %max3A_427 : vector<16xf32>
      %exp3A_443 = math.exp %sub3A_442 : vector<16xf32>
      %add3A_444 = arith.addf %exp3A_429, %exp3A_431 : vector<16xf32>
      %add3A_445 = arith.addf %add3A_444, %exp3A_433 : vector<16xf32>
      %add3A_446 = arith.addf %add3A_445, %exp3A_435 : vector<16xf32>
      %add3A_447 = arith.addf %add3A_446, %exp3A_437 : vector<16xf32>
      %add3A_448 = arith.addf %add3A_447, %exp3A_439 : vector<16xf32>
      %add3A_449 = arith.addf %add3A_448, %exp3A_441 : vector<16xf32>
      %add3A_450 = arith.addf %add3A_449, %exp3A_443 : vector<16xf32>
      %div3A_451 = arith.divf %exp3A_429, %add3A_450 : vector<16xf32>
      %div3A_452 = arith.divf %exp3A_431, %add3A_450 : vector<16xf32>
      %div3A_453 = arith.divf %exp3A_433, %add3A_450 : vector<16xf32>
      %div3A_454 = arith.divf %exp3A_435, %add3A_450 : vector<16xf32>
      %div3A_455 = arith.divf %exp3A_437, %add3A_450 : vector<16xf32>
      %div3A_456 = arith.divf %exp3A_439, %add3A_450 : vector<16xf32>
      %div3A_457 = arith.divf %exp3A_441, %add3A_450 : vector<16xf32>
      %div3A_458 = arith.divf %exp3A_443, %add3A_450 : vector<16xf32>
      %max3A_459 = arith.maximumf %div3A_451, %div3A_452 : vector<16xf32>
      %max3A_460 = arith.maximumf %max3A_459, %div3A_453 : vector<16xf32>
      %max3A_461 = arith.maximumf %max3A_460, %div3A_454 : vector<16xf32>
      %max3A_462 = arith.maximumf %max3A_461, %div3A_455 : vector<16xf32>
      %max3A_463 = arith.maximumf %max3A_462, %div3A_456 : vector<16xf32>
      %max3A_464 = arith.maximumf %max3A_463, %div3A_457 : vector<16xf32>
      %max3A_465 = arith.maximumf %max3A_464, %div3A_458 : vector<16xf32>
      %broadcast_in_dim3A_466 = arith.constant 8 : i32
      %broadcast_in_dim3A_467 = vector.broadcast %broadcast_in_dim3A_466 : i32 to vector<16xi32>
      %eq3A_468 = arith.cmpf oeq, %div3A_458, %max3A_465 : vector<16xf32>
      %broadcast_in_dim3A_469 = arith.constant 7 : i32
      %broadcast_in_dim3A_470 = vector.broadcast %broadcast_in_dim3A_469 : i32 to vector<16xi32>
      %select_n3A_471 = arith.select %eq3A_468, %broadcast_in_dim3A_470, %broadcast_in_dim3A_467 : vector<16xi1>, vector<16xi32>
      %eq3A_472 = arith.cmpf oeq, %div3A_457, %max3A_465 : vector<16xf32>
      %broadcast_in_dim3A_473 = arith.constant 6 : i32
      %broadcast_in_dim3A_474 = vector.broadcast %broadcast_in_dim3A_473 : i32 to vector<16xi32>
      %select_n3A_475 = arith.select %eq3A_472, %broadcast_in_dim3A_474, %select_n3A_471 : vector<16xi1>, vector<16xi32>
      %eq3A_476 = arith.cmpf oeq, %div3A_456, %max3A_465 : vector<16xf32>
      %broadcast_in_dim3A_477 = arith.constant 5 : i32
      %broadcast_in_dim3A_478 = vector.broadcast %broadcast_in_dim3A_477 : i32 to vector<16xi32>
      %select_n3A_479 = arith.select %eq3A_476, %broadcast_in_dim3A_478, %select_n3A_475 : vector<16xi1>, vector<16xi32>
      %eq3A_480 = arith.cmpf oeq, %div3A_455, %max3A_465 : vector<16xf32>
      %broadcast_in_dim3A_481 = arith.constant 4 : i32
      %broadcast_in_dim3A_482 = vector.broadcast %broadcast_in_dim3A_481 : i32 to vector<16xi32>
      %select_n3A_483 = arith.select %eq3A_480, %broadcast_in_dim3A_482, %select_n3A_479 : vector<16xi1>, vector<16xi32>
      %eq3A_484 = arith.cmpf oeq, %div3A_454, %max3A_465 : vector<16xf32>
      %broadcast_in_dim3A_485 = arith.constant 3 : i32
      %broadcast_in_dim3A_486 = vector.broadcast %broadcast_in_dim3A_485 : i32 to vector<16xi32>
      %select_n3A_487 = arith.select %eq3A_484, %broadcast_in_dim3A_486, %select_n3A_483 : vector<16xi1>, vector<16xi32>
      %eq3A_488 = arith.cmpf oeq, %div3A_453, %max3A_465 : vector<16xf32>
      %broadcast_in_dim3A_489 = arith.constant 2 : i32
      %broadcast_in_dim3A_490 = vector.broadcast %broadcast_in_dim3A_489 : i32 to vector<16xi32>
      %select_n3A_491 = arith.select %eq3A_488, %broadcast_in_dim3A_490, %select_n3A_487 : vector<16xi1>, vector<16xi32>
      %eq3A_492 = arith.cmpf oeq, %div3A_452, %max3A_465 : vector<16xf32>
      %broadcast_in_dim3A_493 = arith.constant 1 : i32
      %broadcast_in_dim3A_494 = vector.broadcast %broadcast_in_dim3A_493 : i32 to vector<16xi32>
      %select_n3A_495 = arith.select %eq3A_492, %broadcast_in_dim3A_494, %select_n3A_491 : vector<16xi1>, vector<16xi32>
      %eq3A_496 = arith.cmpf oeq, %div3A_451, %max3A_465 : vector<16xf32>
      %broadcast_in_dim3A_497 = arith.constant 0 : i32
      %broadcast_in_dim3A_498 = vector.broadcast %broadcast_in_dim3A_497 : i32 to vector<16xi32>
      %select_n3A_499 = arith.select %eq3A_496, %broadcast_in_dim3A_498, %select_n3A_495 : vector<16xi1>, vector<16xi32>
      %eq3A_500 = arith.constant 0 : i32
      %eq3A_501 = vector.broadcast %eq3A_500 : i32 to vector<16xi32>
      %eq3A_502 = arith.cmpi eq, %select_n3A_499, %eq3A_501 : vector<16xi32>
      %select_n3A_503 = arith.select %eq3A_502, %broadcast_in_dim3A_4, %div3A_451 : vector<16xi1>, vector<16xf32>
      %eq3A_504 = arith.constant 1 : i32
      %eq3A_505 = vector.broadcast %eq3A_504 : i32 to vector<16xi32>
      %eq3A_506 = arith.cmpi eq, %select_n3A_499, %eq3A_505 : vector<16xi32>
      %select_n3A_507 = arith.select %eq3A_506, %broadcast_in_dim3A_4, %div3A_452 : vector<16xi1>, vector<16xf32>
      %eq3A_508 = arith.constant 2 : i32
      %eq3A_509 = vector.broadcast %eq3A_508 : i32 to vector<16xi32>
      %eq3A_510 = arith.cmpi eq, %select_n3A_499, %eq3A_509 : vector<16xi32>
      %select_n3A_511 = arith.select %eq3A_510, %broadcast_in_dim3A_4, %div3A_453 : vector<16xi1>, vector<16xf32>
      %eq3A_512 = arith.constant 3 : i32
      %eq3A_513 = vector.broadcast %eq3A_512 : i32 to vector<16xi32>
      %eq3A_514 = arith.cmpi eq, %select_n3A_499, %eq3A_513 : vector<16xi32>
      %select_n3A_515 = arith.select %eq3A_514, %broadcast_in_dim3A_4, %div3A_454 : vector<16xi1>, vector<16xf32>
      %eq3A_516 = arith.constant 4 : i32
      %eq3A_517 = vector.broadcast %eq3A_516 : i32 to vector<16xi32>
      %eq3A_518 = arith.cmpi eq, %select_n3A_499, %eq3A_517 : vector<16xi32>
      %select_n3A_519 = arith.select %eq3A_518, %broadcast_in_dim3A_4, %div3A_455 : vector<16xi1>, vector<16xf32>
      %eq3A_520 = arith.constant 5 : i32
      %eq3A_521 = vector.broadcast %eq3A_520 : i32 to vector<16xi32>
      %eq3A_522 = arith.cmpi eq, %select_n3A_499, %eq3A_521 : vector<16xi32>
      %select_n3A_523 = arith.select %eq3A_522, %broadcast_in_dim3A_4, %div3A_456 : vector<16xi1>, vector<16xf32>
      %eq3A_524 = arith.constant 6 : i32
      %eq3A_525 = vector.broadcast %eq3A_524 : i32 to vector<16xi32>
      %eq3A_526 = arith.cmpi eq, %select_n3A_499, %eq3A_525 : vector<16xi32>
      %select_n3A_527 = arith.select %eq3A_526, %broadcast_in_dim3A_4, %div3A_457 : vector<16xi1>, vector<16xf32>
      %eq3A_528 = arith.constant 7 : i32
      %eq3A_529 = vector.broadcast %eq3A_528 : i32 to vector<16xi32>
      %eq3A_530 = arith.cmpi eq, %select_n3A_499, %eq3A_529 : vector<16xi32>
      %select_n3A_531 = arith.select %eq3A_530, %broadcast_in_dim3A_4, %div3A_458 : vector<16xi1>, vector<16xf32>
      %max3A_532 = arith.maximumf %select_n3A_503, %select_n3A_507 : vector<16xf32>
      %max3A_533 = arith.maximumf %max3A_532, %select_n3A_511 : vector<16xf32>
      %max3A_534 = arith.maximumf %max3A_533, %select_n3A_515 : vector<16xf32>
      %max3A_535 = arith.maximumf %max3A_534, %select_n3A_519 : vector<16xf32>
      %max3A_536 = arith.maximumf %max3A_535, %select_n3A_523 : vector<16xf32>
      %max3A_537 = arith.maximumf %max3A_536, %select_n3A_527 : vector<16xf32>
      %max3A_538 = arith.maximumf %max3A_537, %select_n3A_531 : vector<16xf32>
      %broadcast_in_dim3A_539 = arith.constant 8 : i32
      %broadcast_in_dim3A_540 = vector.broadcast %broadcast_in_dim3A_539 : i32 to vector<16xi32>
      %eq3A_541 = arith.cmpf oeq, %select_n3A_531, %max3A_538 : vector<16xf32>
      %broadcast_in_dim3A_542 = arith.constant 7 : i32
      %broadcast_in_dim3A_543 = vector.broadcast %broadcast_in_dim3A_542 : i32 to vector<16xi32>
      %select_n3A_544 = arith.select %eq3A_541, %broadcast_in_dim3A_543, %broadcast_in_dim3A_540 : vector<16xi1>, vector<16xi32>
      %eq3A_545 = arith.cmpf oeq, %select_n3A_527, %max3A_538 : vector<16xf32>
      %broadcast_in_dim3A_546 = arith.constant 6 : i32
      %broadcast_in_dim3A_547 = vector.broadcast %broadcast_in_dim3A_546 : i32 to vector<16xi32>
      %select_n3A_548 = arith.select %eq3A_545, %broadcast_in_dim3A_547, %select_n3A_544 : vector<16xi1>, vector<16xi32>
      %eq3A_549 = arith.cmpf oeq, %select_n3A_523, %max3A_538 : vector<16xf32>
      %broadcast_in_dim3A_550 = arith.constant 5 : i32
      %broadcast_in_dim3A_551 = vector.broadcast %broadcast_in_dim3A_550 : i32 to vector<16xi32>
      %select_n3A_552 = arith.select %eq3A_549, %broadcast_in_dim3A_551, %select_n3A_548 : vector<16xi1>, vector<16xi32>
      %eq3A_553 = arith.cmpf oeq, %select_n3A_519, %max3A_538 : vector<16xf32>
      %broadcast_in_dim3A_554 = arith.constant 4 : i32
      %broadcast_in_dim3A_555 = vector.broadcast %broadcast_in_dim3A_554 : i32 to vector<16xi32>
      %select_n3A_556 = arith.select %eq3A_553, %broadcast_in_dim3A_555, %select_n3A_552 : vector<16xi1>, vector<16xi32>
      %eq3A_557 = arith.cmpf oeq, %select_n3A_515, %max3A_538 : vector<16xf32>
      %broadcast_in_dim3A_558 = arith.constant 3 : i32
      %broadcast_in_dim3A_559 = vector.broadcast %broadcast_in_dim3A_558 : i32 to vector<16xi32>
      %select_n3A_560 = arith.select %eq3A_557, %broadcast_in_dim3A_559, %select_n3A_556 : vector<16xi1>, vector<16xi32>
      %eq3A_561 = arith.cmpf oeq, %select_n3A_511, %max3A_538 : vector<16xf32>
      %broadcast_in_dim3A_562 = arith.constant 2 : i32
      %broadcast_in_dim3A_563 = vector.broadcast %broadcast_in_dim3A_562 : i32 to vector<16xi32>
      %select_n3A_564 = arith.select %eq3A_561, %broadcast_in_dim3A_563, %select_n3A_560 : vector<16xi1>, vector<16xi32>
      %eq3A_565 = arith.cmpf oeq, %select_n3A_507, %max3A_538 : vector<16xf32>
      %broadcast_in_dim3A_566 = arith.constant 1 : i32
      %broadcast_in_dim3A_567 = vector.broadcast %broadcast_in_dim3A_566 : i32 to vector<16xi32>
      %select_n3A_568 = arith.select %eq3A_565, %broadcast_in_dim3A_567, %select_n3A_564 : vector<16xi1>, vector<16xi32>
      %eq3A_569 = arith.cmpf oeq, %select_n3A_503, %max3A_538 : vector<16xf32>
      %broadcast_in_dim3A_570 = arith.constant 0 : i32
      %broadcast_in_dim3A_571 = vector.broadcast %broadcast_in_dim3A_570 : i32 to vector<16xi32>
      %select_n3A_572 = arith.select %eq3A_569, %broadcast_in_dim3A_571, %select_n3A_568 : vector<16xi1>, vector<16xi32>
      %exp3A_573 = math.exp %max3A_465 : vector<16xf32>
      %exp3A_574 = math.exp %max3A_538 : vector<16xf32>
      %add3A_575 = arith.addf %exp3A_573, %exp3A_574 : vector<16xf32>
      %div3A_576 = arith.divf %exp3A_573, %add3A_575 : vector<16xf32>
      %add3A_577 = arith.addf %exp3A_573, %exp3A_574 : vector<16xf32>
      %div3A_578 = arith.divf %exp3A_574, %add3A_577 : vector<16xf32>
      %eq3A_579 = arith.constant 0 : i32
      %eq3A_580 = vector.broadcast %eq3A_579 : i32 to vector<16xi32>
      %eq3A_581 = arith.cmpi eq, %select_n3A_499, %eq3A_580 : vector<16xi32>
      %eq3A_582 = arith.constant 0 : i32
      %eq3A_583 = vector.broadcast %eq3A_582 : i32 to vector<16xi32>
      %eq3A_584 = arith.cmpi eq, %select_n3A_572, %eq3A_583 : vector<16xi32>
      %jit3A_585 = arith.constant 0.000000e+00 : f32
      %broadcast_in_dim3A_586 = vector.broadcast %jit3A_585 : f32 to vector<16xf32>
      %select_n3A_587 = arith.select %eq3A_584, %div3A_578, %broadcast_in_dim3A_586 : vector<16xi1>, vector<16xf32>
      %select_n3A_588 = arith.select %eq3A_581, %div3A_576, %select_n3A_587 : vector<16xi1>, vector<16xf32>
      %swap3A_589 = arith.constant 1 : i32
      %swap3A_590 = arith.constant 0 : i32
      %swap3A_591 = arith.index_cast %swap3A_589 : i32 to index
      %swap3A_592 = arith.index_cast %swap3A_590 : i32 to index
      %swap3A_593 = arith.constant 0 : index
      %swap3A_594 = tpu.vector_load %arg7[%swap3A_591, %swap3A_592, %swap3A_593] {strides = array<i32>} : memref<4x8x16xf32, #tpu.memory_space<vmem>>, vector<16xf32>,
      tpu.vector_store %arg7[%swap3A_591, %swap3A_592, %swap3A_593], %select_n3A_588 {strides = array<i32>} : memref<4x8x16xf32, #tpu.memory_space<vmem>>, vector<16xf32>,
      %or3A_595 = arith.ori %eq3A_581, %eq3A_584 : vector<16xi1>
      %select_n3A_596 = arith.select %or3A_595, %broadcast_in_dim3A_6, %broadcast_in_dim3A_8 : vector<16xi1>, vector<16xi32>
      %max3A_597 = arith.maxsi %max3A_239, %select_n3A_596 : vector<16xi32>
      %eq3A_598 = arith.constant 1 : i32
      %eq3A_599 = vector.broadcast %eq3A_598 : i32 to vector<16xi32>
      %eq3A_600 = arith.cmpi eq, %select_n3A_499, %eq3A_599 : vector<16xi32>
      %eq3A_601 = arith.constant 1 : i32
      %eq3A_602 = vector.broadcast %eq3A_601 : i32 to vector<16xi32>
      %eq3A_603 = arith.cmpi eq, %select_n3A_572, %eq3A_602 : vector<16xi32>
      %jit3A_604 = arith.constant 0.000000e+00 : f32
      %broadcast_in_dim3A_605 = vector.broadcast %jit3A_604 : f32 to vector<16xf32>
      %select_n3A_606 = arith.select %eq3A_603, %div3A_578, %broadcast_in_dim3A_605 : vector<16xi1>, vector<16xf32>
      %select_n3A_607 = arith.select %eq3A_600, %div3A_576, %select_n3A_606 : vector<16xi1>, vector<16xf32>
      %swap3A_608 = arith.constant 1 : i32
      %swap3A_609 = arith.constant 1 : i32
      %swap3A_610 = arith.index_cast %swap3A_608 : i32 to index
      %swap3A_611 = arith.index_cast %swap3A_609 : i32 to index
      %swap3A_612 = arith.constant 0 : index
      %swap3A_613 = tpu.vector_load %arg7[%swap3A_610, %swap3A_611, %swap3A_612] {strides = array<i32>} : memref<4x8x16xf32, #tpu.memory_space<vmem>>, vector<16xf32>,
      tpu.vector_store %arg7[%swap3A_610, %swap3A_611, %swap3A_612], %select_n3A_607 {strides = array<i32>} : memref<4x8x16xf32, #tpu.memory_space<vmem>>, vector<16xf32>,
      %or3A_614 = arith.ori %eq3A_600, %eq3A_603 : vector<16xi1>
      %select_n3A_615 = arith.select %or3A_614, %broadcast_in_dim3A_6, %broadcast_in_dim3A_8 : vector<16xi1>, vector<16xi32>
      %max3A_616 = arith.maxsi %max3A_258, %select_n3A_615 : vector<16xi32>
      %eq3A_617 = arith.constant 2 : i32
      %eq3A_618 = vector.broadcast %eq3A_617 : i32 to vector<16xi32>
      %eq3A_619 = arith.cmpi eq, %select_n3A_499, %eq3A_618 : vector<16xi32>
      %eq3A_620 = arith.constant 2 : i32
      %eq3A_621 = vector.broadcast %eq3A_620 : i32 to vector<16xi32>
      %eq3A_622 = arith.cmpi eq, %select_n3A_572, %eq3A_621 : vector<16xi32>
      %jit3A_623 = arith.constant 0.000000e+00 : f32
      %broadcast_in_dim3A_624 = vector.broadcast %jit3A_623 : f32 to vector<16xf32>
      %select_n3A_625 = arith.select %eq3A_622, %div3A_578, %broadcast_in_dim3A_624 : vector<16xi1>, vector<16xf32>
      %select_n3A_626 = arith.select %eq3A_619, %div3A_576, %select_n3A_625 : vector<16xi1>, vector<16xf32>
      %swap3A_627 = arith.constant 1 : i32
      %swap3A_628 = arith.constant 2 : i32
      %swap3A_629 = arith.index_cast %swap3A_627 : i32 to index
      %swap3A_630 = arith.index_cast %swap3A_628 : i32 to index
      %swap3A_631 = arith.constant 0 : index
      %swap3A_632 = tpu.vector_load %arg7[%swap3A_629, %swap3A_630, %swap3A_631] {strides = array<i32>} : memref<4x8x16xf32, #tpu.memory_space<vmem>>, vector<16xf32>,
      tpu.vector_store %arg7[%swap3A_629, %swap3A_630, %swap3A_631], %select_n3A_626 {strides = array<i32>} : memref<4x8x16xf32, #tpu.memory_space<vmem>>, vector<16xf32>,
      %or3A_633 = arith.ori %eq3A_619, %eq3A_622 : vector<16xi1>
      %select_n3A_634 = arith.select %or3A_633, %broadcast_in_dim3A_6, %broadcast_in_dim3A_8 : vector<16xi1>, vector<16xi32>
      %max3A_635 = arith.maxsi %max3A_277, %select_n3A_634 : vector<16xi32>
      %eq3A_636 = arith.constant 3 : i32
      %eq3A_637 = vector.broadcast %eq3A_636 : i32 to vector<16xi32>
      %eq3A_638 = arith.cmpi eq, %select_n3A_499, %eq3A_637 : vector<16xi32>
      %eq3A_639 = arith.constant 3 : i32
      %eq3A_640 = vector.broadcast %eq3A_639 : i32 to vector<16xi32>
      %eq3A_641 = arith.cmpi eq, %select_n3A_572, %eq3A_640 : vector<16xi32>
      %jit3A_642 = arith.constant 0.000000e+00 : f32
      %broadcast_in_dim3A_643 = vector.broadcast %jit3A_642 : f32 to vector<16xf32>
      %select_n3A_644 = arith.select %eq3A_641, %div3A_578, %broadcast_in_dim3A_643 : vector<16xi1>, vector<16xf32>
      %select_n3A_645 = arith.select %eq3A_638, %div3A_576, %select_n3A_644 : vector<16xi1>, vector<16xf32>
      %swap3A_646 = arith.constant 1 : i32
      %swap3A_647 = arith.constant 3 : i32
      %swap3A_648 = arith.index_cast %swap3A_646 : i32 to index
      %swap3A_649 = arith.index_cast %swap3A_647 : i32 to index
      %swap3A_650 = arith.constant 0 : index
      %swap3A_651 = tpu.vector_load %arg7[%swap3A_648, %swap3A_649, %swap3A_650] {strides = array<i32>} : memref<4x8x16xf32, #tpu.memory_space<vmem>>, vector<16xf32>,
      tpu.vector_store %arg7[%swap3A_648, %swap3A_649, %swap3A_650], %select_n3A_645 {strides = array<i32>} : memref<4x8x16xf32, #tpu.memory_space<vmem>>, vector<16xf32>,
      %or3A_652 = arith.ori %eq3A_638, %eq3A_641 : vector<16xi1>
      %select_n3A_653 = arith.select %or3A_652, %broadcast_in_dim3A_6, %broadcast_in_dim3A_8 : vector<16xi1>, vector<16xi32>
      %max3A_654 = arith.maxsi %max3A_296, %select_n3A_653 : vector<16xi32>
      %eq3A_655 = arith.constant 4 : i32
      %eq3A_656 = vector.broadcast %eq3A_655 : i32 to vector<16xi32>
      %eq3A_657 = arith.cmpi eq, %select_n3A_499, %eq3A_656 : vector<16xi32>
      %eq3A_658 = arith.constant 4 : i32
      %eq3A_659 = vector.broadcast %eq3A_658 : i32 to vector<16xi32>
      %eq3A_660 = arith.cmpi eq, %select_n3A_572, %eq3A_659 : vector<16xi32>
      %jit3A_661 = arith.constant 0.000000e+00 : f32
      %broadcast_in_dim3A_662 = vector.broadcast %jit3A_661 : f32 to vector<16xf32>
      %select_n3A_663 = arith.select %eq3A_660, %div3A_578, %broadcast_in_dim3A_662 : vector<16xi1>, vector<16xf32>
      %select_n3A_664 = arith.select %eq3A_657, %div3A_576, %select_n3A_663 : vector<16xi1>, vector<16xf32>
      %swap3A_665 = arith.constant 1 : i32
      %swap3A_666 = arith.constant 4 : i32
      %swap3A_667 = arith.index_cast %swap3A_665 : i32 to index
      %swap3A_668 = arith.index_cast %swap3A_666 : i32 to index
      %swap3A_669 = arith.constant 0 : index
      %swap3A_670 = tpu.vector_load %arg7[%swap3A_667, %swap3A_668, %swap3A_669] {strides = array<i32>} : memref<4x8x16xf32, #tpu.memory_space<vmem>>, vector<16xf32>,
      tpu.vector_store %arg7[%swap3A_667, %swap3A_668, %swap3A_669], %select_n3A_664 {strides = array<i32>} : memref<4x8x16xf32, #tpu.memory_space<vmem>>, vector<16xf32>,
      %or3A_671 = arith.ori %eq3A_657, %eq3A_660 : vector<16xi1>
      %select_n3A_672 = arith.select %or3A_671, %broadcast_in_dim3A_6, %broadcast_in_dim3A_8 : vector<16xi1>, vector<16xi32>
      %max3A_673 = arith.maxsi %max3A_315, %select_n3A_672 : vector<16xi32>
      %eq3A_674 = arith.constant 5 : i32
      %eq3A_675 = vector.broadcast %eq3A_674 : i32 to vector<16xi32>
      %eq3A_676 = arith.cmpi eq, %select_n3A_499, %eq3A_675 : vector<16xi32>
      %eq3A_677 = arith.constant 5 : i32
      %eq3A_678 = vector.broadcast %eq3A_677 : i32 to vector<16xi32>
      %eq3A_679 = arith.cmpi eq, %select_n3A_572, %eq3A_678 : vector<16xi32>
      %jit3A_680 = arith.constant 0.000000e+00 : f32
      %broadcast_in_dim3A_681 = vector.broadcast %jit3A_680 : f32 to vector<16xf32>
      %select_n3A_682 = arith.select %eq3A_679, %div3A_578, %broadcast_in_dim3A_681 : vector<16xi1>, vector<16xf32>
      %select_n3A_683 = arith.select %eq3A_676, %div3A_576, %select_n3A_682 : vector<16xi1>, vector<16xf32>
      %swap3A_684 = arith.constant 1 : i32
      %swap3A_685 = arith.constant 5 : i32
      %swap3A_686 = arith.index_cast %swap3A_684 : i32 to index
      %swap3A_687 = arith.index_cast %swap3A_685 : i32 to index
      %swap3A_688 = arith.constant 0 : index
      %swap3A_689 = tpu.vector_load %arg7[%swap3A_686, %swap3A_687, %swap3A_688] {strides = array<i32>} : memref<4x8x16xf32, #tpu.memory_space<vmem>>, vector<16xf32>,
      tpu.vector_store %arg7[%swap3A_686, %swap3A_687, %swap3A_688], %select_n3A_683 {strides = array<i32>} : memref<4x8x16xf32, #tpu.memory_space<vmem>>, vector<16xf32>,
      %or3A_690 = arith.ori %eq3A_676, %eq3A_679 : vector<16xi1>
      %select_n3A_691 = arith.select %or3A_690, %broadcast_in_dim3A_6, %broadcast_in_dim3A_8 : vector<16xi1>, vector<16xi32>
      %max3A_692 = arith.maxsi %max3A_334, %select_n3A_691 : vector<16xi32>
      %eq3A_693 = arith.constant 6 : i32
      %eq3A_694 = vector.broadcast %eq3A_693 : i32 to vector<16xi32>
      %eq3A_695 = arith.cmpi eq, %select_n3A_499, %eq3A_694 : vector<16xi32>
      %eq3A_696 = arith.constant 6 : i32
      %eq3A_697 = vector.broadcast %eq3A_696 : i32 to vector<16xi32>
      %eq3A_698 = arith.cmpi eq, %select_n3A_572, %eq3A_697 : vector<16xi32>
      %jit3A_699 = arith.constant 0.000000e+00 : f32
      %broadcast_in_dim3A_700 = vector.broadcast %jit3A_699 : f32 to vector<16xf32>
      %select_n3A_701 = arith.select %eq3A_698, %div3A_578, %broadcast_in_dim3A_700 : vector<16xi1>, vector<16xf32>
      %select_n3A_702 = arith.select %eq3A_695, %div3A_576, %select_n3A_701 : vector<16xi1>, vector<16xf32>
      %swap3A_703 = arith.constant 1 : i32
      %swap3A_704 = arith.constant 6 : i32
      %swap3A_705 = arith.index_cast %swap3A_703 : i32 to index
      %swap3A_706 = arith.index_cast %swap3A_704 : i32 to index
      %swap3A_707 = arith.constant 0 : index
      %swap3A_708 = tpu.vector_load %arg7[%swap3A_705, %swap3A_706, %swap3A_707] {strides = array<i32>} : memref<4x8x16xf32, #tpu.memory_space<vmem>>, vector<16xf32>,
      tpu.vector_store %arg7[%swap3A_705, %swap3A_706, %swap3A_707], %select_n3A_702 {strides = array<i32>} : memref<4x8x16xf32, #tpu.memory_space<vmem>>, vector<16xf32>,
      %or3A_709 = arith.ori %eq3A_695, %eq3A_698 : vector<16xi1>
      %select_n3A_710 = arith.select %or3A_709, %broadcast_in_dim3A_6, %broadcast_in_dim3A_8 : vector<16xi1>, vector<16xi32>
      %max3A_711 = arith.maxsi %max3A_353, %select_n3A_710 : vector<16xi32>
      %eq3A_712 = arith.constant 7 : i32
      %eq3A_713 = vector.broadcast %eq3A_712 : i32 to vector<16xi32>
      %eq3A_714 = arith.cmpi eq, %select_n3A_499, %eq3A_713 : vector<16xi32>
      %eq3A_715 = arith.constant 7 : i32
      %eq3A_716 = vector.broadcast %eq3A_715 : i32 to vector<16xi32>
      %eq3A_717 = arith.cmpi eq, %select_n3A_572, %eq3A_716 : vector<16xi32>
      %jit3A_718 = arith.constant 0.000000e+00 : f32
      %broadcast_in_dim3A_719 = vector.broadcast %jit3A_718 : f32 to vector<16xf32>
      %select_n3A_720 = arith.select %eq3A_717, %div3A_578, %broadcast_in_dim3A_719 : vector<16xi1>, vector<16xf32>
      %select_n3A_721 = arith.select %eq3A_714, %div3A_576, %select_n3A_720 : vector<16xi1>, vector<16xf32>
      %swap3A_722 = arith.constant 1 : i32
      %swap3A_723 = arith.constant 7 : i32
      %swap3A_724 = arith.index_cast %swap3A_722 : i32 to index
      %swap3A_725 = arith.index_cast %swap3A_723 : i32 to index
      %swap3A_726 = arith.constant 0 : index
      %swap3A_727 = tpu.vector_load %arg7[%swap3A_724, %swap3A_725, %swap3A_726] {strides = array<i32>} : memref<4x8x16xf32, #tpu.memory_space<vmem>>, vector<16xf32>,
      tpu.vector_store %arg7[%swap3A_724, %swap3A_725, %swap3A_726], %select_n3A_721 {strides = array<i32>} : memref<4x8x16xf32, #tpu.memory_space<vmem>>, vector<16xf32>,
      %or3A_728 = arith.ori %eq3A_714, %eq3A_717 : vector<16xi1>
      %select_n3A_729 = arith.select %or3A_728, %broadcast_in_dim3A_6, %broadcast_in_dim3A_8 : vector<16xi1>, vector<16xi32>
      %max3A_730 = arith.maxsi %max3A_372, %select_n3A_729 : vector<16xi32>
      %get3A_731 = arith.constant 2 : i32
      %get3A_732 = arith.constant 0 : i32
      %get3A_733 = arith.index_cast %get3A_731 : i32 to index
      %get3A_734 = arith.index_cast %get3A_732 : i32 to index
      %get3A_735 = arith.constant 0 : index
      %get3A_736 = tpu.vector_load %arg6[%get3A_733, %get3A_734, %get3A_735] {strides = array<i32>} : memref<4x8x16xf32, #tpu.memory_space<vmem>>, vector<16xf32>,
      %get3A_737 = arith.constant 2 : i32
      %get3A_738 = arith.constant 1 : i32
      %get3A_739 = arith.index_cast %get3A_737 : i32 to index
      %get3A_740 = arith.index_cast %get3A_738 : i32 to index
      %get3A_741 = arith.constant 0 : index
      %get3A_742 = tpu.vector_load %arg6[%get3A_739, %get3A_740, %get3A_741] {strides = array<i32>} : memref<4x8x16xf32, #tpu.memory_space<vmem>>, vector<16xf32>,
      %get3A_743 = arith.constant 2 : i32
      %get3A_744 = arith.constant 2 : i32
      %get3A_745 = arith.index_cast %get3A_743 : i32 to index
      %get3A_746 = arith.index_cast %get3A_744 : i32 to index
      %get3A_747 = arith.constant 0 : index
      %get3A_748 = tpu.vector_load %arg6[%get3A_745, %get3A_746, %get3A_747] {strides = array<i32>} : memref<4x8x16xf32, #tpu.memory_space<vmem>>, vector<16xf32>,
      %get3A_749 = arith.constant 2 : i32
      %get3A_750 = arith.constant 3 : i32
      %get3A_751 = arith.index_cast %get3A_749 : i32 to index
      %get3A_752 = arith.index_cast %get3A_750 : i32 to index
      %get3A_753 = arith.constant 0 : index
      %get3A_754 = tpu.vector_load %arg6[%get3A_751, %get3A_752, %get3A_753] {strides = array<i32>} : memref<4x8x16xf32, #tpu.memory_space<vmem>>, vector<16xf32>,
      %get3A_755 = arith.constant 2 : i32
      %get3A_756 = arith.constant 4 : i32
      %get3A_757 = arith.index_cast %get3A_755 : i32 to index
      %get3A_758 = arith.index_cast %get3A_756 : i32 to index
      %get3A_759 = arith.constant 0 : index
      %get3A_760 = tpu.vector_load %arg6[%get3A_757, %get3A_758, %get3A_759] {strides = array<i32>} : memref<4x8x16xf32, #tpu.memory_space<vmem>>, vector<16xf32>,
      %get3A_761 = arith.constant 2 : i32
      %get3A_762 = arith.constant 5 : i32
      %get3A_763 = arith.index_cast %get3A_761 : i32 to index
      %get3A_764 = arith.index_cast %get3A_762 : i32 to index
      %get3A_765 = arith.constant 0 : index
      %get3A_766 = tpu.vector_load %arg6[%get3A_763, %get3A_764, %get3A_765] {strides = array<i32>} : memref<4x8x16xf32, #tpu.memory_space<vmem>>, vector<16xf32>,
      %get3A_767 = arith.constant 2 : i32
      %get3A_768 = arith.constant 6 : i32
      %get3A_769 = arith.index_cast %get3A_767 : i32 to index
      %get3A_770 = arith.index_cast %get3A_768 : i32 to index
      %get3A_771 = arith.constant 0 : index
      %get3A_772 = tpu.vector_load %arg6[%get3A_769, %get3A_770, %get3A_771] {strides = array<i32>} : memref<4x8x16xf32, #tpu.memory_space<vmem>>, vector<16xf32>,
      %get3A_773 = arith.constant 2 : i32
      %get3A_774 = arith.constant 7 : i32
      %get3A_775 = arith.index_cast %get3A_773 : i32 to index
      %get3A_776 = arith.index_cast %get3A_774 : i32 to index
      %get3A_777 = arith.constant 0 : index
      %get3A_778 = tpu.vector_load %arg6[%get3A_775, %get3A_776, %get3A_777] {strides = array<i32>} : memref<4x8x16xf32, #tpu.memory_space<vmem>>, vector<16xf32>,
      %max3A_779 = arith.maximumf %get3A_736, %get3A_742 : vector<16xf32>
      %max3A_780 = arith.maximumf %max3A_779, %get3A_748 : vector<16xf32>
      %max3A_781 = arith.maximumf %max3A_780, %get3A_754 : vector<16xf32>
      %max3A_782 = arith.maximumf %max3A_781, %get3A_760 : vector<16xf32>
      %max3A_783 = arith.maximumf %max3A_782, %get3A_766 : vector<16xf32>
      %max3A_784 = arith.maximumf %max3A_783, %get3A_772 : vector<16xf32>
      %max3A_785 = arith.maximumf %max3A_784, %get3A_778 : vector<16xf32>
      %sub3A_786 = arith.subf %get3A_736, %max3A_785 : vector<16xf32>
      %exp3A_787 = math.exp %sub3A_786 : vector<16xf32>
      %sub3A_788 = arith.subf %get3A_742, %max3A_785 : vector<16xf32>
      %exp3A_789 = math.exp %sub3A_788 : vector<16xf32>
      %sub3A_790 = arith.subf %get3A_748, %max3A_785 : vector<16xf32>
      %exp3A_791 = math.exp %sub3A_790 : vector<16xf32>
      %sub3A_792 = arith.subf %get3A_754, %max3A_785 : vector<16xf32>
      %exp3A_793 = math.exp %sub3A_792 : vector<16xf32>
      %sub3A_794 = arith.subf %get3A_760, %max3A_785 : vector<16xf32>
      %exp3A_795 = math.exp %sub3A_794 : vector<16xf32>
      %sub3A_796 = arith.subf %get3A_766, %max3A_785 : vector<16xf32>
      %exp3A_797 = math.exp %sub3A_796 : vector<16xf32>
      %sub3A_798 = arith.subf %get3A_772, %max3A_785 : vector<16xf32>
      %exp3A_799 = math.exp %sub3A_798 : vector<16xf32>
      %sub3A_800 = arith.subf %get3A_778, %max3A_785 : vector<16xf32>
      %exp3A_801 = math.exp %sub3A_800 : vector<16xf32>
      %add3A_802 = arith.addf %exp3A_787, %exp3A_789 : vector<16xf32>
      %add3A_803 = arith.addf %add3A_802, %exp3A_791 : vector<16xf32>
      %add3A_804 = arith.addf %add3A_803, %exp3A_793 : vector<16xf32>
      %add3A_805 = arith.addf %add3A_804, %exp3A_795 : vector<16xf32>
      %add3A_806 = arith.addf %add3A_805, %exp3A_797 : vector<16xf32>
      %add3A_807 = arith.addf %add3A_806, %exp3A_799 : vector<16xf32>
      %add3A_808 = arith.addf %add3A_807, %exp3A_801 : vector<16xf32>
      %div3A_809 = arith.divf %exp3A_787, %add3A_808 : vector<16xf32>
      %div3A_810 = arith.divf %exp3A_789, %add3A_808 : vector<16xf32>
      %div3A_811 = arith.divf %exp3A_791, %add3A_808 : vector<16xf32>
      %div3A_812 = arith.divf %exp3A_793, %add3A_808 : vector<16xf32>
      %div3A_813 = arith.divf %exp3A_795, %add3A_808 : vector<16xf32>
      %div3A_814 = arith.divf %exp3A_797, %add3A_808 : vector<16xf32>
      %div3A_815 = arith.divf %exp3A_799, %add3A_808 : vector<16xf32>
      %div3A_816 = arith.divf %exp3A_801, %add3A_808 : vector<16xf32>
      %max3A_817 = arith.maximumf %div3A_809, %div3A_810 : vector<16xf32>
      %max3A_818 = arith.maximumf %max3A_817, %div3A_811 : vector<16xf32>
      %max3A_819 = arith.maximumf %max3A_818, %div3A_812 : vector<16xf32>
      %max3A_820 = arith.maximumf %max3A_819, %div3A_813 : vector<16xf32>
      %max3A_821 = arith.maximumf %max3A_820, %div3A_814 : vector<16xf32>
      %max3A_822 = arith.maximumf %max3A_821, %div3A_815 : vector<16xf32>
      %max3A_823 = arith.maximumf %max3A_822, %div3A_816 : vector<16xf32>
      %broadcast_in_dim3A_824 = arith.constant 8 : i32
      %broadcast_in_dim3A_825 = vector.broadcast %broadcast_in_dim3A_824 : i32 to vector<16xi32>
      %eq3A_826 = arith.cmpf oeq, %div3A_816, %max3A_823 : vector<16xf32>
      %broadcast_in_dim3A_827 = arith.constant 7 : i32
      %broadcast_in_dim3A_828 = vector.broadcast %broadcast_in_dim3A_827 : i32 to vector<16xi32>
      %select_n3A_829 = arith.select %eq3A_826, %broadcast_in_dim3A_828, %broadcast_in_dim3A_825 : vector<16xi1>, vector<16xi32>
      %eq3A_830 = arith.cmpf oeq, %div3A_815, %max3A_823 : vector<16xf32>
      %broadcast_in_dim3A_831 = arith.constant 6 : i32
      %broadcast_in_dim3A_832 = vector.broadcast %broadcast_in_dim3A_831 : i32 to vector<16xi32>
      %select_n3A_833 = arith.select %eq3A_830, %broadcast_in_dim3A_832, %select_n3A_829 : vector<16xi1>, vector<16xi32>
      %eq3A_834 = arith.cmpf oeq, %div3A_814, %max3A_823 : vector<16xf32>
      %broadcast_in_dim3A_835 = arith.constant 5 : i32
      %broadcast_in_dim3A_836 = vector.broadcast %broadcast_in_dim3A_835 : i32 to vector<16xi32>
      %select_n3A_837 = arith.select %eq3A_834, %broadcast_in_dim3A_836, %select_n3A_833 : vector<16xi1>, vector<16xi32>
      %eq3A_838 = arith.cmpf oeq, %div3A_813, %max3A_823 : vector<16xf32>
      %broadcast_in_dim3A_839 = arith.constant 4 : i32
      %broadcast_in_dim3A_840 = vector.broadcast %broadcast_in_dim3A_839 : i32 to vector<16xi32>
      %select_n3A_841 = arith.select %eq3A_838, %broadcast_in_dim3A_840, %select_n3A_837 : vector<16xi1>, vector<16xi32>
      %eq3A_842 = arith.cmpf oeq, %div3A_812, %max3A_823 : vector<16xf32>
      %broadcast_in_dim3A_843 = arith.constant 3 : i32
      %broadcast_in_dim3A_844 = vector.broadcast %broadcast_in_dim3A_843 : i32 to vector<16xi32>
      %select_n3A_845 = arith.select %eq3A_842, %broadcast_in_dim3A_844, %select_n3A_841 : vector<16xi1>, vector<16xi32>
      %eq3A_846 = arith.cmpf oeq, %div3A_811, %max3A_823 : vector<16xf32>
      %broadcast_in_dim3A_847 = arith.constant 2 : i32
      %broadcast_in_dim3A_848 = vector.broadcast %broadcast_in_dim3A_847 : i32 to vector<16xi32>
      %select_n3A_849 = arith.select %eq3A_846, %broadcast_in_dim3A_848, %select_n3A_845 : vector<16xi1>, vector<16xi32>
      %eq3A_850 = arith.cmpf oeq, %div3A_810, %max3A_823 : vector<16xf32>
      %broadcast_in_dim3A_851 = arith.constant 1 : i32
      %broadcast_in_dim3A_852 = vector.broadcast %broadcast_in_dim3A_851 : i32 to vector<16xi32>
      %select_n3A_853 = arith.select %eq3A_850, %broadcast_in_dim3A_852, %select_n3A_849 : vector<16xi1>, vector<16xi32>
      %eq3A_854 = arith.cmpf oeq, %div3A_809, %max3A_823 : vector<16xf32>
      %broadcast_in_dim3A_855 = arith.constant 0 : i32
      %broadcast_in_dim3A_856 = vector.broadcast %broadcast_in_dim3A_855 : i32 to vector<16xi32>
      %select_n3A_857 = arith.select %eq3A_854, %broadcast_in_dim3A_856, %select_n3A_853 : vector<16xi1>, vector<16xi32>
      %eq3A_858 = arith.constant 0 : i32
      %eq3A_859 = vector.broadcast %eq3A_858 : i32 to vector<16xi32>
      %eq3A_860 = arith.cmpi eq, %select_n3A_857, %eq3A_859 : vector<16xi32>
      %select_n3A_861 = arith.select %eq3A_860, %broadcast_in_dim3A_4, %div3A_809 : vector<16xi1>, vector<16xf32>
      %eq3A_862 = arith.constant 1 : i32
      %eq3A_863 = vector.broadcast %eq3A_862 : i32 to vector<16xi32>
      %eq3A_864 = arith.cmpi eq, %select_n3A_857, %eq3A_863 : vector<16xi32>
      %select_n3A_865 = arith.select %eq3A_864, %broadcast_in_dim3A_4, %div3A_810 : vector<16xi1>, vector<16xf32>
      %eq3A_866 = arith.constant 2 : i32
      %eq3A_867 = vector.broadcast %eq3A_866 : i32 to vector<16xi32>
      %eq3A_868 = arith.cmpi eq, %select_n3A_857, %eq3A_867 : vector<16xi32>
      %select_n3A_869 = arith.select %eq3A_868, %broadcast_in_dim3A_4, %div3A_811 : vector<16xi1>, vector<16xf32>
      %eq3A_870 = arith.constant 3 : i32
      %eq3A_871 = vector.broadcast %eq3A_870 : i32 to vector<16xi32>
      %eq3A_872 = arith.cmpi eq, %select_n3A_857, %eq3A_871 : vector<16xi32>
      %select_n3A_873 = arith.select %eq3A_872, %broadcast_in_dim3A_4, %div3A_812 : vector<16xi1>, vector<16xf32>
      %eq3A_874 = arith.constant 4 : i32
      %eq3A_875 = vector.broadcast %eq3A_874 : i32 to vector<16xi32>
      %eq3A_876 = arith.cmpi eq, %select_n3A_857, %eq3A_875 : vector<16xi32>
      %select_n3A_877 = arith.select %eq3A_876, %broadcast_in_dim3A_4, %div3A_813 : vector<16xi1>, vector<16xf32>
      %eq3A_878 = arith.constant 5 : i32
      %eq3A_879 = vector.broadcast %eq3A_878 : i32 to vector<16xi32>
      %eq3A_880 = arith.cmpi eq, %select_n3A_857, %eq3A_879 : vector<16xi32>
      %select_n3A_881 = arith.select %eq3A_880, %broadcast_in_dim3A_4, %div3A_814 : vector<16xi1>, vector<16xf32>
      %eq3A_882 = arith.constant 6 : i32
      %eq3A_883 = vector.broadcast %eq3A_882 : i32 to vector<16xi32>
      %eq3A_884 = arith.cmpi eq, %select_n3A_857, %eq3A_883 : vector<16xi32>
      %select_n3A_885 = arith.select %eq3A_884, %broadcast_in_dim3A_4, %div3A_815 : vector<16xi1>, vector<16xf32>
      %eq3A_886 = arith.constant 7 : i32
      %eq3A_887 = vector.broadcast %eq3A_886 : i32 to vector<16xi32>
      %eq3A_888 = arith.cmpi eq, %select_n3A_857, %eq3A_887 : vector<16xi32>
      %select_n3A_889 = arith.select %eq3A_888, %broadcast_in_dim3A_4, %div3A_816 : vector<16xi1>, vector<16xf32>
      %max3A_890 = arith.maximumf %select_n3A_861, %select_n3A_865 : vector<16xf32>
      %max3A_891 = arith.maximumf %max3A_890, %select_n3A_869 : vector<16xf32>
      %max3A_892 = arith.maximumf %max3A_891, %select_n3A_873 : vector<16xf32>
      %max3A_893 = arith.maximumf %max3A_892, %select_n3A_877 : vector<16xf32>
      %max3A_894 = arith.maximumf %max3A_893, %select_n3A_881 : vector<16xf32>
      %max3A_895 = arith.maximumf %max3A_894, %select_n3A_885 : vector<16xf32>
      %max3A_896 = arith.maximumf %max3A_895, %select_n3A_889 : vector<16xf32>
      %broadcast_in_dim3A_897 = arith.constant 8 : i32
      %broadcast_in_dim3A_898 = vector.broadcast %broadcast_in_dim3A_897 : i32 to vector<16xi32>
      %eq3A_899 = arith.cmpf oeq, %select_n3A_889, %max3A_896 : vector<16xf32>
      %broadcast_in_dim3A_900 = arith.constant 7 : i32
      %broadcast_in_dim3A_901 = vector.broadcast %broadcast_in_dim3A_900 : i32 to vector<16xi32>
      %select_n3A_902 = arith.select %eq3A_899, %broadcast_in_dim3A_901, %broadcast_in_dim3A_898 : vector<16xi1>, vector<16xi32>
      %eq3A_903 = arith.cmpf oeq, %select_n3A_885, %max3A_896 : vector<16xf32>
      %broadcast_in_dim3A_904 = arith.constant 6 : i32
      %broadcast_in_dim3A_905 = vector.broadcast %broadcast_in_dim3A_904 : i32 to vector<16xi32>
      %select_n3A_906 = arith.select %eq3A_903, %broadcast_in_dim3A_905, %select_n3A_902 : vector<16xi1>, vector<16xi32>
      %eq3A_907 = arith.cmpf oeq, %select_n3A_881, %max3A_896 : vector<16xf32>
      %broadcast_in_dim3A_908 = arith.constant 5 : i32
      %broadcast_in_dim3A_909 = vector.broadcast %broadcast_in_dim3A_908 : i32 to vector<16xi32>
      %select_n3A_910 = arith.select %eq3A_907, %broadcast_in_dim3A_909, %select_n3A_906 : vector<16xi1>, vector<16xi32>
      %eq3A_911 = arith.cmpf oeq, %select_n3A_877, %max3A_896 : vector<16xf32>
      %broadcast_in_dim3A_912 = arith.constant 4 : i32
      %broadcast_in_dim3A_913 = vector.broadcast %broadcast_in_dim3A_912 : i32 to vector<16xi32>
      %select_n3A_914 = arith.select %eq3A_911, %broadcast_in_dim3A_913, %select_n3A_910 : vector<16xi1>, vector<16xi32>
      %eq3A_915 = arith.cmpf oeq, %select_n3A_873, %max3A_896 : vector<16xf32>
      %broadcast_in_dim3A_916 = arith.constant 3 : i32
      %broadcast_in_dim3A_917 = vector.broadcast %broadcast_in_dim3A_916 : i32 to vector<16xi32>
      %select_n3A_918 = arith.select %eq3A_915, %broadcast_in_dim3A_917, %select_n3A_914 : vector<16xi1>, vector<16xi32>
      %eq3A_919 = arith.cmpf oeq, %select_n3A_869, %max3A_896 : vector<16xf32>
      %broadcast_in_dim3A_920 = arith.constant 2 : i32
      %broadcast_in_dim3A_921 = vector.broadcast %broadcast_in_dim3A_920 : i32 to vector<16xi32>
      %select_n3A_922 = arith.select %eq3A_919, %broadcast_in_dim3A_921, %select_n3A_918 : vector<16xi1>, vector<16xi32>
      %eq3A_923 = arith.cmpf oeq, %select_n3A_865, %max3A_896 : vector<16xf32>
      %broadcast_in_dim3A_924 = arith.constant 1 : i32
      %broadcast_in_dim3A_925 = vector.broadcast %broadcast_in_dim3A_924 : i32 to vector<16xi32>
      %select_n3A_926 = arith.select %eq3A_923, %broadcast_in_dim3A_925, %select_n3A_922 : vector<16xi1>, vector<16xi32>
      %eq3A_927 = arith.cmpf oeq, %select_n3A_861, %max3A_896 : vector<16xf32>
      %broadcast_in_dim3A_928 = arith.constant 0 : i32
      %broadcast_in_dim3A_929 = vector.broadcast %broadcast_in_dim3A_928 : i32 to vector<16xi32>
      %select_n3A_930 = arith.select %eq3A_927, %broadcast_in_dim3A_929, %select_n3A_926 : vector<16xi1>, vector<16xi32>
      %exp3A_931 = math.exp %max3A_823 : vector<16xf32>
      %exp3A_932 = math.exp %max3A_896 : vector<16xf32>
      %add3A_933 = arith.addf %exp3A_931, %exp3A_932 : vector<16xf32>
      %div3A_934 = arith.divf %exp3A_931, %add3A_933 : vector<16xf32>
      %add3A_935 = arith.addf %exp3A_931, %exp3A_932 : vector<16xf32>
      %div3A_936 = arith.divf %exp3A_932, %add3A_935 : vector<16xf32>
      %eq3A_937 = arith.constant 0 : i32
      %eq3A_938 = vector.broadcast %eq3A_937 : i32 to vector<16xi32>
      %eq3A_939 = arith.cmpi eq, %select_n3A_857, %eq3A_938 : vector<16xi32>
      %eq3A_940 = arith.constant 0 : i32
      %eq3A_941 = vector.broadcast %eq3A_940 : i32 to vector<16xi32>
      %eq3A_942 = arith.cmpi eq, %select_n3A_930, %eq3A_941 : vector<16xi32>
      %jit3A_943 = arith.constant 0.000000e+00 : f32
      %broadcast_in_dim3A_944 = vector.broadcast %jit3A_943 : f32 to vector<16xf32>
      %select_n3A_945 = arith.select %eq3A_942, %div3A_936, %broadcast_in_dim3A_944 : vector<16xi1>, vector<16xf32>
      %select_n3A_946 = arith.select %eq3A_939, %div3A_934, %select_n3A_945 : vector<16xi1>, vector<16xf32>
      %swap3A_947 = arith.constant 2 : i32
      %swap3A_948 = arith.constant 0 : i32
      %swap3A_949 = arith.index_cast %swap3A_947 : i32 to index
      %swap3A_950 = arith.index_cast %swap3A_948 : i32 to index
      %swap3A_951 = arith.constant 0 : index
      %swap3A_952 = tpu.vector_load %arg7[%swap3A_949, %swap3A_950, %swap3A_951] {strides = array<i32>} : memref<4x8x16xf32, #tpu.memory_space<vmem>>, vector<16xf32>,
      tpu.vector_store %arg7[%swap3A_949, %swap3A_950, %swap3A_951], %select_n3A_946 {strides = array<i32>} : memref<4x8x16xf32, #tpu.memory_space<vmem>>, vector<16xf32>,
      %or3A_953 = arith.ori %eq3A_939, %eq3A_942 : vector<16xi1>
      %select_n3A_954 = arith.select %or3A_953, %broadcast_in_dim3A_6, %broadcast_in_dim3A_8 : vector<16xi1>, vector<16xi32>
      %max3A_955 = arith.maxsi %max3A_597, %select_n3A_954 : vector<16xi32>
      %eq3A_956 = arith.constant 1 : i32
      %eq3A_957 = vector.broadcast %eq3A_956 : i32 to vector<16xi32>
      %eq3A_958 = arith.cmpi eq, %select_n3A_857, %eq3A_957 : vector<16xi32>
      %eq3A_959 = arith.constant 1 : i32
      %eq3A_960 = vector.broadcast %eq3A_959 : i32 to vector<16xi32>
      %eq3A_961 = arith.cmpi eq, %select_n3A_930, %eq3A_960 : vector<16xi32>
      %jit3A_962 = arith.constant 0.000000e+00 : f32
      %broadcast_in_dim3A_963 = vector.broadcast %jit3A_962 : f32 to vector<16xf32>
      %select_n3A_964 = arith.select %eq3A_961, %div3A_936, %broadcast_in_dim3A_963 : vector<16xi1>, vector<16xf32>
      %select_n3A_965 = arith.select %eq3A_958, %div3A_934, %select_n3A_964 : vector<16xi1>, vector<16xf32>
      %swap3A_966 = arith.constant 2 : i32
      %swap3A_967 = arith.constant 1 : i32
      %swap3A_968 = arith.index_cast %swap3A_966 : i32 to index
      %swap3A_969 = arith.index_cast %swap3A_967 : i32 to index
      %swap3A_970 = arith.constant 0 : index
      %swap3A_971 = tpu.vector_load %arg7[%swap3A_968, %swap3A_969, %swap3A_970] {strides = array<i32>} : memref<4x8x16xf32, #tpu.memory_space<vmem>>, vector<16xf32>,
      tpu.vector_store %arg7[%swap3A_968, %swap3A_969, %swap3A_970], %select_n3A_965 {strides = array<i32>} : memref<4x8x16xf32, #tpu.memory_space<vmem>>, vector<16xf32>,
      %or3A_972 = arith.ori %eq3A_958, %eq3A_961 : vector<16xi1>
      %select_n3A_973 = arith.select %or3A_972, %broadcast_in_dim3A_6, %broadcast_in_dim3A_8 : vector<16xi1>, vector<16xi32>
      %max3A_974 = arith.maxsi %max3A_616, %select_n3A_973 : vector<16xi32>
      %eq3A_975 = arith.constant 2 : i32
      %eq3A_976 = vector.broadcast %eq3A_975 : i32 to vector<16xi32>
      %eq3A_977 = arith.cmpi eq, %select_n3A_857, %eq3A_976 : vector<16xi32>
      %eq3A_978 = arith.constant 2 : i32
      %eq3A_979 = vector.broadcast %eq3A_978 : i32 to vector<16xi32>
      %eq3A_980 = arith.cmpi eq, %select_n3A_930, %eq3A_979 : vector<16xi32>
      %jit3A_981 = arith.constant 0.000000e+00 : f32
      %broadcast_in_dim3A_982 = vector.broadcast %jit3A_981 : f32 to vector<16xf32>
      %select_n3A_983 = arith.select %eq3A_980, %div3A_936, %broadcast_in_dim3A_982 : vector<16xi1>, vector<16xf32>
      %select_n3A_984 = arith.select %eq3A_977, %div3A_934, %select_n3A_983 : vector<16xi1>, vector<16xf32>
      %swap3A_985 = arith.constant 2 : i32
      %swap3A_986 = arith.constant 2 : i32
      %swap3A_987 = arith.index_cast %swap3A_985 : i32 to index
      %swap3A_988 = arith.index_cast %swap3A_986 : i32 to index
      %swap3A_989 = arith.constant 0 : index
      %swap3A_990 = tpu.vector_load %arg7[%swap3A_987, %swap3A_988, %swap3A_989] {strides = array<i32>} : memref<4x8x16xf32, #tpu.memory_space<vmem>>, vector<16xf32>,
      tpu.vector_store %arg7[%swap3A_987, %swap3A_988, %swap3A_989], %select_n3A_984 {strides = array<i32>} : memref<4x8x16xf32, #tpu.memory_space<vmem>>, vector<16xf32>,
      %or3A_991 = arith.ori %eq3A_977, %eq3A_980 : vector<16xi1>
      %select_n3A_992 = arith.select %or3A_991, %broadcast_in_dim3A_6, %broadcast_in_dim3A_8 : vector<16xi1>, vector<16xi32>
      %max3A_993 = arith.maxsi %max3A_635, %select_n3A_992 : vector<16xi32>
      %eq3A_994 = arith.constant 3 : i32
      %eq3A_995 = vector.broadcast %eq3A_994 : i32 to vector<16xi32>
      %eq3A_996 = arith.cmpi eq, %select_n3A_857, %eq3A_995 : vector<16xi32>
      %eq3A_997 = arith.constant 3 : i32
      %eq3A_998 = vector.broadcast %eq3A_997 : i32 to vector<16xi32>
      %eq3A_999 = arith.cmpi eq, %select_n3A_930, %eq3A_998 : vector<16xi32>
      %jit3A_1000 = arith.constant 0.000000e+00 : f32
      %broadcast_in_dim3A_1001 = vector.broadcast %jit3A_1000 : f32 to vector<16xf32>
      %select_n3A_1002 = arith.select %eq3A_999, %div3A_936, %broadcast_in_dim3A_1001 : vector<16xi1>, vector<16xf32>
      %select_n3A_1003 = arith.select %eq3A_996, %div3A_934, %select_n3A_1002 : vector<16xi1>, vector<16xf32>
      %swap3A_1004 = arith.constant 2 : i32
      %swap3A_1005 = arith.constant 3 : i32
      %swap3A_1006 = arith.index_cast %swap3A_1004 : i32 to index
      %swap3A_1007 = arith.index_cast %swap3A_1005 : i32 to index
      %swap3A_1008 = arith.constant 0 : index
      %swap3A_1009 = tpu.vector_load %arg7[%swap3A_1006, %swap3A_1007, %swap3A_1008] {strides = array<i32>} : memref<4x8x16xf32, #tpu.memory_space<vmem>>, vector<16xf32>,
      tpu.vector_store %arg7[%swap3A_1006, %swap3A_1007, %swap3A_1008], %select_n3A_1003 {strides = array<i32>} : memref<4x8x16xf32, #tpu.memory_space<vmem>>, vector<16xf32>,
      %or3A_1010 = arith.ori %eq3A_996, %eq3A_999 : vector<16xi1>
      %select_n3A_1011 = arith.select %or3A_1010, %broadcast_in_dim3A_6, %broadcast_in_dim3A_8 : vector<16xi1>, vector<16xi32>
      %max3A_1012 = arith.maxsi %max3A_654, %select_n3A_1011 : vector<16xi32>
      %eq3A_1013 = arith.constant 4 : i32
      %eq3A_1014 = vector.broadcast %eq3A_1013 : i32 to vector<16xi32>
      %eq3A_1015 = arith.cmpi eq, %select_n3A_857, %eq3A_1014 : vector<16xi32>
      %eq3A_1016 = arith.constant 4 : i32
      %eq3A_1017 = vector.broadcast %eq3A_1016 : i32 to vector<16xi32>
      %eq3A_1018 = arith.cmpi eq, %select_n3A_930, %eq3A_1017 : vector<16xi32>
      %jit3A_1019 = arith.constant 0.000000e+00 : f32
      %broadcast_in_dim3A_1020 = vector.broadcast %jit3A_1019 : f32 to vector<16xf32>
      %select_n3A_1021 = arith.select %eq3A_1018, %div3A_936, %broadcast_in_dim3A_1020 : vector<16xi1>, vector<16xf32>
      %select_n3A_1022 = arith.select %eq3A_1015, %div3A_934, %select_n3A_1021 : vector<16xi1>, vector<16xf32>
      %swap3A_1023 = arith.constant 2 : i32
      %swap3A_1024 = arith.constant 4 : i32
      %swap3A_1025 = arith.index_cast %swap3A_1023 : i32 to index
      %swap3A_1026 = arith.index_cast %swap3A_1024 : i32 to index
      %swap3A_1027 = arith.constant 0 : index
      %swap3A_1028 = tpu.vector_load %arg7[%swap3A_1025, %swap3A_1026, %swap3A_1027] {strides = array<i32>} : memref<4x8x16xf32, #tpu.memory_space<vmem>>, vector<16xf32>,
      tpu.vector_store %arg7[%swap3A_1025, %swap3A_1026, %swap3A_1027], %select_n3A_1022 {strides = array<i32>} : memref<4x8x16xf32, #tpu.memory_space<vmem>>, vector<16xf32>,
      %or3A_1029 = arith.ori %eq3A_1015, %eq3A_1018 : vector<16xi1>
      %select_n3A_1030 = arith.select %or3A_1029, %broadcast_in_dim3A_6, %broadcast_in_dim3A_8 : vector<16xi1>, vector<16xi32>
      %max3A_1031 = arith.maxsi %max3A_673, %select_n3A_1030 : vector<16xi32>
      %eq3A_1032 = arith.constant 5 : i32
      %eq3A_1033 = vector.broadcast %eq3A_1032 : i32 to vector<16xi32>
      %eq3A_1034 = arith.cmpi eq, %select_n3A_857, %eq3A_1033 : vector<16xi32>
      %eq3A_1035 = arith.constant 5 : i32
      %eq3A_1036 = vector.broadcast %eq3A_1035 : i32 to vector<16xi32>
      %eq3A_1037 = arith.cmpi eq, %select_n3A_930, %eq3A_1036 : vector<16xi32>
      %jit3A_1038 = arith.constant 0.000000e+00 : f32
      %broadcast_in_dim3A_1039 = vector.broadcast %jit3A_1038 : f32 to vector<16xf32>
      %select_n3A_1040 = arith.select %eq3A_1037, %div3A_936, %broadcast_in_dim3A_1039 : vector<16xi1>, vector<16xf32>
      %select_n3A_1041 = arith.select %eq3A_1034, %div3A_934, %select_n3A_1040 : vector<16xi1>, vector<16xf32>
      %swap3A_1042 = arith.constant 2 : i32
      %swap3A_1043 = arith.constant 5 : i32
      %swap3A_1044 = arith.index_cast %swap3A_1042 : i32 to index
      %swap3A_1045 = arith.index_cast %swap3A_1043 : i32 to index
      %swap3A_1046 = arith.constant 0 : index
      %swap3A_1047 = tpu.vector_load %arg7[%swap3A_1044, %swap3A_1045, %swap3A_1046] {strides = array<i32>} : memref<4x8x16xf32, #tpu.memory_space<vmem>>, vector<16xf32>,
      tpu.vector_store %arg7[%swap3A_1044, %swap3A_1045, %swap3A_1046], %select_n3A_1041 {strides = array<i32>} : memref<4x8x16xf32, #tpu.memory_space<vmem>>, vector<16xf32>,
      %or3A_1048 = arith.ori %eq3A_1034, %eq3A_1037 : vector<16xi1>
      %select_n3A_1049 = arith.select %or3A_1048, %broadcast_in_dim3A_6, %broadcast_in_dim3A_8 : vector<16xi1>, vector<16xi32>
      %max3A_1050 = arith.maxsi %max3A_692, %select_n3A_1049 : vector<16xi32>
      %eq3A_1051 = arith.constant 6 : i32
      %eq3A_1052 = vector.broadcast %eq3A_1051 : i32 to vector<16xi32>
      %eq3A_1053 = arith.cmpi eq, %select_n3A_857, %eq3A_1052 : vector<16xi32>
      %eq3A_1054 = arith.constant 6 : i32
      %eq3A_1055 = vector.broadcast %eq3A_1054 : i32 to vector<16xi32>
      %eq3A_1056 = arith.cmpi eq, %select_n3A_930, %eq3A_1055 : vector<16xi32>
      %jit3A_1057 = arith.constant 0.000000e+00 : f32
      %broadcast_in_dim3A_1058 = vector.broadcast %jit3A_1057 : f32 to vector<16xf32>
      %select_n3A_1059 = arith.select %eq3A_1056, %div3A_936, %broadcast_in_dim3A_1058 : vector<16xi1>, vector<16xf32>
      %select_n3A_1060 = arith.select %eq3A_1053, %div3A_934, %select_n3A_1059 : vector<16xi1>, vector<16xf32>
      %swap3A_1061 = arith.constant 2 : i32
      %swap3A_1062 = arith.constant 6 : i32
      %swap3A_1063 = arith.index_cast %swap3A_1061 : i32 to index
      %swap3A_1064 = arith.index_cast %swap3A_1062 : i32 to index
      %swap3A_1065 = arith.constant 0 : index
      %swap3A_1066 = tpu.vector_load %arg7[%swap3A_1063, %swap3A_1064, %swap3A_1065] {strides = array<i32>} : memref<4x8x16xf32, #tpu.memory_space<vmem>>, vector<16xf32>,
      tpu.vector_store %arg7[%swap3A_1063, %swap3A_1064, %swap3A_1065], %select_n3A_1060 {strides = array<i32>} : memref<4x8x16xf32, #tpu.memory_space<vmem>>, vector<16xf32>,
      %or3A_1067 = arith.ori %eq3A_1053, %eq3A_1056 : vector<16xi1>
      %select_n3A_1068 = arith.select %or3A_1067, %broadcast_in_dim3A_6, %broadcast_in_dim3A_8 : vector<16xi1>, vector<16xi32>
      %max3A_1069 = arith.maxsi %max3A_711, %select_n3A_1068 : vector<16xi32>
      %eq3A_1070 = arith.constant 7 : i32
      %eq3A_1071 = vector.broadcast %eq3A_1070 : i32 to vector<16xi32>
      %eq3A_1072 = arith.cmpi eq, %select_n3A_857, %eq3A_1071 : vector<16xi32>
      %eq3A_1073 = arith.constant 7 : i32
      %eq3A_1074 = vector.broadcast %eq3A_1073 : i32 to vector<16xi32>
      %eq3A_1075 = arith.cmpi eq, %select_n3A_930, %eq3A_1074 : vector<16xi32>
      %jit3A_1076 = arith.constant 0.000000e+00 : f32
      %broadcast_in_dim3A_1077 = vector.broadcast %jit3A_1076 : f32 to vector<16xf32>
      %select_n3A_1078 = arith.select %eq3A_1075, %div3A_936, %broadcast_in_dim3A_1077 : vector<16xi1>, vector<16xf32>
      %select_n3A_1079 = arith.select %eq3A_1072, %div3A_934, %select_n3A_1078 : vector<16xi1>, vector<16xf32>
      %swap3A_1080 = arith.constant 2 : i32
      %swap3A_1081 = arith.constant 7 : i32
      %swap3A_1082 = arith.index_cast %swap3A_1080 : i32 to index
      %swap3A_1083 = arith.index_cast %swap3A_1081 : i32 to index
      %swap3A_1084 = arith.constant 0 : index
      %swap3A_1085 = tpu.vector_load %arg7[%swap3A_1082, %swap3A_1083, %swap3A_1084] {strides = array<i32>} : memref<4x8x16xf32, #tpu.memory_space<vmem>>, vector<16xf32>,
      tpu.vector_store %arg7[%swap3A_1082, %swap3A_1083, %swap3A_1084], %select_n3A_1079 {strides = array<i32>} : memref<4x8x16xf32, #tpu.memory_space<vmem>>, vector<16xf32>,
      %or3A_1086 = arith.ori %eq3A_1072, %eq3A_1075 : vector<16xi1>
      %select_n3A_1087 = arith.select %or3A_1086, %broadcast_in_dim3A_6, %broadcast_in_dim3A_8 : vector<16xi1>, vector<16xi32>
      %max3A_1088 = arith.maxsi %max3A_730, %select_n3A_1087 : vector<16xi32>
      %get3A_1089 = arith.constant 3 : i32
      %get3A_1090 = arith.constant 0 : i32
      %get3A_1091 = arith.index_cast %get3A_1089 : i32 to index
      %get3A_1092 = arith.index_cast %get3A_1090 : i32 to index
      %get3A_1093 = arith.constant 0 : index
      %get3A_1094 = tpu.vector_load %arg6[%get3A_1091, %get3A_1092, %get3A_1093] {strides = array<i32>} : memref<4x8x16xf32, #tpu.memory_space<vmem>>, vector<16xf32>,
      %get3A_1095 = arith.constant 3 : i32
      %get3A_1096 = arith.constant 1 : i32
      %get3A_1097 = arith.index_cast %get3A_1095 : i32 to index
      %get3A_1098 = arith.index_cast %get3A_1096 : i32 to index
      %get3A_1099 = arith.constant 0 : index
      %get3A_1100 = tpu.vector_load %arg6[%get3A_1097, %get3A_1098, %get3A_1099] {strides = array<i32>} : memref<4x8x16xf32, #tpu.memory_space<vmem>>, vector<16xf32>,
      %get3A_1101 = arith.constant 3 : i32
      %get3A_1102 = arith.constant 2 : i32
      %get3A_1103 = arith.index_cast %get3A_1101 : i32 to index
      %get3A_1104 = arith.index_cast %get3A_1102 : i32 to index
      %get3A_1105 = arith.constant 0 : index
      %get3A_1106 = tpu.vector_load %arg6[%get3A_1103, %get3A_1104, %get3A_1105] {strides = array<i32>} : memref<4x8x16xf32, #tpu.memory_space<vmem>>, vector<16xf32>,
      %get3A_1107 = arith.constant 3 : i32
      %get3A_1108 = arith.constant 3 : i32
      %get3A_1109 = arith.index_cast %get3A_1107 : i32 to index
      %get3A_1110 = arith.index_cast %get3A_1108 : i32 to index
      %get3A_1111 = arith.constant 0 : index
      %get3A_1112 = tpu.vector_load %arg6[%get3A_1109, %get3A_1110, %get3A_1111] {strides = array<i32>} : memref<4x8x16xf32, #tpu.memory_space<vmem>>, vector<16xf32>,
      %get3A_1113 = arith.constant 3 : i32
      %get3A_1114 = arith.constant 4 : i32
      %get3A_1115 = arith.index_cast %get3A_1113 : i32 to index
      %get3A_1116 = arith.index_cast %get3A_1114 : i32 to index
      %get3A_1117 = arith.constant 0 : index
      %get3A_1118 = tpu.vector_load %arg6[%get3A_1115, %get3A_1116, %get3A_1117] {strides = array<i32>} : memref<4x8x16xf32, #tpu.memory_space<vmem>>, vector<16xf32>,
      %get3A_1119 = arith.constant 3 : i32
      %get3A_1120 = arith.constant 5 : i32
      %get3A_1121 = arith.index_cast %get3A_1119 : i32 to index
      %get3A_1122 = arith.index_cast %get3A_1120 : i32 to index
      %get3A_1123 = arith.constant 0 : index
      %get3A_1124 = tpu.vector_load %arg6[%get3A_1121, %get3A_1122, %get3A_1123] {strides = array<i32>} : memref<4x8x16xf32, #tpu.memory_space<vmem>>, vector<16xf32>,
      %get3A_1125 = arith.constant 3 : i32
      %get3A_1126 = arith.constant 6 : i32
      %get3A_1127 = arith.index_cast %get3A_1125 : i32 to index
      %get3A_1128 = arith.index_cast %get3A_1126 : i32 to index
      %get3A_1129 = arith.constant 0 : index
      %get3A_1130 = tpu.vector_load %arg6[%get3A_1127, %get3A_1128, %get3A_1129] {strides = array<i32>} : memref<4x8x16xf32, #tpu.memory_space<vmem>>, vector<16xf32>,
      %get3A_1131 = arith.constant 3 : i32
      %get3A_1132 = arith.constant 7 : i32
      %get3A_1133 = arith.index_cast %get3A_1131 : i32 to index
      %get3A_1134 = arith.index_cast %get3A_1132 : i32 to index
      %get3A_1135 = arith.constant 0 : index
      %get3A_1136 = tpu.vector_load %arg6[%get3A_1133, %get3A_1134, %get3A_1135] {strides = array<i32>} : memref<4x8x16xf32, #tpu.memory_space<vmem>>, vector<16xf32>,
      %max3A_1137 = arith.maximumf %get3A_1094, %get3A_1100 : vector<16xf32>
      %max3A_1138 = arith.maximumf %max3A_1137, %get3A_1106 : vector<16xf32>
      %max3A_1139 = arith.maximumf %max3A_1138, %get3A_1112 : vector<16xf32>
      %max3A_1140 = arith.maximumf %max3A_1139, %get3A_1118 : vector<16xf32>
      %max3A_1141 = arith.maximumf %max3A_1140, %get3A_1124 : vector<16xf32>
      %max3A_1142 = arith.maximumf %max3A_1141, %get3A_1130 : vector<16xf32>
      %max3A_1143 = arith.maximumf %max3A_1142, %get3A_1136 : vector<16xf32>
      %sub3A_1144 = arith.subf %get3A_1094, %max3A_1143 : vector<16xf32>
      %exp3A_1145 = math.exp %sub3A_1144 : vector<16xf32>
      %sub3A_1146 = arith.subf %get3A_1100, %max3A_1143 : vector<16xf32>
      %exp3A_1147 = math.exp %sub3A_1146 : vector<16xf32>
      %sub3A_1148 = arith.subf %get3A_1106, %max3A_1143 : vector<16xf32>
      %exp3A_1149 = math.exp %sub3A_1148 : vector<16xf32>
      %sub3A_1150 = arith.subf %get3A_1112, %max3A_1143 : vector<16xf32>
      %exp3A_1151 = math.exp %sub3A_1150 : vector<16xf32>
      %sub3A_1152 = arith.subf %get3A_1118, %max3A_1143 : vector<16xf32>
      %exp3A_1153 = math.exp %sub3A_1152 : vector<16xf32>
      %sub3A_1154 = arith.subf %get3A_1124, %max3A_1143 : vector<16xf32>
      %exp3A_1155 = math.exp %sub3A_1154 : vector<16xf32>
      %sub3A_1156 = arith.subf %get3A_1130, %max3A_1143 : vector<16xf32>
      %exp3A_1157 = math.exp %sub3A_1156 : vector<16xf32>
      %sub3A_1158 = arith.subf %get3A_1136, %max3A_1143 : vector<16xf32>
      %exp3A_1159 = math.exp %sub3A_1158 : vector<16xf32>
      %add3A_1160 = arith.addf %exp3A_1145, %exp3A_1147 : vector<16xf32>
      %add3A_1161 = arith.addf %add3A_1160, %exp3A_1149 : vector<16xf32>
      %add3A_1162 = arith.addf %add3A_1161, %exp3A_1151 : vector<16xf32>
      %add3A_1163 = arith.addf %add3A_1162, %exp3A_1153 : vector<16xf32>
      %add3A_1164 = arith.addf %add3A_1163, %exp3A_1155 : vector<16xf32>
      %add3A_1165 = arith.addf %add3A_1164, %exp3A_1157 : vector<16xf32>
      %add3A_1166 = arith.addf %add3A_1165, %exp3A_1159 : vector<16xf32>
      %div3A_1167 = arith.divf %exp3A_1145, %add3A_1166 : vector<16xf32>
      %div3A_1168 = arith.divf %exp3A_1147, %add3A_1166 : vector<16xf32>
      %div3A_1169 = arith.divf %exp3A_1149, %add3A_1166 : vector<16xf32>
      %div3A_1170 = arith.divf %exp3A_1151, %add3A_1166 : vector<16xf32>
      %div3A_1171 = arith.divf %exp3A_1153, %add3A_1166 : vector<16xf32>
      %div3A_1172 = arith.divf %exp3A_1155, %add3A_1166 : vector<16xf32>
      %div3A_1173 = arith.divf %exp3A_1157, %add3A_1166 : vector<16xf32>
      %div3A_1174 = arith.divf %exp3A_1159, %add3A_1166 : vector<16xf32>
      %max3A_1175 = arith.maximumf %div3A_1167, %div3A_1168 : vector<16xf32>
      %max3A_1176 = arith.maximumf %max3A_1175, %div3A_1169 : vector<16xf32>
      %max3A_1177 = arith.maximumf %max3A_1176, %div3A_1170 : vector<16xf32>
      %max3A_1178 = arith.maximumf %max3A_1177, %div3A_1171 : vector<16xf32>
      %max3A_1179 = arith.maximumf %max3A_1178, %div3A_1172 : vector<16xf32>
      %max3A_1180 = arith.maximumf %max3A_1179, %div3A_1173 : vector<16xf32>
      %max3A_1181 = arith.maximumf %max3A_1180, %div3A_1174 : vector<16xf32>
      %broadcast_in_dim3A_1182 = arith.constant 8 : i32
      %broadcast_in_dim3A_1183 = vector.broadcast %broadcast_in_dim3A_1182 : i32 to vector<16xi32>
      %eq3A_1184 = arith.cmpf oeq, %div3A_1174, %max3A_1181 : vector<16xf32>
      %broadcast_in_dim3A_1185 = arith.constant 7 : i32
      %broadcast_in_dim3A_1186 = vector.broadcast %broadcast_in_dim3A_1185 : i32 to vector<16xi32>
      %select_n3A_1187 = arith.select %eq3A_1184, %broadcast_in_dim3A_1186, %broadcast_in_dim3A_1183 : vector<16xi1>, vector<16xi32>
      %eq3A_1188 = arith.cmpf oeq, %div3A_1173, %max3A_1181 : vector<16xf32>
      %broadcast_in_dim3A_1189 = arith.constant 6 : i32
      %broadcast_in_dim3A_1190 = vector.broadcast %broadcast_in_dim3A_1189 : i32 to vector<16xi32>
      %select_n3A_1191 = arith.select %eq3A_1188, %broadcast_in_dim3A_1190, %select_n3A_1187 : vector<16xi1>, vector<16xi32>
      %eq3A_1192 = arith.cmpf oeq, %div3A_1172, %max3A_1181 : vector<16xf32>
      %broadcast_in_dim3A_1193 = arith.constant 5 : i32
      %broadcast_in_dim3A_1194 = vector.broadcast %broadcast_in_dim3A_1193 : i32 to vector<16xi32>
      %select_n3A_1195 = arith.select %eq3A_1192, %broadcast_in_dim3A_1194, %select_n3A_1191 : vector<16xi1>, vector<16xi32>
      %eq3A_1196 = arith.cmpf oeq, %div3A_1171, %max3A_1181 : vector<16xf32>
      %broadcast_in_dim3A_1197 = arith.constant 4 : i32
      %broadcast_in_dim3A_1198 = vector.broadcast %broadcast_in_dim3A_1197 : i32 to vector<16xi32>
      %select_n3A_1199 = arith.select %eq3A_1196, %broadcast_in_dim3A_1198, %select_n3A_1195 : vector<16xi1>, vector<16xi32>
      %eq3A_1200 = arith.cmpf oeq, %div3A_1170, %max3A_1181 : vector<16xf32>
      %broadcast_in_dim3A_1201 = arith.constant 3 : i32
      %broadcast_in_dim3A_1202 = vector.broadcast %broadcast_in_dim3A_1201 : i32 to vector<16xi32>
      %select_n3A_1203 = arith.select %eq3A_1200, %broadcast_in_dim3A_1202, %select_n3A_1199 : vector<16xi1>, vector<16xi32>
      %eq3A_1204 = arith.cmpf oeq, %div3A_1169, %max3A_1181 : vector<16xf32>
      %broadcast_in_dim3A_1205 = arith.constant 2 : i32
      %broadcast_in_dim3A_1206 = vector.broadcast %broadcast_in_dim3A_1205 : i32 to vector<16xi32>
      %select_n3A_1207 = arith.select %eq3A_1204, %broadcast_in_dim3A_1206, %select_n3A_1203 : vector<16xi1>, vector<16xi32>
      %eq3A_1208 = arith.cmpf oeq, %div3A_1168, %max3A_1181 : vector<16xf32>
      %broadcast_in_dim3A_1209 = arith.constant 1 : i32
      %broadcast_in_dim3A_1210 = vector.broadcast %broadcast_in_dim3A_1209 : i32 to vector<16xi32>
      %select_n3A_1211 = arith.select %eq3A_1208, %broadcast_in_dim3A_1210, %select_n3A_1207 : vector<16xi1>, vector<16xi32>
      %eq3A_1212 = arith.cmpf oeq, %div3A_1167, %max3A_1181 : vector<16xf32>
      %broadcast_in_dim3A_1213 = arith.constant 0 : i32
      %broadcast_in_dim3A_1214 = vector.broadcast %broadcast_in_dim3A_1213 : i32 to vector<16xi32>
      %select_n3A_1215 = arith.select %eq3A_1212, %broadcast_in_dim3A_1214, %select_n3A_1211 : vector<16xi1>, vector<16xi32>
      %eq3A_1216 = arith.constant 0 : i32
      %eq3A_1217 = vector.broadcast %eq3A_1216 : i32 to vector<16xi32>
      %eq3A_1218 = arith.cmpi eq, %select_n3A_1215, %eq3A_1217 : vector<16xi32>
      %select_n3A_1219 = arith.select %eq3A_1218, %broadcast_in_dim3A_4, %div3A_1167 : vector<16xi1>, vector<16xf32>
      %eq3A_1220 = arith.constant 1 : i32
      %eq3A_1221 = vector.broadcast %eq3A_1220 : i32 to vector<16xi32>
      %eq3A_1222 = arith.cmpi eq, %select_n3A_1215, %eq3A_1221 : vector<16xi32>
      %select_n3A_1223 = arith.select %eq3A_1222, %broadcast_in_dim3A_4, %div3A_1168 : vector<16xi1>, vector<16xf32>
      %eq3A_1224 = arith.constant 2 : i32
      %eq3A_1225 = vector.broadcast %eq3A_1224 : i32 to vector<16xi32>
      %eq3A_1226 = arith.cmpi eq, %select_n3A_1215, %eq3A_1225 : vector<16xi32>
      %select_n3A_1227 = arith.select %eq3A_1226, %broadcast_in_dim3A_4, %div3A_1169 : vector<16xi1>, vector<16xf32>
      %eq3A_1228 = arith.constant 3 : i32
      %eq3A_1229 = vector.broadcast %eq3A_1228 : i32 to vector<16xi32>
      %eq3A_1230 = arith.cmpi eq, %select_n3A_1215, %eq3A_1229 : vector<16xi32>
      %select_n3A_1231 = arith.select %eq3A_1230, %broadcast_in_dim3A_4, %div3A_1170 : vector<16xi1>, vector<16xf32>
      %eq3A_1232 = arith.constant 4 : i32
      %eq3A_1233 = vector.broadcast %eq3A_1232 : i32 to vector<16xi32>
      %eq3A_1234 = arith.cmpi eq, %select_n3A_1215, %eq3A_1233 : vector<16xi32>
      %select_n3A_1235 = arith.select %eq3A_1234, %broadcast_in_dim3A_4, %div3A_1171 : vector<16xi1>, vector<16xf32>
      %eq3A_1236 = arith.constant 5 : i32
      %eq3A_1237 = vector.broadcast %eq3A_1236 : i32 to vector<16xi32>
      %eq3A_1238 = arith.cmpi eq, %select_n3A_1215, %eq3A_1237 : vector<16xi32>
      %select_n3A_1239 = arith.select %eq3A_1238, %broadcast_in_dim3A_4, %div3A_1172 : vector<16xi1>, vector<16xf32>
      %eq3A_1240 = arith.constant 6 : i32
      %eq3A_1241 = vector.broadcast %eq3A_1240 : i32 to vector<16xi32>
      %eq3A_1242 = arith.cmpi eq, %select_n3A_1215, %eq3A_1241 : vector<16xi32>
      %select_n3A_1243 = arith.select %eq3A_1242, %broadcast_in_dim3A_4, %div3A_1173 : vector<16xi1>, vector<16xf32>
      %eq3A_1244 = arith.constant 7 : i32
      %eq3A_1245 = vector.broadcast %eq3A_1244 : i32 to vector<16xi32>
      %eq3A_1246 = arith.cmpi eq, %select_n3A_1215, %eq3A_1245 : vector<16xi32>
      %select_n3A_1247 = arith.select %eq3A_1246, %broadcast_in_dim3A_4, %div3A_1174 : vector<16xi1>, vector<16xf32>
      %max3A_1248 = arith.maximumf %select_n3A_1219, %select_n3A_1223 : vector<16xf32>
      %max3A_1249 = arith.maximumf %max3A_1248, %select_n3A_1227 : vector<16xf32>
      %max3A_1250 = arith.maximumf %max3A_1249, %select_n3A_1231 : vector<16xf32>
      %max3A_1251 = arith.maximumf %max3A_1250, %select_n3A_1235 : vector<16xf32>
      %max3A_1252 = arith.maximumf %max3A_1251, %select_n3A_1239 : vector<16xf32>
      %max3A_1253 = arith.maximumf %max3A_1252, %select_n3A_1243 : vector<16xf32>
      %max3A_1254 = arith.maximumf %max3A_1253, %select_n3A_1247 : vector<16xf32>
      %broadcast_in_dim3A_1255 = arith.constant 8 : i32
      %broadcast_in_dim3A_1256 = vector.broadcast %broadcast_in_dim3A_1255 : i32 to vector<16xi32>
      %eq3A_1257 = arith.cmpf oeq, %select_n3A_1247, %max3A_1254 : vector<16xf32>
      %broadcast_in_dim3A_1258 = arith.constant 7 : i32
      %broadcast_in_dim3A_1259 = vector.broadcast %broadcast_in_dim3A_1258 : i32 to vector<16xi32>
      %select_n3A_1260 = arith.select %eq3A_1257, %broadcast_in_dim3A_1259, %broadcast_in_dim3A_1256 : vector<16xi1>, vector<16xi32>
      %eq3A_1261 = arith.cmpf oeq, %select_n3A_1243, %max3A_1254 : vector<16xf32>
      %broadcast_in_dim3A_1262 = arith.constant 6 : i32
      %broadcast_in_dim3A_1263 = vector.broadcast %broadcast_in_dim3A_1262 : i32 to vector<16xi32>
      %select_n3A_1264 = arith.select %eq3A_1261, %broadcast_in_dim3A_1263, %select_n3A_1260 : vector<16xi1>, vector<16xi32>
      %eq3A_1265 = arith.cmpf oeq, %select_n3A_1239, %max3A_1254 : vector<16xf32>
      %broadcast_in_dim3A_1266 = arith.constant 5 : i32
      %broadcast_in_dim3A_1267 = vector.broadcast %broadcast_in_dim3A_1266 : i32 to vector<16xi32>
      %select_n3A_1268 = arith.select %eq3A_1265, %broadcast_in_dim3A_1267, %select_n3A_1264 : vector<16xi1>, vector<16xi32>
      %eq3A_1269 = arith.cmpf oeq, %select_n3A_1235, %max3A_1254 : vector<16xf32>
      %broadcast_in_dim3A_1270 = arith.constant 4 : i32
      %broadcast_in_dim3A_1271 = vector.broadcast %broadcast_in_dim3A_1270 : i32 to vector<16xi32>
      %select_n3A_1272 = arith.select %eq3A_1269, %broadcast_in_dim3A_1271, %select_n3A_1268 : vector<16xi1>, vector<16xi32>
      %eq3A_1273 = arith.cmpf oeq, %select_n3A_1231, %max3A_1254 : vector<16xf32>
      %broadcast_in_dim3A_1274 = arith.constant 3 : i32
      %broadcast_in_dim3A_1275 = vector.broadcast %broadcast_in_dim3A_1274 : i32 to vector<16xi32>
      %select_n3A_1276 = arith.select %eq3A_1273, %broadcast_in_dim3A_1275, %select_n3A_1272 : vector<16xi1>, vector<16xi32>
      %eq3A_1277 = arith.cmpf oeq, %select_n3A_1227, %max3A_1254 : vector<16xf32>
      %broadcast_in_dim3A_1278 = arith.constant 2 : i32
      %broadcast_in_dim3A_1279 = vector.broadcast %broadcast_in_dim3A_1278 : i32 to vector<16xi32>
      %select_n3A_1280 = arith.select %eq3A_1277, %broadcast_in_dim3A_1279, %select_n3A_1276 : vector<16xi1>, vector<16xi32>
      %eq3A_1281 = arith.cmpf oeq, %select_n3A_1223, %max3A_1254 : vector<16xf32>
      %broadcast_in_dim3A_1282 = arith.constant 1 : i32
      %broadcast_in_dim3A_1283 = vector.broadcast %broadcast_in_dim3A_1282 : i32 to vector<16xi32>
      %select_n3A_1284 = arith.select %eq3A_1281, %broadcast_in_dim3A_1283, %select_n3A_1280 : vector<16xi1>, vector<16xi32>
      %eq3A_1285 = arith.cmpf oeq, %select_n3A_1219, %max3A_1254 : vector<16xf32>
      %broadcast_in_dim3A_1286 = arith.constant 0 : i32
      %broadcast_in_dim3A_1287 = vector.broadcast %broadcast_in_dim3A_1286 : i32 to vector<16xi32>
      %select_n3A_1288 = arith.select %eq3A_1285, %broadcast_in_dim3A_1287, %select_n3A_1284 : vector<16xi1>, vector<16xi32>
      %exp3A_1289 = math.exp %max3A_1181 : vector<16xf32>
      %exp3A_1290 = math.exp %max3A_1254 : vector<16xf32>
      %add3A_1291 = arith.addf %exp3A_1289, %exp3A_1290 : vector<16xf32>
      %div3A_1292 = arith.divf %exp3A_1289, %add3A_1291 : vector<16xf32>
      %add3A_1293 = arith.addf %exp3A_1289, %exp3A_1290 : vector<16xf32>
      %div3A_1294 = arith.divf %exp3A_1290, %add3A_1293 : vector<16xf32>
      %eq3A_1295 = arith.constant 0 : i32
      %eq3A_1296 = vector.broadcast %eq3A_1295 : i32 to vector<16xi32>
      %eq3A_1297 = arith.cmpi eq, %select_n3A_1215, %eq3A_1296 : vector<16xi32>
      %eq3A_1298 = arith.constant 0 : i32
      %eq3A_1299 = vector.broadcast %eq3A_1298 : i32 to vector<16xi32>
      %eq3A_1300 = arith.cmpi eq, %select_n3A_1288, %eq3A_1299 : vector<16xi32>
      %jit3A_1301 = arith.constant 0.000000e+00 : f32
      %broadcast_in_dim3A_1302 = vector.broadcast %jit3A_1301 : f32 to vector<16xf32>
      %select_n3A_1303 = arith.select %eq3A_1300, %div3A_1294, %broadcast_in_dim3A_1302 : vector<16xi1>, vector<16xf32>
      %select_n3A_1304 = arith.select %eq3A_1297, %div3A_1292, %select_n3A_1303 : vector<16xi1>, vector<16xf32>
      %swap3A_1305 = arith.constant 3 : i32
      %swap3A_1306 = arith.constant 0 : i32
      %swap3A_1307 = arith.index_cast %swap3A_1305 : i32 to index
      %swap3A_1308 = arith.index_cast %swap3A_1306 : i32 to index
      %swap3A_1309 = arith.constant 0 : index
      %swap3A_1310 = tpu.vector_load %arg7[%swap3A_1307, %swap3A_1308, %swap3A_1309] {strides = array<i32>} : memref<4x8x16xf32, #tpu.memory_space<vmem>>, vector<16xf32>,
      tpu.vector_store %arg7[%swap3A_1307, %swap3A_1308, %swap3A_1309], %select_n3A_1304 {strides = array<i32>} : memref<4x8x16xf32, #tpu.memory_space<vmem>>, vector<16xf32>,
      %or3A_1311 = arith.ori %eq3A_1297, %eq3A_1300 : vector<16xi1>
      %select_n3A_1312 = arith.select %or3A_1311, %broadcast_in_dim3A_6, %broadcast_in_dim3A_8 : vector<16xi1>, vector<16xi32>
      %max3A_1313 = arith.maxsi %max3A_955, %select_n3A_1312 : vector<16xi32>
      %eq3A_1314 = arith.constant 1 : i32
      %eq3A_1315 = vector.broadcast %eq3A_1314 : i32 to vector<16xi32>
      %eq3A_1316 = arith.cmpi eq, %select_n3A_1215, %eq3A_1315 : vector<16xi32>
      %eq3A_1317 = arith.constant 1 : i32
      %eq3A_1318 = vector.broadcast %eq3A_1317 : i32 to vector<16xi32>
      %eq3A_1319 = arith.cmpi eq, %select_n3A_1288, %eq3A_1318 : vector<16xi32>
      %jit3A_1320 = arith.constant 0.000000e+00 : f32
      %broadcast_in_dim3A_1321 = vector.broadcast %jit3A_1320 : f32 to vector<16xf32>
      %select_n3A_1322 = arith.select %eq3A_1319, %div3A_1294, %broadcast_in_dim3A_1321 : vector<16xi1>, vector<16xf32>
      %select_n3A_1323 = arith.select %eq3A_1316, %div3A_1292, %select_n3A_1322 : vector<16xi1>, vector<16xf32>
      %swap3A_1324 = arith.constant 3 : i32
      %swap3A_1325 = arith.constant 1 : i32
      %swap3A_1326 = arith.index_cast %swap3A_1324 : i32 to index
      %swap3A_1327 = arith.index_cast %swap3A_1325 : i32 to index
      %swap3A_1328 = arith.constant 0 : index
      %swap3A_1329 = tpu.vector_load %arg7[%swap3A_1326, %swap3A_1327, %swap3A_1328] {strides = array<i32>} : memref<4x8x16xf32, #tpu.memory_space<vmem>>, vector<16xf32>,
      tpu.vector_store %arg7[%swap3A_1326, %swap3A_1327, %swap3A_1328], %select_n3A_1323 {strides = array<i32>} : memref<4x8x16xf32, #tpu.memory_space<vmem>>, vector<16xf32>,
      %or3A_1330 = arith.ori %eq3A_1316, %eq3A_1319 : vector<16xi1>
      %select_n3A_1331 = arith.select %or3A_1330, %broadcast_in_dim3A_6, %broadcast_in_dim3A_8 : vector<16xi1>, vector<16xi32>
      %max3A_1332 = arith.maxsi %max3A_974, %select_n3A_1331 : vector<16xi32>
      %eq3A_1333 = arith.constant 2 : i32
      %eq3A_1334 = vector.broadcast %eq3A_1333 : i32 to vector<16xi32>
      %eq3A_1335 = arith.cmpi eq, %select_n3A_1215, %eq3A_1334 : vector<16xi32>
      %eq3A_1336 = arith.constant 2 : i32
      %eq3A_1337 = vector.broadcast %eq3A_1336 : i32 to vector<16xi32>
      %eq3A_1338 = arith.cmpi eq, %select_n3A_1288, %eq3A_1337 : vector<16xi32>
      %jit3A_1339 = arith.constant 0.000000e+00 : f32
      %broadcast_in_dim3A_1340 = vector.broadcast %jit3A_1339 : f32 to vector<16xf32>
      %select_n3A_1341 = arith.select %eq3A_1338, %div3A_1294, %broadcast_in_dim3A_1340 : vector<16xi1>, vector<16xf32>
      %select_n3A_1342 = arith.select %eq3A_1335, %div3A_1292, %select_n3A_1341 : vector<16xi1>, vector<16xf32>
      %swap3A_1343 = arith.constant 3 : i32
      %swap3A_1344 = arith.constant 2 : i32
      %swap3A_1345 = arith.index_cast %swap3A_1343 : i32 to index
      %swap3A_1346 = arith.index_cast %swap3A_1344 : i32 to index
      %swap3A_1347 = arith.constant 0 : index
      %swap3A_1348 = tpu.vector_load %arg7[%swap3A_1345, %swap3A_1346, %swap3A_1347] {strides = array<i32>} : memref<4x8x16xf32, #tpu.memory_space<vmem>>, vector<16xf32>,
      tpu.vector_store %arg7[%swap3A_1345, %swap3A_1346, %swap3A_1347], %select_n3A_1342 {strides = array<i32>} : memref<4x8x16xf32, #tpu.memory_space<vmem>>, vector<16xf32>,
      %or3A_1349 = arith.ori %eq3A_1335, %eq3A_1338 : vector<16xi1>
      %select_n3A_1350 = arith.select %or3A_1349, %broadcast_in_dim3A_6, %broadcast_in_dim3A_8 : vector<16xi1>, vector<16xi32>
      %max3A_1351 = arith.maxsi %max3A_993, %select_n3A_1350 : vector<16xi32>
      %eq3A_1352 = arith.constant 3 : i32
      %eq3A_1353 = vector.broadcast %eq3A_1352 : i32 to vector<16xi32>
      %eq3A_1354 = arith.cmpi eq, %select_n3A_1215, %eq3A_1353 : vector<16xi32>
      %eq3A_1355 = arith.constant 3 : i32
      %eq3A_1356 = vector.broadcast %eq3A_1355 : i32 to vector<16xi32>
      %eq3A_1357 = arith.cmpi eq, %select_n3A_1288, %eq3A_1356 : vector<16xi32>
      %jit3A_1358 = arith.constant 0.000000e+00 : f32
      %broadcast_in_dim3A_1359 = vector.broadcast %jit3A_1358 : f32 to vector<16xf32>
      %select_n3A_1360 = arith.select %eq3A_1357, %div3A_1294, %broadcast_in_dim3A_1359 : vector<16xi1>, vector<16xf32>
      %select_n3A_1361 = arith.select %eq3A_1354, %div3A_1292, %select_n3A_1360 : vector<16xi1>, vector<16xf32>
      %swap3A_1362 = arith.constant 3 : i32
      %swap3A_1363 = arith.constant 3 : i32
      %swap3A_1364 = arith.index_cast %swap3A_1362 : i32 to index
      %swap3A_1365 = arith.index_cast %swap3A_1363 : i32 to index
      %swap3A_1366 = arith.constant 0 : index
      %swap3A_1367 = tpu.vector_load %arg7[%swap3A_1364, %swap3A_1365, %swap3A_1366] {strides = array<i32>} : memref<4x8x16xf32, #tpu.memory_space<vmem>>, vector<16xf32>,
      tpu.vector_store %arg7[%swap3A_1364, %swap3A_1365, %swap3A_1366], %select_n3A_1361 {strides = array<i32>} : memref<4x8x16xf32, #tpu.memory_space<vmem>>, vector<16xf32>,
      %or3A_1368 = arith.ori %eq3A_1354, %eq3A_1357 : vector<16xi1>
      %select_n3A_1369 = arith.select %or3A_1368, %broadcast_in_dim3A_6, %broadcast_in_dim3A_8 : vector<16xi1>, vector<16xi32>
      %max3A_1370 = arith.maxsi %max3A_1012, %select_n3A_1369 : vector<16xi32>
      %eq3A_1371 = arith.constant 4 : i32
      %eq3A_1372 = vector.broadcast %eq3A_1371 : i32 to vector<16xi32>
      %eq3A_1373 = arith.cmpi eq, %select_n3A_1215, %eq3A_1372 : vector<16xi32>
      %eq3A_1374 = arith.constant 4 : i32
      %eq3A_1375 = vector.broadcast %eq3A_1374 : i32 to vector<16xi32>
      %eq3A_1376 = arith.cmpi eq, %select_n3A_1288, %eq3A_1375 : vector<16xi32>
      %jit3A_1377 = arith.constant 0.000000e+00 : f32
      %broadcast_in_dim3A_1378 = vector.broadcast %jit3A_1377 : f32 to vector<16xf32>
      %select_n3A_1379 = arith.select %eq3A_1376, %div3A_1294, %broadcast_in_dim3A_1378 : vector<16xi1>, vector<16xf32>
      %select_n3A_1380 = arith.select %eq3A_1373, %div3A_1292, %select_n3A_1379 : vector<16xi1>, vector<16xf32>
      %swap3A_1381 = arith.constant 3 : i32
      %swap3A_1382 = arith.constant 4 : i32
      %swap3A_1383 = arith.index_cast %swap3A_1381 : i32 to index
      %swap3A_1384 = arith.index_cast %swap3A_1382 : i32 to index
      %swap3A_1385 = arith.constant 0 : index
      %swap3A_1386 = tpu.vector_load %arg7[%swap3A_1383, %swap3A_1384, %swap3A_1385] {strides = array<i32>} : memref<4x8x16xf32, #tpu.memory_space<vmem>>, vector<16xf32>,
      tpu.vector_store %arg7[%swap3A_1383, %swap3A_1384, %swap3A_1385], %select_n3A_1380 {strides = array<i32>} : memref<4x8x16xf32, #tpu.memory_space<vmem>>, vector<16xf32>,
      %or3A_1387 = arith.ori %eq3A_1373, %eq3A_1376 : vector<16xi1>
      %select_n3A_1388 = arith.select %or3A_1387, %broadcast_in_dim3A_6, %broadcast_in_dim3A_8 : vector<16xi1>, vector<16xi32>
      %max3A_1389 = arith.maxsi %max3A_1031, %select_n3A_1388 : vector<16xi32>
      %eq3A_1390 = arith.constant 5 : i32
      %eq3A_1391 = vector.broadcast %eq3A_1390 : i32 to vector<16xi32>
      %eq3A_1392 = arith.cmpi eq, %select_n3A_1215, %eq3A_1391 : vector<16xi32>
      %eq3A_1393 = arith.constant 5 : i32
      %eq3A_1394 = vector.broadcast %eq3A_1393 : i32 to vector<16xi32>
      %eq3A_1395 = arith.cmpi eq, %select_n3A_1288, %eq3A_1394 : vector<16xi32>
      %jit3A_1396 = arith.constant 0.000000e+00 : f32
      %broadcast_in_dim3A_1397 = vector.broadcast %jit3A_1396 : f32 to vector<16xf32>
      %select_n3A_1398 = arith.select %eq3A_1395, %div3A_1294, %broadcast_in_dim3A_1397 : vector<16xi1>, vector<16xf32>
      %select_n3A_1399 = arith.select %eq3A_1392, %div3A_1292, %select_n3A_1398 : vector<16xi1>, vector<16xf32>
      %swap3A_1400 = arith.constant 3 : i32
      %swap3A_1401 = arith.constant 5 : i32
      %swap3A_1402 = arith.index_cast %swap3A_1400 : i32 to index
      %swap3A_1403 = arith.index_cast %swap3A_1401 : i32 to index
      %swap3A_1404 = arith.constant 0 : index
      %swap3A_1405 = tpu.vector_load %arg7[%swap3A_1402, %swap3A_1403, %swap3A_1404] {strides = array<i32>} : memref<4x8x16xf32, #tpu.memory_space<vmem>>, vector<16xf32>,
      tpu.vector_store %arg7[%swap3A_1402, %swap3A_1403, %swap3A_1404], %select_n3A_1399 {strides = array<i32>} : memref<4x8x16xf32, #tpu.memory_space<vmem>>, vector<16xf32>,
      %or3A_1406 = arith.ori %eq3A_1392, %eq3A_1395 : vector<16xi1>
      %select_n3A_1407 = arith.select %or3A_1406, %broadcast_in_dim3A_6, %broadcast_in_dim3A_8 : vector<16xi1>, vector<16xi32>
      %max3A_1408 = arith.maxsi %max3A_1050, %select_n3A_1407 : vector<16xi32>
      %eq3A_1409 = arith.constant 6 : i32
      %eq3A_1410 = vector.broadcast %eq3A_1409 : i32 to vector<16xi32>
      %eq3A_1411 = arith.cmpi eq, %select_n3A_1215, %eq3A_1410 : vector<16xi32>
      %eq3A_1412 = arith.constant 6 : i32
      %eq3A_1413 = vector.broadcast %eq3A_1412 : i32 to vector<16xi32>
      %eq3A_1414 = arith.cmpi eq, %select_n3A_1288, %eq3A_1413 : vector<16xi32>
      %jit3A_1415 = arith.constant 0.000000e+00 : f32
      %broadcast_in_dim3A_1416 = vector.broadcast %jit3A_1415 : f32 to vector<16xf32>
      %select_n3A_1417 = arith.select %eq3A_1414, %div3A_1294, %broadcast_in_dim3A_1416 : vector<16xi1>, vector<16xf32>
      %select_n3A_1418 = arith.select %eq3A_1411, %div3A_1292, %select_n3A_1417 : vector<16xi1>, vector<16xf32>
      %swap3A_1419 = arith.constant 3 : i32
      %swap3A_1420 = arith.constant 6 : i32
      %swap3A_1421 = arith.index_cast %swap3A_1419 : i32 to index
      %swap3A_1422 = arith.index_cast %swap3A_1420 : i32 to index
      %swap3A_1423 = arith.constant 0 : index
      %swap3A_1424 = tpu.vector_load %arg7[%swap3A_1421, %swap3A_1422, %swap3A_1423] {strides = array<i32>} : memref<4x8x16xf32, #tpu.memory_space<vmem>>, vector<16xf32>,
      tpu.vector_store %arg7[%swap3A_1421, %swap3A_1422, %swap3A_1423], %select_n3A_1418 {strides = array<i32>} : memref<4x8x16xf32, #tpu.memory_space<vmem>>, vector<16xf32>,
      %or3A_1425 = arith.ori %eq3A_1411, %eq3A_1414 : vector<16xi1>
      %select_n3A_1426 = arith.select %or3A_1425, %broadcast_in_dim3A_6, %broadcast_in_dim3A_8 : vector<16xi1>, vector<16xi32>
      %max3A_1427 = arith.maxsi %max3A_1069, %select_n3A_1426 : vector<16xi32>
      %eq3A_1428 = arith.constant 7 : i32
      %eq3A_1429 = vector.broadcast %eq3A_1428 : i32 to vector<16xi32>
      %eq3A_1430 = arith.cmpi eq, %select_n3A_1215, %eq3A_1429 : vector<16xi32>
      %eq3A_1431 = arith.constant 7 : i32
      %eq3A_1432 = vector.broadcast %eq3A_1431 : i32 to vector<16xi32>
      %eq3A_1433 = arith.cmpi eq, %select_n3A_1288, %eq3A_1432 : vector<16xi32>
      %jit3A_1434 = arith.constant 0.000000e+00 : f32
      %broadcast_in_dim3A_1435 = vector.broadcast %jit3A_1434 : f32 to vector<16xf32>
      %select_n3A_1436 = arith.select %eq3A_1433, %div3A_1294, %broadcast_in_dim3A_1435 : vector<16xi1>, vector<16xf32>
      %select_n3A_1437 = arith.select %eq3A_1430, %div3A_1292, %select_n3A_1436 : vector<16xi1>, vector<16xf32>
      %swap3A_1438 = arith.constant 3 : i32
      %swap3A_1439 = arith.constant 7 : i32
      %swap3A_1440 = arith.index_cast %swap3A_1438 : i32 to index
      %swap3A_1441 = arith.index_cast %swap3A_1439 : i32 to index
      %swap3A_1442 = arith.constant 0 : index
      %swap3A_1443 = tpu.vector_load %arg7[%swap3A_1440, %swap3A_1441, %swap3A_1442] {strides = array<i32>} : memref<4x8x16xf32, #tpu.memory_space<vmem>>, vector<16xf32>,
      tpu.vector_store %arg7[%swap3A_1440, %swap3A_1441, %swap3A_1442], %select_n3A_1437 {strides = array<i32>} : memref<4x8x16xf32, #tpu.memory_space<vmem>>, vector<16xf32>,
      %or3A_1444 = arith.ori %eq3A_1430, %eq3A_1433 : vector<16xi1>
      %select_n3A_1445 = arith.select %or3A_1444, %broadcast_in_dim3A_6, %broadcast_in_dim3A_8 : vector<16xi1>, vector<16xi32>
      %max3A_1446 = arith.maxsi %max3A_1088, %select_n3A_1445 : vector<16xi32>
      %gt3A = arith.constant 0 : i32
      %gt3A_1447 = vector.broadcast %gt3A : i32 to vector<16xi32>
      %gt3A_1448 = arith.cmpi sgt, %max3A_1313, %gt3A_1447 : vector<16xi32>
      %mul3A = arith.constant 8 : i32
      %mul3A_1449 = vector.broadcast %mul3A : i32 to vector<16xi32>
      %mul3A_1450 = arith.muli %iota3A, %mul3A_1449 : vector<16xi32>
      %add3A_1451 = arith.addi %mul3A_1450, %broadcast_in_dim3A_8 : vector<16xi32>
      %broadcast_in_dim3A_1452 = arith.constant 0 : i32
      %broadcast_in_dim3A_1453 = vector.broadcast %broadcast_in_dim3A_1452 : i32 to vector<16xi32>
      tpu.vector_store_idx %arg9[%add3A_1451], %broadcast_in_dim3A_1453 masked %gt3A_1448 : memref<128xi32, #tpu.memory_space<vmem>>[vector<16xi32>], vector<16xi32>, vector<16xi1>
      %add3A_1454 = arith.addi %broadcast_in_dim3A_8, %max3A_1313 : vector<16xi32>
      %gt3A_1455 = arith.constant 0 : i32
      %gt3A_1456 = vector.broadcast %gt3A_1455 : i32 to vector<16xi32>
      %gt3A_1457 = arith.cmpi sgt, %max3A_1332, %gt3A_1456 : vector<16xi32>
      %mul3A_1458 = arith.constant 8 : i32
      %mul3A_1459 = vector.broadcast %mul3A_1458 : i32 to vector<16xi32>
      %mul3A_1460 = arith.muli %iota3A, %mul3A_1459 : vector<16xi32>
      %add3A_1461 = arith.addi %mul3A_1460, %add3A_1454 : vector<16xi32>
      %broadcast_in_dim3A_1462 = arith.constant 1 : i32
      %broadcast_in_dim3A_1463 = vector.broadcast %broadcast_in_dim3A_1462 : i32 to vector<16xi32>
      tpu.vector_store_idx %arg9[%add3A_1461], %broadcast_in_dim3A_1463 masked %gt3A_1457 : memref<128xi32, #tpu.memory_space<vmem>>[vector<16xi32>], vector<16xi32>, vector<16xi1>
      %add3A_1464 = arith.addi %add3A_1454, %max3A_1332 : vector<16xi32>
      %gt3A_1465 = arith.constant 0 : i32
      %gt3A_1466 = vector.broadcast %gt3A_1465 : i32 to vector<16xi32>
      %gt3A_1467 = arith.cmpi sgt, %max3A_1351, %gt3A_1466 : vector<16xi32>
      %mul3A_1468 = arith.constant 8 : i32
      %mul3A_1469 = vector.broadcast %mul3A_1468 : i32 to vector<16xi32>
      %mul3A_1470 = arith.muli %iota3A, %mul3A_1469 : vector<16xi32>
      %add3A_1471 = arith.addi %mul3A_1470, %add3A_1464 : vector<16xi32>
      %broadcast_in_dim3A_1472 = arith.constant 2 : i32
      %broadcast_in_dim3A_1473 = vector.broadcast %broadcast_in_dim3A_1472 : i32 to vector<16xi32>
      tpu.vector_store_idx %arg9[%add3A_1471], %broadcast_in_dim3A_1473 masked %gt3A_1467 : memref<128xi32, #tpu.memory_space<vmem>>[vector<16xi32>], vector<16xi32>, vector<16xi1>
      %add3A_1474 = arith.addi %add3A_1464, %max3A_1351 : vector<16xi32>
      %gt3A_1475 = arith.constant 0 : i32
      %gt3A_1476 = vector.broadcast %gt3A_1475 : i32 to vector<16xi32>
      %gt3A_1477 = arith.cmpi sgt, %max3A_1370, %gt3A_1476 : vector<16xi32>
      %mul3A_1478 = arith.constant 8 : i32
      %mul3A_1479 = vector.broadcast %mul3A_1478 : i32 to vector<16xi32>
      %mul3A_1480 = arith.muli %iota3A, %mul3A_1479 : vector<16xi32>
      %add3A_1481 = arith.addi %mul3A_1480, %add3A_1474 : vector<16xi32>
      %broadcast_in_dim3A_1482 = arith.constant 3 : i32
      %broadcast_in_dim3A_1483 = vector.broadcast %broadcast_in_dim3A_1482 : i32 to vector<16xi32>
      tpu.vector_store_idx %arg9[%add3A_1481], %broadcast_in_dim3A_1483 masked %gt3A_1477 : memref<128xi32, #tpu.memory_space<vmem>>[vector<16xi32>], vector<16xi32>, vector<16xi1>
      %add3A_1484 = arith.addi %add3A_1474, %max3A_1370 : vector<16xi32>
      %gt3A_1485 = arith.constant 0 : i32
      %gt3A_1486 = vector.broadcast %gt3A_1485 : i32 to vector<16xi32>
      %gt3A_1487 = arith.cmpi sgt, %max3A_1389, %gt3A_1486 : vector<16xi32>
      %mul3A_1488 = arith.constant 8 : i32
      %mul3A_1489 = vector.broadcast %mul3A_1488 : i32 to vector<16xi32>
      %mul3A_1490 = arith.muli %iota3A, %mul3A_1489 : vector<16xi32>
      %add3A_1491 = arith.addi %mul3A_1490, %add3A_1484 : vector<16xi32>
      %broadcast_in_dim3A_1492 = arith.constant 4 : i32
      %broadcast_in_dim3A_1493 = vector.broadcast %broadcast_in_dim3A_1492 : i32 to vector<16xi32>
      tpu.vector_store_idx %arg9[%add3A_1491], %broadcast_in_dim3A_1493 masked %gt3A_1487 : memref<128xi32, #tpu.memory_space<vmem>>[vector<16xi32>], vector<16xi32>, vector<16xi1>
      %add3A_1494 = arith.addi %add3A_1484, %max3A_1389 : vector<16xi32>
      %gt3A_1495 = arith.constant 0 : i32
      %gt3A_1496 = vector.broadcast %gt3A_1495 : i32 to vector<16xi32>
      %gt3A_1497 = arith.cmpi sgt, %max3A_1408, %gt3A_1496 : vector<16xi32>
      %mul3A_1498 = arith.constant 8 : i32
      %mul3A_1499 = vector.broadcast %mul3A_1498 : i32 to vector<16xi32>
      %mul3A_1500 = arith.muli %iota3A, %mul3A_1499 : vector<16xi32>
      %add3A_1501 = arith.addi %mul3A_1500, %add3A_1494 : vector<16xi32>
      %broadcast_in_dim3A_1502 = arith.constant 5 : i32
      %broadcast_in_dim3A_1503 = vector.broadcast %broadcast_in_dim3A_1502 : i32 to vector<16xi32>
      tpu.vector_store_idx %arg9[%add3A_1501], %broadcast_in_dim3A_1503 masked %gt3A_1497 : memref<128xi32, #tpu.memory_space<vmem>>[vector<16xi32>], vector<16xi32>, vector<16xi1>
      %add3A_1504 = arith.addi %add3A_1494, %max3A_1408 : vector<16xi32>
      %gt3A_1505 = arith.constant 0 : i32
      %gt3A_1506 = vector.broadcast %gt3A_1505 : i32 to vector<16xi32>
      %gt3A_1507 = arith.cmpi sgt, %max3A_1427, %gt3A_1506 : vector<16xi32>
      %mul3A_1508 = arith.constant 8 : i32
      %mul3A_1509 = vector.broadcast %mul3A_1508 : i32 to vector<16xi32>
      %mul3A_1510 = arith.muli %iota3A, %mul3A_1509 : vector<16xi32>
      %add3A_1511 = arith.addi %mul3A_1510, %add3A_1504 : vector<16xi32>
      %broadcast_in_dim3A_1512 = arith.constant 6 : i32
      %broadcast_in_dim3A_1513 = vector.broadcast %broadcast_in_dim3A_1512 : i32 to vector<16xi32>
      tpu.vector_store_idx %arg9[%add3A_1511], %broadcast_in_dim3A_1513 masked %gt3A_1507 : memref<128xi32, #tpu.memory_space<vmem>>[vector<16xi32>], vector<16xi32>, vector<16xi1>
      %add3A_1514 = arith.addi %add3A_1504, %max3A_1427 : vector<16xi32>
      %gt3A_1515 = arith.constant 0 : i32
      %gt3A_1516 = vector.broadcast %gt3A_1515 : i32 to vector<16xi32>
      %gt3A_1517 = arith.cmpi sgt, %max3A_1446, %gt3A_1516 : vector<16xi32>
      %mul3A_1518 = arith.constant 8 : i32
      %mul3A_1519 = vector.broadcast %mul3A_1518 : i32 to vector<16xi32>
      %mul3A_1520 = arith.muli %iota3A, %mul3A_1519 : vector<16xi32>
      %add3A_1521 = arith.addi %mul3A_1520, %add3A_1514 : vector<16xi32>
      %broadcast_in_dim3A_1522 = arith.constant 7 : i32
      %broadcast_in_dim3A_1523 = vector.broadcast %broadcast_in_dim3A_1522 : i32 to vector<16xi32>
      tpu.vector_store_idx %arg9[%add3A_1521], %broadcast_in_dim3A_1523 masked %gt3A_1517 : memref<128xi32, #tpu.memory_space<vmem>>[vector<16xi32>], vector<16xi32>, vector<16xi1>
      %add3A_1524 = arith.addi %add3A_1514, %max3A_1446 : vector<16xi32>
      %swap3A_1525 = arith.constant 0 : index
      %swap3A_1526 = tpu.vector_load %arg8[%swap3A_1525] {strides = array<i32>} : memref<16xi32, #tpu.memory_space<vmem>>, vector<16xi32>,
      tpu.vector_store %arg8[%swap3A_1525], %add3A_1524 {strides = array<i32>} : memref<16xi32, #tpu.memory_space<vmem>>, vector<16xi32>,
      "tpu.region"() ({
        %run_scoped3A = tpu.sem_alloc : memref<!tpu.dma_semaphore, #tpu.memory_space<semaphore_mem>>
        tpu.enqueue_dma source(%arg7 : memref<4x8x16xf32, #tpu.memory_space<vmem>>) target(%arg3 : memref<4x8x16xf32, #tpu.memory_space<hbm>>) target_semaphore(%run_scoped3A : memref<!tpu.dma_semaphore, #tpu.memory_space<semaphore_mem>>)
        tpu.wait_dma2 semaphore(%run_scoped3A : memref<!tpu.dma_semaphore, #tpu.memory_space<semaphore_mem>>) src(%arg7 : memref<4x8x16xf32, #tpu.memory_space<vmem>>) dst(%arg3 : memref<4x8x16xf32, #tpu.memory_space<hbm>>)
        tpu.yield
      }) : () -> ()
      "tpu.region"() ({
        %run_scoped3A = tpu.sem_alloc : memref<!tpu.dma_semaphore, #tpu.memory_space<semaphore_mem>>
        tpu.enqueue_dma source(%arg8 : memref<16xi32, #tpu.memory_space<vmem>>) target(%arg4 : memref<16xi32, #tpu.memory_space<hbm>>) target_semaphore(%run_scoped3A : memref<!tpu.dma_semaphore, #tpu.memory_space<semaphore_mem>>)
        tpu.wait_dma2 semaphore(%run_scoped3A : memref<!tpu.dma_semaphore, #tpu.memory_space<semaphore_mem>>) src(%arg8 : memref<16xi32, #tpu.memory_space<vmem>>) dst(%arg4 : memref<16xi32, #tpu.memory_space<hbm>>)
        tpu.yield
      }) : () -> ()
      "tpu.region"() ({
        %run_scoped3A = tpu.sem_alloc : memref<!tpu.dma_semaphore, #tpu.memory_space<semaphore_mem>>
        tpu.enqueue_dma source(%arg9 : memref<128xi32, #tpu.memory_space<vmem>>) target(%arg5 : memref<128xi32, #tpu.memory_space<hbm>>) target_semaphore(%run_scoped3A : memref<!tpu.dma_semaphore, #tpu.memory_space<semaphore_mem>>)
        tpu.wait_dma2 semaphore(%run_scoped3A : memref<!tpu.dma_semaphore, #tpu.memory_space<semaphore_mem>>) src(%arg9 : memref<128xi32, #tpu.memory_space<vmem>>) dst(%arg5 : memref<128xi32, #tpu.memory_space<hbm>>)
        tpu.yield
      }) : () -> ()
    } else {
    }
    return
  }
}

module attributes {stable_mosaic.version = 14 : i64} {
  func.func @_router_body(%arg0: i32, %arg1: memref<16x1024x384xf32, #tpu.memory_space<vmem>>, %arg2: memref<4x384x8xf32, #tpu.memory_space<vmem>>, %arg3: memref<4x8x16xf32, #tpu.memory_space<vmem>>) attributes {dimension_semantics = [#tpu.dimension_semantics<arbitrary>], iteration_bounds = array<i64: 1>, scalar_prefetch = 0 : i64, scratch_operands = 0 : i64, tpu.core_type = #tpu.core_type<tc>, window_params = [{pipeline_mode = #tpu.pipeline_mode<synchronous>, transform_indices = @transform_0, window_bounds = array<i64: 16, 1024, 384>}, {pipeline_mode = #tpu.pipeline_mode<synchronous>, transform_indices = @transform_1, window_bounds = array<i64: 4, 384, 8>}, {pipeline_mode = #tpu.pipeline_mode<synchronous>, transform_indices = @transform_2, window_bounds = array<i64: 4, 8, 16>}]} {
    %get3A = arith.constant 0 : index
    %get3A_0 = arith.constant 0 : index
    %get3A_1 = arith.constant 0 : index
    %get3A_2 = vector.load %arg1[%get3A, %get3A_0, %get3A_1] : memref<16x1024x384xf32, #tpu.memory_space<vmem>>, vector<16x1024x384xf32>
    %reduce_sum3A = arith.constant dense<0.000000e+00> : vector<16x384xf32>
    %reduce_sum3A_3 = vector.multi_reduction <add>, %get3A_2, %reduce_sum3A [1] : vector<16x1024x384xf32> to vector<16x384xf32>
    %mul3A = arith.constant 9.765625E-4 : f32
    %mul3A_4 = vector.broadcast %mul3A : f32 to vector<16x384xf32>
    %mul3A_5 = arith.mulf %reduce_sum3A_3, %mul3A_4 : vector<16x384xf32>
    %get3A_6 = arith.constant 0 : index
    %get3A_7 = arith.constant 0 : index
    %get3A_8 = arith.constant 0 : index
    %get3A_9 = vector.load %arg2[%get3A_6, %get3A_7, %get3A_8] : memref<4x384x8xf32, #tpu.memory_space<vmem>>, vector<1x384x8xf32>
    %get3A_10 = vector.shape_cast %get3A_9 : vector<1x384x8xf32> to vector<384x8xf32>
    %dot_general3A = arith.constant dense<0.000000e+00> : vector<8x16xf32>
    %dot_general3A_11 = tpu.matmul %get3A_10, %mul3A_5, %dot_general3A {dimension_numbers = #tpu.dot_dimension_numbers<[0], [1], [1], [0], [0, 1, 1, 0], [], []>, transpose_lhs_hint = false} : vector<384x8xf32>, vector<16x384xf32>, vector<8x16xf32> -> vector<8x16xf32>
    %swap3A = arith.constant 0 : index
    %swap3A_12 = arith.constant 0 : index
    %swap3A_13 = arith.constant 0 : index
    %swap3A_14 = vector.load %arg3[%swap3A, %swap3A_12, %swap3A_13] : memref<4x8x16xf32, #tpu.memory_space<vmem>>, vector<1x8x16xf32>
    %swap3A_15 = vector.shape_cast %swap3A_14 : vector<1x8x16xf32> to vector<8x16xf32>
    %swap3A_16 = vector.shape_cast %dot_general3A_11 : vector<8x16xf32> to vector<1x8x16xf32>
    tpu.vector_store %arg3[%swap3A, %swap3A_12, %swap3A_13], %swap3A_16 {strides = array<i32>} : memref<4x8x16xf32, #tpu.memory_space<vmem>>, vector<1x8x16xf32>,
    %get3A_17 = arith.constant 1 : index
    %get3A_18 = arith.constant 0 : index
    %get3A_19 = arith.constant 0 : index
    %get3A_20 = vector.load %arg2[%get3A_17, %get3A_18, %get3A_19] : memref<4x384x8xf32, #tpu.memory_space<vmem>>, vector<1x384x8xf32>
    %get3A_21 = vector.shape_cast %get3A_20 : vector<1x384x8xf32> to vector<384x8xf32>
    %dot_general3A_22 = arith.constant dense<0.000000e+00> : vector<8x16xf32>
    %dot_general3A_23 = tpu.matmul %get3A_21, %mul3A_5, %dot_general3A_22 {dimension_numbers = #tpu.dot_dimension_numbers<[0], [1], [1], [0], [0, 1, 1, 0], [], []>, transpose_lhs_hint = false} : vector<384x8xf32>, vector<16x384xf32>, vector<8x16xf32> -> vector<8x16xf32>
    %swap3A_24 = arith.constant 1 : index
    %swap3A_25 = arith.constant 0 : index
    %swap3A_26 = arith.constant 0 : index
    %swap3A_27 = vector.load %arg3[%swap3A_24, %swap3A_25, %swap3A_26] : memref<4x8x16xf32, #tpu.memory_space<vmem>>, vector<1x8x16xf32>
    %swap3A_28 = vector.shape_cast %swap3A_27 : vector<1x8x16xf32> to vector<8x16xf32>
    %swap3A_29 = vector.shape_cast %dot_general3A_23 : vector<8x16xf32> to vector<1x8x16xf32>
    tpu.vector_store %arg3[%swap3A_24, %swap3A_25, %swap3A_26], %swap3A_29 {strides = array<i32>} : memref<4x8x16xf32, #tpu.memory_space<vmem>>, vector<1x8x16xf32>,
    %get3A_30 = arith.constant 2 : index
    %get3A_31 = arith.constant 0 : index
    %get3A_32 = arith.constant 0 : index
    %get3A_33 = vector.load %arg2[%get3A_30, %get3A_31, %get3A_32] : memref<4x384x8xf32, #tpu.memory_space<vmem>>, vector<1x384x8xf32>
    %get3A_34 = vector.shape_cast %get3A_33 : vector<1x384x8xf32> to vector<384x8xf32>
    %dot_general3A_35 = arith.constant dense<0.000000e+00> : vector<8x16xf32>
    %dot_general3A_36 = tpu.matmul %get3A_34, %mul3A_5, %dot_general3A_35 {dimension_numbers = #tpu.dot_dimension_numbers<[0], [1], [1], [0], [0, 1, 1, 0], [], []>, transpose_lhs_hint = false} : vector<384x8xf32>, vector<16x384xf32>, vector<8x16xf32> -> vector<8x16xf32>
    %swap3A_37 = arith.constant 2 : index
    %swap3A_38 = arith.constant 0 : index
    %swap3A_39 = arith.constant 0 : index
    %swap3A_40 = vector.load %arg3[%swap3A_37, %swap3A_38, %swap3A_39] : memref<4x8x16xf32, #tpu.memory_space<vmem>>, vector<1x8x16xf32>
    %swap3A_41 = vector.shape_cast %swap3A_40 : vector<1x8x16xf32> to vector<8x16xf32>
    %swap3A_42 = vector.shape_cast %dot_general3A_36 : vector<8x16xf32> to vector<1x8x16xf32>
    tpu.vector_store %arg3[%swap3A_37, %swap3A_38, %swap3A_39], %swap3A_42 {strides = array<i32>} : memref<4x8x16xf32, #tpu.memory_space<vmem>>, vector<1x8x16xf32>,
    %get3A_43 = arith.constant 3 : index
    %get3A_44 = arith.constant 0 : index
    %get3A_45 = arith.constant 0 : index
    %get3A_46 = vector.load %arg2[%get3A_43, %get3A_44, %get3A_45] : memref<4x384x8xf32, #tpu.memory_space<vmem>>, vector<1x384x8xf32>
    %get3A_47 = vector.shape_cast %get3A_46 : vector<1x384x8xf32> to vector<384x8xf32>
    %dot_general3A_48 = arith.constant dense<0.000000e+00> : vector<8x16xf32>
    %dot_general3A_49 = tpu.matmul %get3A_47, %mul3A_5, %dot_general3A_48 {dimension_numbers = #tpu.dot_dimension_numbers<[0], [1], [1], [0], [0, 1, 1, 0], [], []>, transpose_lhs_hint = false} : vector<384x8xf32>, vector<16x384xf32>, vector<8x16xf32> -> vector<8x16xf32>
    %swap3A_50 = arith.constant 3 : index
    %swap3A_51 = arith.constant 0 : index
    %swap3A_52 = arith.constant 0 : index
    %swap3A_53 = vector.load %arg3[%swap3A_50, %swap3A_51, %swap3A_52] : memref<4x8x16xf32, #tpu.memory_space<vmem>>, vector<1x8x16xf32>
    %swap3A_54 = vector.shape_cast %swap3A_53 : vector<1x8x16xf32> to vector<8x16xf32>
    %swap3A_55 = vector.shape_cast %dot_general3A_49 : vector<8x16xf32> to vector<1x8x16xf32>
    tpu.vector_store %arg3[%swap3A_50, %swap3A_51, %swap3A_52], %swap3A_55 {strides = array<i32>} : memref<4x8x16xf32, #tpu.memory_space<vmem>>, vector<1x8x16xf32>,
    return
  }
  func.func @transform_0(%arg0: i32) -> (i32, i32, i32) {
    %c0_i32 = arith.constant 0 : i32
    %c0_i32_0 = arith.constant 0 : i32
    %c0_i32_1 = arith.constant 0 : i32
    %c0_i32_2 = arith.constant 0 : i32
    return %c0_i32, %c0_i32_0, %c0_i32_1 : i32, i32, i32
  }
  func.func @transform_1(%arg0: i32) -> (i32, i32, i32) {
    %c0_i32 = arith.constant 0 : i32
    %c0_i32_0 = arith.constant 0 : i32
    %c0_i32_1 = arith.constant 0 : i32
    %c0_i32_2 = arith.constant 0 : i32
    return %c0_i32, %c0_i32_0, %c0_i32_1 : i32, i32, i32
  }
  func.func @transform_2(%arg0: i32) -> (i32, i32, i32) {
    %c0_i32 = arith.constant 0 : i32
    %c0_i32_0 = arith.constant 0 : i32
    %c0_i32_1 = arith.constant 0 : i32
    %c0_i32_2 = arith.constant 0 : i32
    return %c0_i32, %c0_i32_0, %c0_i32_1 : i32, i32, i32
  }
}

module attributes {stable_mosaic.version = 14 : i64} {
  func.func @_merge_body(%arg0: i32, %arg1: memref<1x768x384xf32, #tpu.memory_space<vmem>>, %arg2: memref<1x768x768xf32, #tpu.memory_space<vmem>>, %arg3: memref<1x1x768xf32, #tpu.memory_space<vmem>>, %arg4: memref<1x1x768xf32, #tpu.memory_space<vmem>>, %arg5: memref<1x1x768xf32, #tpu.memory_space<vmem>>, %arg6: memref<1x1x768xf32, #tpu.memory_space<vmem>>, %arg7: memref<1x1x768xf32, #tpu.memory_space<vmem>>, %arg8: memref<1x1x768xf32, #tpu.memory_space<vmem>>, %arg9: memref<1x384x768xf32, #tpu.memory_space<vmem>>, %arg10: memref<1x384x768xf32, #tpu.memory_space<vmem>>, %arg11: memref<1x1x768xf32, #tpu.memory_space<vmem>>, %arg12: memref<1x768x384xf32, #tpu.memory_space<vmem>>) attributes {dimension_semantics = [#tpu.dimension_semantics<arbitrary>], iteration_bounds = array<i64: 8>, scalar_prefetch = 0 : i64, scratch_operands = 0 : i64, tpu.core_type = #tpu.core_type<tc>, window_params = [{transform_indices = @transform_0, window_bounds = array<i64: 1, 768, 384>}, {transform_indices = @transform_1, window_bounds = array<i64: 1, 768, 768>}, {transform_indices = @transform_2, window_bounds = array<i64: 1, 1, 768>}, {transform_indices = @transform_3, window_bounds = array<i64: 1, 1, 768>}, {transform_indices = @transform_4, window_bounds = array<i64: 1, 1, 768>}, {transform_indices = @transform_5, window_bounds = array<i64: 1, 1, 768>}, {transform_indices = @transform_6, window_bounds = array<i64: 1, 1, 768>}, {transform_indices = @transform_7, window_bounds = array<i64: 1, 1, 768>}, {transform_indices = @transform_8, window_bounds = array<i64: 1, 384, 768>}, {transform_indices = @transform_9, window_bounds = array<i64: 1, 384, 768>}, {transform_indices = @transform_10, window_bounds = array<i64: 1, 1, 768>}, {transform_indices = @transform_11, window_bounds = array<i64: 1, 768, 384>}]} {
    %get3A = arith.constant 0 : index
    %get3A_0 = arith.constant 0 : index
    %get3A_1 = arith.constant 0 : index
    %get3A_2 = vector.load %arg5[%get3A, %get3A_0, %get3A_1] : memref<1x1x768xf32, #tpu.memory_space<vmem>>, vector<1x1x768xf32>
    %get3A_3 = vector.shape_cast %get3A_2 : vector<1x1x768xf32> to vector<1x768xf32>
    %get3A_4 = arith.constant 0 : index
    %get3A_5 = arith.constant 0 : index
    %get3A_6 = arith.constant 0 : index
    %get3A_7 = vector.load %arg8[%get3A_4, %get3A_5, %get3A_6] : memref<1x1x768xf32, #tpu.memory_space<vmem>>, vector<1x1x768xf32>
    %get3A_8 = vector.shape_cast %get3A_7 : vector<1x1x768xf32> to vector<1x768xf32>
    %add3A = arith.constant 9.99999974E-6 : f32
    %add3A_9 = vector.broadcast %add3A : f32 to vector<1x768xf32>
    %add3A_10 = arith.addf %get3A_8, %add3A_9 : vector<1x768xf32>
    %rsqrt3A = math.rsqrt %add3A_10 : vector<1x768xf32>
    %mul3A = arith.mulf %get3A_3, %rsqrt3A : vector<1x768xf32>
    %get3A_11 = arith.constant 0 : index
    %get3A_12 = arith.constant 0 : index
    %get3A_13 = arith.constant 0 : index
    %get3A_14 = vector.load %arg6[%get3A_11, %get3A_12, %get3A_13] : memref<1x1x768xf32, #tpu.memory_space<vmem>>, vector<1x1x768xf32>
    %get3A_15 = vector.shape_cast %get3A_14 : vector<1x1x768xf32> to vector<1x768xf32>
    %get3A_16 = arith.constant 0 : index
    %get3A_17 = arith.constant 0 : index
    %get3A_18 = arith.constant 0 : index
    %get3A_19 = vector.load %arg7[%get3A_16, %get3A_17, %get3A_18] : memref<1x1x768xf32, #tpu.memory_space<vmem>>, vector<1x1x768xf32>
    %get3A_20 = vector.shape_cast %get3A_19 : vector<1x1x768xf32> to vector<1x768xf32>
    %mul3A_21 = arith.mulf %get3A_20, %mul3A : vector<1x768xf32>
    %sub3A = arith.subf %get3A_15, %mul3A_21 : vector<1x768xf32>
    %get3A_22 = arith.constant 0 : index
    %get3A_23 = arith.constant 0 : index
    %get3A_24 = arith.constant 0 : index
    %get3A_25 = vector.load %arg3[%get3A_22, %get3A_23, %get3A_24] : memref<1x1x768xf32, #tpu.memory_space<vmem>>, vector<1x1x768xf32>
    %get3A_26 = vector.shape_cast %get3A_25 : vector<1x1x768xf32> to vector<1x768xf32>
    %get3A_27 = arith.constant 0 : index
    %get3A_28 = arith.constant 0 : index
    %get3A_29 = arith.constant 0 : index
    %get3A_30 = vector.load %arg2[%get3A_27, %get3A_28, %get3A_29] : memref<1x768x768xf32, #tpu.memory_space<vmem>>, vector<1x768x768xf32>
    %get3A_31 = vector.shape_cast %get3A_30 : vector<1x768x768xf32> to vector<768x768xf32>
    %dot_general3A = arith.constant dense<0.000000e+00> : vector<1x768xf32>
    %dot_general3A_32 = tpu.matmul %get3A_26, %get3A_31, %dot_general3A {dimension_numbers = #tpu.dot_dimension_numbers<[1], [1], [0], [0], [0, 0, 1, 0], [], []>, transpose_lhs_hint = false} : vector<1x768xf32>, vector<768x768xf32>, vector<1x768xf32> -> vector<1x768xf32>
    %get3A_33 = arith.constant 0 : index
    %get3A_34 = arith.constant 0 : index
    %get3A_35 = arith.constant 0 : index
    %get3A_36 = vector.load %arg4[%get3A_33, %get3A_34, %get3A_35] : memref<1x1x768xf32, #tpu.memory_space<vmem>>, vector<1x1x768xf32>
    %get3A_37 = vector.shape_cast %get3A_36 : vector<1x1x768xf32> to vector<1x768xf32>
    %add3A_38 = arith.addf %dot_general3A_32, %get3A_37 : vector<1x768xf32>
    %mul3A_39 = arith.mulf %mul3A, %add3A_38 : vector<1x768xf32>
    %add3A_40 = arith.addf %mul3A_39, %sub3A : vector<1x768xf32>
    %swap3A = arith.constant 0 : index
    %swap3A_41 = arith.constant 0 : index
    %swap3A_42 = arith.constant 0 : index
    %swap3A_43 = vector.load %arg11[%swap3A, %swap3A_41, %swap3A_42] : memref<1x1x768xf32, #tpu.memory_space<vmem>>, vector<1x1x768xf32>
    %swap3A_44 = vector.shape_cast %swap3A_43 : vector<1x1x768xf32> to vector<1x768xf32>
    %swap3A_45 = vector.shape_cast %add3A_40 : vector<1x768xf32> to vector<1x1x768xf32>
    tpu.vector_store %arg11[%swap3A, %swap3A_41, %swap3A_42], %swap3A_45 {strides = array<i32>} : memref<1x1x768xf32, #tpu.memory_space<vmem>>, vector<1x1x768xf32>,
    %get3A_46 = arith.constant 0 : index
    %get3A_47 = arith.constant 0 : index
    %get3A_48 = arith.constant 0 : index
    %get3A_49 = vector.load %arg1[%get3A_46, %get3A_47, %get3A_48] : memref<1x768x384xf32, #tpu.memory_space<vmem>>, vector<1x768x384xf32>
    %get3A_50 = vector.shape_cast %get3A_49 : vector<1x768x384xf32> to vector<768x384xf32>
    %get3A_51 = arith.constant 0 : index
    %get3A_52 = arith.constant 0 : index
    %get3A_53 = arith.constant 0 : index
    %get3A_54 = vector.load %arg2[%get3A_51, %get3A_52, %get3A_53] : memref<1x768x768xf32, #tpu.memory_space<vmem>>, vector<1x768x768xf32>
    %get3A_55 = vector.shape_cast %get3A_54 : vector<1x768x768xf32> to vector<768x768xf32>
    %dot_general3A_56 = arith.constant dense<0.000000e+00> : vector<384x768xf32>
    %dot_general3A_57 = tpu.matmul %get3A_50, %get3A_55, %dot_general3A_56 {dimension_numbers = #tpu.dot_dimension_numbers<[0], [1], [1], [0], [0, 1, 1, 0], [], []>, transpose_lhs_hint = false} : vector<768x384xf32>, vector<768x768xf32>, vector<384x768xf32> -> vector<384x768xf32>
    %mul3A_58 = vector.broadcast %mul3A : vector<1x768xf32> to vector<384x768xf32>
    %mul3A_59 = arith.mulf %dot_general3A_57, %mul3A_58 : vector<384x768xf32>
    %swap3A_60 = arith.constant 0 : index
    %swap3A_61 = arith.constant 0 : index
    %swap3A_62 = arith.constant 0 : index
    %swap3A_63 = vector.load %arg10[%swap3A_60, %swap3A_61, %swap3A_62] : memref<1x384x768xf32, #tpu.memory_space<vmem>>, vector<1x384x768xf32>
    %swap3A_64 = vector.shape_cast %swap3A_63 : vector<1x384x768xf32> to vector<384x768xf32>
    %swap3A_65 = vector.shape_cast %mul3A_59 : vector<384x768xf32> to vector<1x384x768xf32>
    tpu.vector_store %arg10[%swap3A_60, %swap3A_61, %swap3A_62], %swap3A_65 {strides = array<i32>} : memref<1x384x768xf32, #tpu.memory_space<vmem>>, vector<1x384x768xf32>,
    %iota3A = tpu.iota {dimensions = array<i32: 0>} : vector<768x768xi32>
    %iota3A_66 = tpu.iota {dimensions = array<i32: 1>} : vector<768x768xi32>
    %eq3A = arith.cmpi eq, %iota3A, %iota3A_66 : vector<768x768xi32>
    %convert_element_type3A = arith.extui %eq3A : vector<768x768xi1> to vector<768x768xi32>
    %convert_element_type3A_67 = arith.sitofp %convert_element_type3A : vector<768x768xi32> to vector<768x768xf32>
    %get3A_68 = arith.constant 0 : index
    %get3A_69 = arith.constant 0 : index
    %get3A_70 = arith.constant 0 : index
    %get3A_71 = vector.load %arg9[%get3A_68, %get3A_69, %get3A_70] : memref<1x384x768xf32, #tpu.memory_space<vmem>>, vector<1x384x768xf32>
    %get3A_72 = vector.shape_cast %get3A_71 : vector<1x384x768xf32> to vector<384x768xf32>
    %dot_general3A_73 = arith.constant dense<0.000000e+00> : vector<768x384xf32>
    %dot_general3A_74 = tpu.matmul %convert_element_type3A_67, %get3A_72, %dot_general3A_73 {dimension_numbers = #tpu.dot_dimension_numbers<[1], [1], [0], [0], [0, 0, 1, 0], [], []>, transpose_lhs_hint = false} : vector<768x768xf32>, vector<384x768xf32>, vector<768x384xf32> -> vector<768x384xf32>
    %swap3A_75 = arith.constant 0 : index
    %swap3A_76 = arith.constant 0 : index
    %swap3A_77 = arith.constant 0 : index
    %swap3A_78 = vector.load %arg12[%swap3A_75, %swap3A_76, %swap3A_77] : memref<1x768x384xf32, #tpu.memory_space<vmem>>, vector<1x768x384xf32>
    %swap3A_79 = vector.shape_cast %swap3A_78 : vector<1x768x384xf32> to vector<768x384xf32>
    %swap3A_80 = vector.shape_cast %dot_general3A_74 : vector<768x384xf32> to vector<1x768x384xf32>
    tpu.vector_store %arg12[%swap3A_75, %swap3A_76, %swap3A_77], %swap3A_80 {strides = array<i32>} : memref<1x768x384xf32, #tpu.memory_space<vmem>>, vector<1x768x384xf32>,
    return
  }
  func.func @transform_0(%arg0: i32) -> (i32, i32, i32) {
    %c0_i32 = arith.constant 0 : i32
    %c0_i32_0 = arith.constant 0 : i32
    %c0_i32_1 = arith.constant 0 : i32
    return %arg0, %c0_i32, %c0_i32_0 : i32, i32, i32
  }
  func.func @transform_1(%arg0: i32) -> (i32, i32, i32) {
    %c0_i32 = arith.constant 0 : i32
    %c0_i32_0 = arith.constant 0 : i32
    %c0_i32_1 = arith.constant 0 : i32
    return %arg0, %c0_i32, %c0_i32_0 : i32, i32, i32
  }
  func.func @transform_2(%arg0: i32) -> (i32, i32, i32) {
    %c0_i32 = arith.constant 0 : i32
    %c0_i32_0 = arith.constant 0 : i32
    %c0_i32_1 = arith.constant 0 : i32
    return %arg0, %c0_i32, %c0_i32_0 : i32, i32, i32
  }
  func.func @transform_3(%arg0: i32) -> (i32, i32, i32) {
    %c0_i32 = arith.constant 0 : i32
    %c0_i32_0 = arith.constant 0 : i32
    %c0_i32_1 = arith.constant 0 : i32
    return %arg0, %c0_i32, %c0_i32_0 : i32, i32, i32
  }
  func.func @transform_4(%arg0: i32) -> (i32, i32, i32) {
    %c0_i32 = arith.constant 0 : i32
    %c0_i32_0 = arith.constant 0 : i32
    %c0_i32_1 = arith.constant 0 : i32
    return %arg0, %c0_i32, %c0_i32_0 : i32, i32, i32
  }
  func.func @transform_5(%arg0: i32) -> (i32, i32, i32) {
    %c0_i32 = arith.constant 0 : i32
    %c0_i32_0 = arith.constant 0 : i32
    %c0_i32_1 = arith.constant 0 : i32
    return %arg0, %c0_i32, %c0_i32_0 : i32, i32, i32
  }
  func.func @transform_6(%arg0: i32) -> (i32, i32, i32) {
    %c0_i32 = arith.constant 0 : i32
    %c0_i32_0 = arith.constant 0 : i32
    %c0_i32_1 = arith.constant 0 : i32
    return %arg0, %c0_i32, %c0_i32_0 : i32, i32, i32
  }
  func.func @transform_7(%arg0: i32) -> (i32, i32, i32) {
    %c0_i32 = arith.constant 0 : i32
    %c0_i32_0 = arith.constant 0 : i32
    %c0_i32_1 = arith.constant 0 : i32
    return %arg0, %c0_i32, %c0_i32_0 : i32, i32, i32
  }
  func.func @transform_8(%arg0: i32) -> (i32, i32, i32) {
    %c0_i32 = arith.constant 0 : i32
    %c0_i32_0 = arith.constant 0 : i32
    %c0_i32_1 = arith.constant 0 : i32
    return %arg0, %c0_i32, %c0_i32_0 : i32, i32, i32
  }
  func.func @transform_9(%arg0: i32) -> (i32, i32, i32) {
    %c0_i32 = arith.constant 0 : i32
    %c0_i32_0 = arith.constant 0 : i32
    %c0_i32_1 = arith.constant 0 : i32
    return %arg0, %c0_i32, %c0_i32_0 : i32, i32, i32
  }
  func.func @transform_10(%arg0: i32) -> (i32, i32, i32) {
    %c0_i32 = arith.constant 0 : i32
    %c0_i32_0 = arith.constant 0 : i32
    %c0_i32_1 = arith.constant 0 : i32
    return %arg0, %c0_i32, %c0_i32_0 : i32, i32, i32
  }
  func.func @transform_11(%arg0: i32) -> (i32, i32, i32) {
    %c0_i32 = arith.constant 0 : i32
    %c0_i32_0 = arith.constant 0 : i32
    %c0_i32_1 = arith.constant 0 : i32
    return %arg0, %c0_i32, %c0_i32_0 : i32, i32, i32
  }
}

module attributes {stable_mosaic.version = 14 : i64} {
  func.func @_main_body(%arg0: i32, %arg1: i32, %arg2: memref<16xi32, #tpu.memory_space<smem>>, %arg3: memref<16x8xi32, #tpu.memory_space<smem>>, %arg4: memref<4x8x16xf32, #tpu.memory_space<smem>>, %arg5: memref<1x1024x384xf32, #tpu.memory_space<vmem>>, %arg6: memref<8x384x768xf32, #tpu.memory_space<vmem>>, %arg7: memref<8x1x768xf32, #tpu.memory_space<vmem>>, %arg8: memref<8x768x384xf32, #tpu.memory_space<vmem>>, %arg9: memref<8x1x384xf32, #tpu.memory_space<vmem>>, %arg10: memref<1x1024x384xf32, #tpu.memory_space<vmem>>, %arg11: memref<1x1024x384xf32, #tpu.memory_space<vmem>>, %arg12: memref<1x1024x384xf32, #tpu.memory_space<vmem>>, %arg13: memref<1x1024x384xf32, #tpu.memory_space<vmem>>) attributes {dimension_semantics = [#tpu.dimension_semantics<arbitrary>, #tpu.dimension_semantics<arbitrary>], iteration_bounds = array<i64: 16, 8>, scalar_prefetch = 3 : i64, scratch_operands = 0 : i64, tpu.core_type = #tpu.core_type<tc>, window_params = [{transform_indices = @transform_0, window_bounds = array<i64: 1, 1024, 384>}, {pipeline_mode = #tpu.pipeline_mode<synchronous>, transform_indices = @transform_1, window_bounds = array<i64: 8, 384, 768>}, {pipeline_mode = #tpu.pipeline_mode<synchronous>, transform_indices = @transform_2, window_bounds = array<i64: 8, 1, 768>}, {pipeline_mode = #tpu.pipeline_mode<synchronous>, transform_indices = @transform_3, window_bounds = array<i64: 8, 768, 384>}, {pipeline_mode = #tpu.pipeline_mode<synchronous>, transform_indices = @transform_4, window_bounds = array<i64: 8, 1, 384>}, {transform_indices = @transform_5, window_bounds = array<i64: 1, 1024, 384>}, {transform_indices = @transform_6, window_bounds = array<i64: 1, 1024, 384>}, {transform_indices = @transform_7, window_bounds = array<i64: 1, 1024, 384>}, {transform_indices = @transform_8, window_bounds = array<i64: 1, 1024, 384>}]} {
    %eq3A = arith.constant 0 : i32
    %eq3A_0 = arith.cmpi eq, %arg1, %eq3A : i32
    %convert_element_type3A = arith.extui %eq3A_0 : i1 to i32
    %cond3A = arith.constant 0 : i32
    %cond3A_1 = arith.cmpi ne, %convert_element_type3A, %cond3A : i32
    scf.if %cond3A_1 {
      %broadcast_in_dim3A = arith.constant 0.000000e+00 : f32
      %broadcast_in_dim3A_6 = vector.broadcast %broadcast_in_dim3A : f32 to vector<1024x384xf32>
      %swap3A = arith.constant 0 : index
      %swap3A_7 = arith.constant 0 : index
      %swap3A_8 = arith.constant 0 : index
      %swap3A_9 = vector.load %arg10[%swap3A, %swap3A_7, %swap3A_8] : memref<1x1024x384xf32, #tpu.memory_space<vmem>>, vector<1x1024x384xf32>
      %swap3A_10 = vector.shape_cast %swap3A_9 : vector<1x1024x384xf32> to vector<1024x384xf32>
      %swap3A_11 = vector.shape_cast %broadcast_in_dim3A_6 : vector<1024x384xf32> to vector<1x1024x384xf32>
      tpu.vector_store %arg10[%swap3A, %swap3A_7, %swap3A_8], %swap3A_11 {strides = array<i32>} : memref<1x1024x384xf32, #tpu.memory_space<vmem>>, vector<1x1024x384xf32>,
      %broadcast_in_dim3A_12 = arith.constant 0.000000e+00 : f32
      %broadcast_in_dim3A_13 = vector.broadcast %broadcast_in_dim3A_12 : f32 to vector<1024x384xf32>
      %swap3A_14 = arith.constant 0 : index
      %swap3A_15 = arith.constant 0 : index
      %swap3A_16 = arith.constant 0 : index
      %swap3A_17 = vector.load %arg11[%swap3A_14, %swap3A_15, %swap3A_16] : memref<1x1024x384xf32, #tpu.memory_space<vmem>>, vector<1x1024x384xf32>
      %swap3A_18 = vector.shape_cast %swap3A_17 : vector<1x1024x384xf32> to vector<1024x384xf32>
      %swap3A_19 = vector.shape_cast %broadcast_in_dim3A_13 : vector<1024x384xf32> to vector<1x1024x384xf32>
      tpu.vector_store %arg11[%swap3A_14, %swap3A_15, %swap3A_16], %swap3A_19 {strides = array<i32>} : memref<1x1024x384xf32, #tpu.memory_space<vmem>>, vector<1x1024x384xf32>,
      %broadcast_in_dim3A_20 = arith.constant 0.000000e+00 : f32
      %broadcast_in_dim3A_21 = vector.broadcast %broadcast_in_dim3A_20 : f32 to vector<1024x384xf32>
      %swap3A_22 = arith.constant 0 : index
      %swap3A_23 = arith.constant 0 : index
      %swap3A_24 = arith.constant 0 : index
      %swap3A_25 = vector.load %arg12[%swap3A_22, %swap3A_23, %swap3A_24] : memref<1x1024x384xf32, #tpu.memory_space<vmem>>, vector<1x1024x384xf32>
      %swap3A_26 = vector.shape_cast %swap3A_25 : vector<1x1024x384xf32> to vector<1024x384xf32>
      %swap3A_27 = vector.shape_cast %broadcast_in_dim3A_21 : vector<1024x384xf32> to vector<1x1024x384xf32>
      tpu.vector_store %arg12[%swap3A_22, %swap3A_23, %swap3A_24], %swap3A_27 {strides = array<i32>} : memref<1x1024x384xf32, #tpu.memory_space<vmem>>, vector<1x1024x384xf32>,
      %broadcast_in_dim3A_28 = arith.constant 0.000000e+00 : f32
      %broadcast_in_dim3A_29 = vector.broadcast %broadcast_in_dim3A_28 : f32 to vector<1024x384xf32>
      %swap3A_30 = arith.constant 0 : index
      %swap3A_31 = arith.constant 0 : index
      %swap3A_32 = arith.constant 0 : index
      %swap3A_33 = vector.load %arg13[%swap3A_30, %swap3A_31, %swap3A_32] : memref<1x1024x384xf32, #tpu.memory_space<vmem>>, vector<1x1024x384xf32>
      %swap3A_34 = vector.shape_cast %swap3A_33 : vector<1x1024x384xf32> to vector<1024x384xf32>
      %swap3A_35 = vector.shape_cast %broadcast_in_dim3A_29 : vector<1024x384xf32> to vector<1x1024x384xf32>
      tpu.vector_store %arg13[%swap3A_30, %swap3A_31, %swap3A_32], %swap3A_35 {strides = array<i32>} : memref<1x1024x384xf32, #tpu.memory_space<vmem>>, vector<1x1024x384xf32>,
    } else {
    }
    %get3A = arith.index_cast %arg0 : i32 to index
    %get3A_2 = memref.load %arg2[%get3A] : memref<16xi32, #tpu.memory_space<smem>>
    %lt3A = arith.cmpi slt, %arg1, %get3A_2 : i32
    %convert_element_type3A_3 = arith.extui %lt3A : i1 to i32
    %cond3A_4 = arith.constant 0 : i32
    %cond3A_5 = arith.cmpi ne, %convert_element_type3A_3, %cond3A_4 : i32
    scf.if %cond3A_5 {
      %get3A_6 = arith.index_cast %arg0 : i32 to index
      %get3A_7 = arith.index_cast %arg1 : i32 to index
      %get3A_8 = memref.load %arg3[%get3A_6, %get3A_7] : memref<16x8xi32, #tpu.memory_space<smem>>
      %get3A_9 = arith.constant 0 : index
      %get3A_10 = arith.constant 0 : index
      %get3A_11 = arith.constant 0 : index
      %get3A_12 = vector.load %arg5[%get3A_9, %get3A_10, %get3A_11] : memref<1x1024x384xf32, #tpu.memory_space<vmem>>, vector<1x1024x384xf32>
      %get3A_13 = vector.shape_cast %get3A_12 : vector<1x1024x384xf32> to vector<1024x384xf32>
      %get3A_14 = arith.index_cast %get3A_8 : i32 to index
      %get3A_15 = arith.constant 0 : index
      %get3A_16 = arith.constant 0 : index
      %get3A_17 = vector.load %arg6[%get3A_14, %get3A_15, %get3A_16] : memref<8x384x768xf32, #tpu.memory_space<vmem>>, vector<1x384x768xf32>
      %get3A_18 = vector.shape_cast %get3A_17 : vector<1x384x768xf32> to vector<384x768xf32>
      %dot_general3A = arith.constant dense<0.000000e+00> : vector<1024x768xf32>
      %dot_general3A_19 = tpu.matmul %get3A_13, %get3A_18, %dot_general3A {dimension_numbers = #tpu.dot_dimension_numbers<[1], [0], [0], [1], [0, 0, 1, 1], [], []>, transpose_lhs_hint = false} : vector<1024x384xf32>, vector<384x768xf32>, vector<1024x768xf32> -> vector<1024x768xf32>
      %get3A_20 = arith.index_cast %get3A_8 : i32 to index
      %get3A_21 = arith.constant 0 : index
      %get3A_22 = arith.constant 0 : index
      %get3A_23 = vector.load %arg7[%get3A_20, %get3A_21, %get3A_22] : memref<8x1x768xf32, #tpu.memory_space<vmem>>, vector<1x1x768xf32>
      %get3A_24 = vector.shape_cast %get3A_23 : vector<1x1x768xf32> to vector<1x768xf32>
      %add3A = vector.broadcast %get3A_24 : vector<1x768xf32> to vector<1024x768xf32>
      %add3A_25 = arith.addf %dot_general3A_19, %add3A : vector<1024x768xf32>
      %max3A = arith.constant 0.000000e+00 : f32
      %max3A_26 = vector.broadcast %max3A : f32 to vector<1024x768xf32>
      %max3A_27 = arith.maximumf %add3A_25, %max3A_26 : vector<1024x768xf32>
      %get3A_28 = arith.index_cast %get3A_8 : i32 to index
      %get3A_29 = arith.constant 0 : index
      %get3A_30 = arith.constant 0 : index
      %get3A_31 = vector.load %arg8[%get3A_28, %get3A_29, %get3A_30] : memref<8x768x384xf32, #tpu.memory_space<vmem>>, vector<1x768x384xf32>
      %get3A_32 = vector.shape_cast %get3A_31 : vector<1x768x384xf32> to vector<768x384xf32>
      %dot_general3A_33 = arith.constant dense<0.000000e+00> : vector<1024x384xf32>
      %dot_general3A_34 = tpu.matmul %max3A_27, %get3A_32, %dot_general3A_33 {dimension_numbers = #tpu.dot_dimension_numbers<[1], [0], [0], [1], [0, 0, 1, 1], [], []>, transpose_lhs_hint = false} : vector<1024x768xf32>, vector<768x384xf32>, vector<1024x384xf32> -> vector<1024x384xf32>
      %get3A_35 = arith.index_cast %get3A_8 : i32 to index
      %get3A_36 = arith.constant 0 : index
      %get3A_37 = arith.constant 0 : index
      %get3A_38 = vector.load %arg9[%get3A_35, %get3A_36, %get3A_37] : memref<8x1x384xf32, #tpu.memory_space<vmem>>, vector<1x1x384xf32>
      %get3A_39 = vector.shape_cast %get3A_38 : vector<1x1x384xf32> to vector<1x384xf32>
      %add3A_40 = vector.broadcast %get3A_39 : vector<1x384xf32> to vector<1024x384xf32>
      %add3A_41 = arith.addf %dot_general3A_34, %add3A_40 : vector<1024x384xf32>
      %get3A_42 = arith.constant 0 : index
      %get3A_43 = arith.index_cast %get3A_8 : i32 to index
      %get3A_44 = arith.index_cast %arg0 : i32 to index
      %get3A_45 = memref.load %arg4[%get3A_42, %get3A_43, %get3A_44] : memref<4x8x16xf32, #tpu.memory_space<smem>>
      %ne3A = arith.constant 0.000000e+00 : f32
      %ne3A_46 = arith.cmpf one, %get3A_45, %ne3A : f32
      %convert_element_type3A_47 = arith.extui %ne3A_46 : i1 to i32
      %cond3A_48 = arith.constant 0 : i32
      %cond3A_49 = arith.cmpi ne, %convert_element_type3A_47, %cond3A_48 : i32
      scf.if %cond3A_49 {
        %get3A_77 = arith.constant 0 : index
        %get3A_78 = arith.constant 0 : index
        %get3A_79 = arith.constant 0 : index
        %get3A_80 = vector.load %arg10[%get3A_77, %get3A_78, %get3A_79] : memref<1x1024x384xf32, #tpu.memory_space<vmem>>, vector<1x1024x384xf32>
        %get3A_81 = vector.shape_cast %get3A_80 : vector<1x1024x384xf32> to vector<1024x384xf32>
        %mul3A = vector.broadcast %get3A_45 : f32 to vector<1024x384xf32>
        %mul3A_82 = arith.mulf %mul3A, %add3A_41 : vector<1024x384xf32>
        %add3A_83 = arith.addf %get3A_81, %mul3A_82 : vector<1024x384xf32>
        %swap3A = arith.constant 0 : index
        %swap3A_84 = arith.constant 0 : index
        %swap3A_85 = arith.constant 0 : index
        %swap3A_86 = vector.load %arg10[%swap3A, %swap3A_84, %swap3A_85] : memref<1x1024x384xf32, #tpu.memory_space<vmem>>, vector<1x1024x384xf32>
        %swap3A_87 = vector.shape_cast %swap3A_86 : vector<1x1024x384xf32> to vector<1024x384xf32>
        %swap3A_88 = vector.shape_cast %add3A_83 : vector<1024x384xf32> to vector<1x1024x384xf32>
        tpu.vector_store %arg10[%swap3A, %swap3A_84, %swap3A_85], %swap3A_88 {strides = array<i32>} : memref<1x1024x384xf32, #tpu.memory_space<vmem>>, vector<1x1024x384xf32>,
      } else {
      }
      %get3A_50 = arith.constant 1 : index
      %get3A_51 = arith.index_cast %get3A_8 : i32 to index
      %get3A_52 = arith.index_cast %arg0 : i32 to index
      %get3A_53 = memref.load %arg4[%get3A_50, %get3A_51, %get3A_52] : memref<4x8x16xf32, #tpu.memory_space<smem>>
      %ne3A_54 = arith.constant 0.000000e+00 : f32
      %ne3A_55 = arith.cmpf one, %get3A_53, %ne3A_54 : f32
      %convert_element_type3A_56 = arith.extui %ne3A_55 : i1 to i32
      %cond3A_57 = arith.constant 0 : i32
      %cond3A_58 = arith.cmpi ne, %convert_element_type3A_56, %cond3A_57 : i32
      scf.if %cond3A_58 {
        %get3A_77 = arith.constant 0 : index
        %get3A_78 = arith.constant 0 : index
        %get3A_79 = arith.constant 0 : index
        %get3A_80 = vector.load %arg11[%get3A_77, %get3A_78, %get3A_79] : memref<1x1024x384xf32, #tpu.memory_space<vmem>>, vector<1x1024x384xf32>
        %get3A_81 = vector.shape_cast %get3A_80 : vector<1x1024x384xf32> to vector<1024x384xf32>
        %mul3A = vector.broadcast %get3A_53 : f32 to vector<1024x384xf32>
        %mul3A_82 = arith.mulf %mul3A, %add3A_41 : vector<1024x384xf32>
        %add3A_83 = arith.addf %get3A_81, %mul3A_82 : vector<1024x384xf32>
        %swap3A = arith.constant 0 : index
        %swap3A_84 = arith.constant 0 : index
        %swap3A_85 = arith.constant 0 : index
        %swap3A_86 = vector.load %arg11[%swap3A, %swap3A_84, %swap3A_85] : memref<1x1024x384xf32, #tpu.memory_space<vmem>>, vector<1x1024x384xf32>
        %swap3A_87 = vector.shape_cast %swap3A_86 : vector<1x1024x384xf32> to vector<1024x384xf32>
        %swap3A_88 = vector.shape_cast %add3A_83 : vector<1024x384xf32> to vector<1x1024x384xf32>
        tpu.vector_store %arg11[%swap3A, %swap3A_84, %swap3A_85], %swap3A_88 {strides = array<i32>} : memref<1x1024x384xf32, #tpu.memory_space<vmem>>, vector<1x1024x384xf32>,
      } else {
      }
      %get3A_59 = arith.constant 2 : index
      %get3A_60 = arith.index_cast %get3A_8 : i32 to index
      %get3A_61 = arith.index_cast %arg0 : i32 to index
      %get3A_62 = memref.load %arg4[%get3A_59, %get3A_60, %get3A_61] : memref<4x8x16xf32, #tpu.memory_space<smem>>
      %ne3A_63 = arith.constant 0.000000e+00 : f32
      %ne3A_64 = arith.cmpf one, %get3A_62, %ne3A_63 : f32
      %convert_element_type3A_65 = arith.extui %ne3A_64 : i1 to i32
      %cond3A_66 = arith.constant 0 : i32
      %cond3A_67 = arith.cmpi ne, %convert_element_type3A_65, %cond3A_66 : i32
      scf.if %cond3A_67 {
        %get3A_77 = arith.constant 0 : index
        %get3A_78 = arith.constant 0 : index
        %get3A_79 = arith.constant 0 : index
        %get3A_80 = vector.load %arg12[%get3A_77, %get3A_78, %get3A_79] : memref<1x1024x384xf32, #tpu.memory_space<vmem>>, vector<1x1024x384xf32>
        %get3A_81 = vector.shape_cast %get3A_80 : vector<1x1024x384xf32> to vector<1024x384xf32>
        %mul3A = vector.broadcast %get3A_62 : f32 to vector<1024x384xf32>
        %mul3A_82 = arith.mulf %mul3A, %add3A_41 : vector<1024x384xf32>
        %add3A_83 = arith.addf %get3A_81, %mul3A_82 : vector<1024x384xf32>
        %swap3A = arith.constant 0 : index
        %swap3A_84 = arith.constant 0 : index
        %swap3A_85 = arith.constant 0 : index
        %swap3A_86 = vector.load %arg12[%swap3A, %swap3A_84, %swap3A_85] : memref<1x1024x384xf32, #tpu.memory_space<vmem>>, vector<1x1024x384xf32>
        %swap3A_87 = vector.shape_cast %swap3A_86 : vector<1x1024x384xf32> to vector<1024x384xf32>
        %swap3A_88 = vector.shape_cast %add3A_83 : vector<1024x384xf32> to vector<1x1024x384xf32>
        tpu.vector_store %arg12[%swap3A, %swap3A_84, %swap3A_85], %swap3A_88 {strides = array<i32>} : memref<1x1024x384xf32, #tpu.memory_space<vmem>>, vector<1x1024x384xf32>,
      } else {
      }
      %get3A_68 = arith.constant 3 : index
      %get3A_69 = arith.index_cast %get3A_8 : i32 to index
      %get3A_70 = arith.index_cast %arg0 : i32 to index
      %get3A_71 = memref.load %arg4[%get3A_68, %get3A_69, %get3A_70] : memref<4x8x16xf32, #tpu.memory_space<smem>>
      %ne3A_72 = arith.constant 0.000000e+00 : f32
      %ne3A_73 = arith.cmpf one, %get3A_71, %ne3A_72 : f32
      %convert_element_type3A_74 = arith.extui %ne3A_73 : i1 to i32
      %cond3A_75 = arith.constant 0 : i32
      %cond3A_76 = arith.cmpi ne, %convert_element_type3A_74, %cond3A_75 : i32
      scf.if %cond3A_76 {
        %get3A_77 = arith.constant 0 : index
        %get3A_78 = arith.constant 0 : index
        %get3A_79 = arith.constant 0 : index
        %get3A_80 = vector.load %arg13[%get3A_77, %get3A_78, %get3A_79] : memref<1x1024x384xf32, #tpu.memory_space<vmem>>, vector<1x1024x384xf32>
        %get3A_81 = vector.shape_cast %get3A_80 : vector<1x1024x384xf32> to vector<1024x384xf32>
        %mul3A = vector.broadcast %get3A_71 : f32 to vector<1024x384xf32>
        %mul3A_82 = arith.mulf %mul3A, %add3A_41 : vector<1024x384xf32>
        %add3A_83 = arith.addf %get3A_81, %mul3A_82 : vector<1024x384xf32>
        %swap3A = arith.constant 0 : index
        %swap3A_84 = arith.constant 0 : index
        %swap3A_85 = arith.constant 0 : index
        %swap3A_86 = vector.load %arg13[%swap3A, %swap3A_84, %swap3A_85] : memref<1x1024x384xf32, #tpu.memory_space<vmem>>, vector<1x1024x384xf32>
        %swap3A_87 = vector.shape_cast %swap3A_86 : vector<1x1024x384xf32> to vector<1024x384xf32>
        %swap3A_88 = vector.shape_cast %add3A_83 : vector<1024x384xf32> to vector<1x1024x384xf32>
        tpu.vector_store %arg13[%swap3A, %swap3A_84, %swap3A_85], %swap3A_88 {strides = array<i32>} : memref<1x1024x384xf32, #tpu.memory_space<vmem>>, vector<1x1024x384xf32>,
      } else {
      }
    } else {
    }
    return
  }
  func.func @transform_0(%arg0: i32, %arg1: i32, %arg2: memref<16xi32, #tpu.memory_space<smem>>, %arg3: memref<16x8xi32, #tpu.memory_space<smem>>, %arg4: memref<4x8x16xf32, #tpu.memory_space<smem>>) -> (i32, i32, i32) {
    %c0_i32 = arith.constant 0 : i32
    %c0_i32_0 = arith.constant 0 : i32
    %c0_i32_1 = arith.constant 0 : i32
    return %arg0, %c0_i32, %c0_i32_0 : i32, i32, i32
  }
  func.func @transform_1(%arg0: i32, %arg1: i32, %arg2: memref<16xi32, #tpu.memory_space<smem>>, %arg3: memref<16x8xi32, #tpu.memory_space<smem>>, %arg4: memref<4x8x16xf32, #tpu.memory_space<smem>>) -> (i32, i32, i32) {
    %c0_i32 = arith.constant 0 : i32
    %c0_i32_0 = arith.constant 0 : i32
    %c0_i32_1 = arith.constant 0 : i32
    %c0_i32_2 = arith.constant 0 : i32
    return %c0_i32, %c0_i32_0, %c0_i32_1 : i32, i32, i32
  }
  func.func @transform_2(%arg0: i32, %arg1: i32, %arg2: memref<16xi32, #tpu.memory_space<smem>>, %arg3: memref<16x8xi32, #tpu.memory_space<smem>>, %arg4: memref<4x8x16xf32, #tpu.memory_space<smem>>) -> (i32, i32, i32) {
    %c0_i32 = arith.constant 0 : i32
    %c0_i32_0 = arith.constant 0 : i32
    %c0_i32_1 = arith.constant 0 : i32
    %c0_i32_2 = arith.constant 0 : i32
    return %c0_i32, %c0_i32_0, %c0_i32_1 : i32, i32, i32
  }
  func.func @transform_3(%arg0: i32, %arg1: i32, %arg2: memref<16xi32, #tpu.memory_space<smem>>, %arg3: memref<16x8xi32, #tpu.memory_space<smem>>, %arg4: memref<4x8x16xf32, #tpu.memory_space<smem>>) -> (i32, i32, i32) {
    %c0_i32 = arith.constant 0 : i32
    %c0_i32_0 = arith.constant 0 : i32
    %c0_i32_1 = arith.constant 0 : i32
    %c0_i32_2 = arith.constant 0 : i32
    return %c0_i32, %c0_i32_0, %c0_i32_1 : i32, i32, i32
  }
  func.func @transform_4(%arg0: i32, %arg1: i32, %arg2: memref<16xi32, #tpu.memory_space<smem>>, %arg3: memref<16x8xi32, #tpu.memory_space<smem>>, %arg4: memref<4x8x16xf32, #tpu.memory_space<smem>>) -> (i32, i32, i32) {
    %c0_i32 = arith.constant 0 : i32
    %c0_i32_0 = arith.constant 0 : i32
    %c0_i32_1 = arith.constant 0 : i32
    %c0_i32_2 = arith.constant 0 : i32
    return %c0_i32, %c0_i32_0, %c0_i32_1 : i32, i32, i32
  }
  func.func @transform_5(%arg0: i32, %arg1: i32, %arg2: memref<16xi32, #tpu.memory_space<smem>>, %arg3: memref<16x8xi32, #tpu.memory_space<smem>>, %arg4: memref<4x8x16xf32, #tpu.memory_space<smem>>) -> (i32, i32, i32) {
    %c0_i32 = arith.constant 0 : i32
    %c0_i32_0 = arith.constant 0 : i32
    %c0_i32_1 = arith.constant 0 : i32
    return %arg0, %c0_i32, %c0_i32_0 : i32, i32, i32
  }
  func.func @transform_6(%arg0: i32, %arg1: i32, %arg2: memref<16xi32, #tpu.memory_space<smem>>, %arg3: memref<16x8xi32, #tpu.memory_space<smem>>, %arg4: memref<4x8x16xf32, #tpu.memory_space<smem>>) -> (i32, i32, i32) {
    %c0_i32 = arith.constant 0 : i32
    %c0_i32_0 = arith.constant 0 : i32
    %c0_i32_1 = arith.constant 0 : i32
    return %arg0, %c0_i32, %c0_i32_0 : i32, i32, i32
  }
  func.func @transform_7(%arg0: i32, %arg1: i32, %arg2: memref<16xi32, #tpu.memory_space<smem>>, %arg3: memref<16x8xi32, #tpu.memory_space<smem>>, %arg4: memref<4x8x16xf32, #tpu.memory_space<smem>>) -> (i32, i32, i32) {
    %c0_i32 = arith.constant 0 : i32
    %c0_i32_0 = arith.constant 0 : i32
    %c0_i32_1 = arith.constant 0 : i32
    return %arg0, %c0_i32, %c0_i32_0 : i32, i32, i32
  }
  func.func @transform_8(%arg0: i32, %arg1: i32, %arg2: memref<16xi32, #tpu.memory_space<smem>>, %arg3: memref<16x8xi32, #tpu.memory_space<smem>>, %arg4: memref<4x8x16xf32, #tpu.memory_space<smem>>) -> (i32, i32, i32) {
    %c0_i32 = arith.constant 0 : i32
    %c0_i32_0 = arith.constant 0 : i32
    %c0_i32_1 = arith.constant 0 : i32
    return %arg0, %c0_i32, %c0_i32_0 : i32, i32, i32
  }
}

</mosaic_0001>

<sc_bundles>
// kernel: kernel.6.cloned.1.call-start
scs
__scs_entry_jumppad:
0x0: {  	(pc) =	sbr.rel $0x88, $3  }
0x1: {  	(tag) =	ssettag $0x0;
	lr =	simm.s32 $0x1  }
0x2: {  	[smem:$0x3F95] =	sst lr;
	_ =	strace $0xD0000000  }
0x3: {  	_ = 	snop  }
0x4: {  	_ = 	snop  }
0x5: {  	_ = 	snop  }
0x6: {  	_ = 	snop  }
0x7: {  	_ = 	snop  }
__scs_overlays_trampoline_lowered:
0x8: {  	[smem:$0x3FA4] =	sst s0  }
0x9: {  	[smem:$0x3FA5] =	sst s1  }
0xa: {  	[smem:$0x3FA6] =	sst s2  }
0xb: {  	[smem:$0x3FA7] =	sst s3  }
0xc: {  	[smem:$0x3FA8] =	sst s4  }
0xd: {  	[smem:$0x3FA9] =	sst s5  }
0xe: {  	[smem:$0x3FAA] =	sst s6  }
0xf: {  	[smem:$0x3FAB] =	sst s7  }
0x10: {  	[smem:$0x3FAC] =	sst s8  }
0x11: {  	[smem:$0x3FAD] =	sst s9;
	s0 =	simm.s32 @!p0 $0x0  }
0x12: {  	s1 =	sld [smem:$0x3F93];
	s0 =	simm.s32 @p0 $0x1  }
0x13: {  	[smem:$0x3FAE] =	sst s0;
	s0 =	simm.s32 @!p1 $0x0  }
0x14: {  	s2 =	sld [smem:$0x3F92];
	s0 =	simm.s32 @p1 $0x1  }
0x15: {  	[smem:$0x3FAF] =	sst s0;
	s0 =	simm.s32 @!p2 $0x0  }
0x16: {  	s3 =	sld [smem:$0x3FDB];
	s0 =	simm.s32 @p2 $0x1  }
0x17: {  	s4 =	simm.s32 $0x1BF5;
	[smem:$0x3FB1] =	sst s0  }
0x18: {  	s0 =	sld [smem:$0x3F94];
	_ =	swait.ge [sflag:s4], $0x0  }
0x19: {  	s7 =	sld [smem:$0x3F95]  }
0x1a: {  	s8 =	sadd.s32 $0xFFFFE003, lr  }
0x1b: {  	s9 =	sadd.s32 $0xFFFFFEF7, lr;
	s5 =	simm.s32 $0xFFFFFFFF;
	p2 =	slt.u32 s8, $0xFFFFF086  }
0x1c: {  	p1 =	slt.u32 s9, $0xF7A;
	s5 =	simm.s32 @!p2 $0x0  }
0x1d: {  	s5 =	simm.s32 @p1 $0x1;
	p0 =	seq.s32 s7, s2  }
0x1e: {  	s7 =	smul.u32 @!p0 $0xF7A, s2;
	p2 =	seq.s32 @!p0 s5, $0x0  }
0x1f: {  	s9 =	smul.u32 $0xF7A, s1;
	s8 =	simm.s32 @!p0 $0x1BF5;
	p2 =	por !p2, p0  }
0x20: {  	[sflag:s8] =	ssyncset.s32 @!p0 $0xFFFFF086;
	s6 =	sadd.s32 @!p0 s3, s7;
	s7 =	simm.s32 @!p0 $0x108  }
0x21: {  	s3 =	sadd.s32 s3, s9;
	s6 =	sadd.s32 @!p0 $0x88, s6;
	s7 =	simm.s32 @p2 $0x1082  }
0x22: {  	[simem:s7], [sflag:s8] =	dma.local @!p0 [hbm:s6], $0xF7A  }
0x23: {  	s9 =	sor.u32 $0xD0000000, s2;
	s6 =	simm.s32 $0x108;
	_ =	swait.ge @!p0 [sflag:s8], $0x0  }
0x24: {  	s3 =	sadd.s32 $0x88, s3;
	s6 =	simm.s32 @!p1 $0x1082;
	[sflag:s4] =	ssyncset.s32 $0xFFFFF086  }
0x25: {  	[simem:s6], [sflag:s4] =	dma.local [hbm:s3], $0xF7A  }
0x26: {  	[smem:$0x3F95] =	sst s1;
	(tag) =	ssettag s2;
	_ =	strace s9  }
0x27: {  	s1 =	sld [smem:$0x3FA5]  }
0x28: {  	s2 =	sld [smem:$0x3FA6]  }
0x29: {  	s4 =	sld [smem:$0x3FA8]  }
0x2a: {  	p0 =	seq.s32 s5, $0x0;
	s5 =	sld [smem:$0x3FA9]  }
0x2b: {  	s6 =	sld [smem:$0x3FAA]  }
0x2c: {  	s7 =	sld [smem:$0x3FAB]  }
0x2d: {  	s3 =	simm.s32 $0x108;
	s8 =	sld [smem:$0x3FAC]  }
0x2e: {  	s3 =	simm.s32 @!p0 $0x1082;
	s9 =	sld [smem:$0x3FAD]  }
0x2f: {  	lr =	sadd.s32 s0, s3;
	s0 =	sld [smem:$0x3FA4]  }
0x30: {  	s3 =	sld [smem:$0x3FA7]  }
0x31: {  	[smem:$0x3FB0] =	sst s10  }
0x32: {  	s10 =	sld [smem:$0x3FAE];
	_ =	sdelay $0x3  }
0x33: {  	p0 =	seq.s32 s10, $0x1;
	s10 =	sld [smem:$0x3FB0];
	_ =	sdelay $0x3  }
0x34: {  	[smem:$0x3FB0] =	sst s10  }
0x35: {  	s10 =	sld [smem:$0x3FAF];
	_ =	sdelay $0x3  }
0x36: {  	p1 =	seq.s32 s10, $0x1;
	s10 =	sld [smem:$0x3FB0];
	_ =	sdelay $0x3  }
0x37: {  	[smem:$0x3FB0] =	sst s10  }
0x38: {  	s10 =	sld [smem:$0x3FB1]  }
0x39: {  	_ = 	snop;
	(pc) =	sbr.ind lr, $3  }
0x3a: {  	_ = 	snop  }
0x3b: {  	_ = 	snop  }
0x3c: {  	p2 =	seq.s32 s10, $0x1;
	s10 =	sld [smem:$0x3FB0]  }
0x3d: {  	_ =	shalt  }
0x3e: {  	_ =	shalt  }
0x3f: {  	_ =	shalt  }
0x40: {  	_ =	shalt  }
0x41: {  	_ =	shalt  }
0x42: {  	_ =	shalt  }
0x43: {  	_ =	shalt  }
0x44: {  	_ =	shalt  }
0x45: {  	_ =	shalt  }
0x46: {  	_ =	shalt  }
0x47: {  	_ =	shalt  }
0x48: {  	_ =	shalt  }
0x49: {  	_ =	shalt  }
0x4a: {  	_ =	shalt  }
0x4b: {  	_ =	shalt  }
0x4c: {  	_ =	shalt  }
0x4d: {  	_ =	shalt  }
0x4e: {  	_ =	shalt  }
0x4f: {  	_ =	shalt  }
0x50: {  	_ =	shalt  }
0x51: {  	_ =	shalt  }
0x52: {  	_ =	shalt  }
0x53: {  	_ =	shalt  }
0x54: {  	_ =	shalt  }
0x55: {  	_ =	shalt  }
0x56: {  	_ =	shalt  }
0x57: {  	_ =	shalt  }
0x58: {  	_ =	shalt  }
0x59: {  	_ =	shalt  }
0x5a: {  	_ =	shalt  }
0x5b: {  	_ =	shalt  }
0x5c: {  	_ =	shalt  }
0x5d: {  	_ =	shalt  }
0x5e: {  	_ =	shalt  }
0x5f: {  	_ =	shalt  }
0x60: {  	_ =	shalt  }
0x61: {  	_ =	shalt  }
0x62: {  	_ =	shalt  }
0x63: {  	_ =	shalt  }
0x64: {  	_ =	shalt  }
0x65: {  	_ =	shalt  }
0x66: {  	_ =	shalt  }
0x67: {  	_ =	shalt  }
0x68: {  	_ =	shalt  }
0x69: {  	_ =	shalt  }
0x6a: {  	_ =	shalt  }
0x6b: {  	_ =	shalt  }
0x6c: {  	_ =	shalt  }
0x6d: {  	_ =	shalt  }
0x6e: {  	_ =	shalt  }
0x6f: {  	_ =	shalt  }
0x70: {  	_ =	shalt  }
0x71: {  	_ =	shalt  }
0x72: {  	_ =	shalt  }
0x73: {  	_ =	shalt  }
0x74: {  	_ =	shalt  }
0x75: {  	_ =	shalt  }
0x76: {  	_ =	shalt  }
0x77: {  	_ =	shalt  }
0x78: {  	_ =	shalt  }
0x79: {  	_ =	shalt  }
0x7a: {  	_ =	shalt  }
0x7b: {  	_ =	shalt  }
0x7c: {  	_ =	shalt  }
0x7d: {  	_ =	shalt  }
0x7e: {  	_ =	shalt  }
0x7f: {  	_ =	shalt  }
0x80: {  	_ =	shalt  }
0x81: {  	_ =	shalt  }
0x82: {  	_ =	shalt  }
0x83: {  	_ =	shalt  }
0x84: {  	_ =	shalt  }
0x85: {  	_ =	shalt  }
0x86: {  	_ =	shalt  }
0x87: {  	_ =	shalt  }
.Lfunc_end0:
.L_simem_size_0:
called_computation_lowered:
.L_overlay_start_0:
0x88: {  	s2 =	sld [smem:$0x3FD9]  }
0x89: {  	s3 =	sld [smem:$0x3FFE];
	_ =	sdelay $0x1  }
0x8a: {  	s1 =	srdreg.scid  }
0x8b: {  	s0 =	sand.u32 $0x1, s1  }
0x8c: {  	s14 =	sshll.u32 s0, $0xA;
	s2 =	sadd.s32 s3, s2  }
0x8d: {  	s2 =	sadd.s32 s2, s14  }
0x8e: {  	[smem:$0x3FBC] =	sst s2  }
0x8f: {  	_ = 	snop  }
0x90: {  	s2 =	sld [smem:$0x3FD0];
	_ =	sdelay $0x2  }
0x91: {  	s15 =	simm.s32 $0xA;
	s4 =	simm.s32 $0x10  }
0x92: {  	[smem:s4], [sflag:s15] =	dma.local [hbm:s2], $0x1  }
0x93: {  	_ =	swait.eq [sflag:s15], $0x1  }
0x94: {  	s16 =	sld [smem:$0x10];
	[sflag:s15] =	ssyncset.done $0x0  }
0x95: {  	s17 =	sld [smem:$0x11];
	[sflag:s15] =	ssyncadd.s32 $0xFFFFFFFF  }
0x96: {  	s18 =	sld [smem:$0x12];
	(tm) =	ssettm $0x1  }
0x97: {  	s5 =	sld [smem:$0x3FFB];
	_ =	sdelay $0x3  }
0x98: {  	_ =	strace s5  }
0x99: {  	s5 =	sld [smem:$0x3FFC];
	_ =	sdelay $0x3  }
0x9a: {  	_ =	strace s5  }
0x9b: {  	s5 =	sld [smem:$0x3FFD];
	_ =	sdelay $0x3  }
0x9c: {  	_ =	strace s5  }
0x9d: {  	_ =	strace $0x8FFFFFFF  }
0x9e: {  	s19 =	sld [smem:$0x3FDB];
	_ =	sdelay $0x1  }
0x9f: {  	s6 =	simm.s32 $_scs_section_size  }
0xa0: {  	s7 =	simm.s32 $_size__tile_overlayer_lowered;
	s8 =	simm.s32 $_tile_overlayer_lowered  }
0xa1: {  	s22 =	simm.s32 $0x1BFF;
	s21 =	sshll.u32 s8, $0x1;
	s5 =	sadd.s32 s6, s19  }
0xa2: {  	s9 =	simm.s32 $0x0;
	s20 =	sshll.u32 s7, $0x1;
	s7 =	sadd.s32 s21, s5  }
0xa3: {  	[timem:s9], [sflag:s22] =	dma.local [hbm:s7], s20  }
0xa4: {  	_ =	swait.ge [sflag:s22], s20  }
0xa5: {  	s6 =	ssub.s32 $0x0, s20;
	[sflag:s22] =	ssyncset.done $0x0  }
0xa6: {  	[sflag:s22] =	ssyncadd.s32 s6;
	_ =	sdelay $0x1  }
0xa7: {  	s23 =	simm.s32 $0x1B8B  }
0xa8: {  	_ =	swait.ge [sflag:s23], $0x1  }
0xa9: {  	[sflag:s23] =	ssyncset.done $0x0  }
0xaa: {  	s25 =	simm.s32 $0x1B8E;
	s24 =	sld [smem:$0x3FFE];
	[sflag:s23] =	ssyncadd.s32 $0xFFFFFFFF  }
0xab: {  	s26 =	simm.s32 $execute0_lowered;
	[smem:$0x3FD2] =	sst s25  }
0xac: {  	s7 =	sshll.u32 s26, $0x1;
	_ =	strace $0x80000046;
	[dreg:$0x1] =	wrdreg $0xFFFFFFFF  }
0xad: {  	s28 =	simm.s32 $_size_execute0_lowered;
	s5 =	sadd.s32 s5, s7;
	[dreg:$0x0] =	wrdreg $0x0  }
0xae: {  	s7 =	sshll.u32 s28, $0x1;
	[dreg:$0x2] =	wrdreg s5  }
0xaf: {  	[dreg:$0x3] =	wrdreg s7  }
0xb0: {  	[dreg:$0x4] =	wrdreg $0xC0  }
0xb1: {  	_ =	task [dreg:s9], $0x5FFFF  }
0xb2: {  	[dreg:$0x1] =	wrdreg $0xFFFFFFFF  }
0xb3: {  	[dreg:$0x0] =	wrdreg $0x60  }
0xb4: {  	[dreg:$0x2] =	wrdreg s18  }
0xb5: {  	[dreg:$0x3] =	wrdreg s17  }
0xb6: {  	[dreg:$0x4] =	wrdreg s16  }
0xb7: {  	[dreg:$0x5] =	wrdreg s24  }
0xb8: {  	[dreg:$0x6] =	wrdreg $0x9  }
0xb9: {  	_ =	task.clear_ibuf [dreg:s9], $0x7FFFF;
	_ =	strace $0x90000046  }
0xba: {  	s29 =	simm.s32 $0x9;
	_ =	strace $0x80000048  }
0xbb: {  	_ =	swait.ge [sflag:s29], $0x1  }
0xbc: {  	[sflag:s29] =	ssyncadd.s32 $0xFFFFFFFF  }
0xbd: {  	_ =	strace $0x90000048  }
0xbe: {  	_ =	sfence  }
0xbf: {  	s30 =	sld [smem:$0x0];
	_ =	sdelay $0x2  }
0xc0: {  	s31 =	sshll.u32 s1, $0xD;
	s1 =	sshrl.u32 s1, $0x2  }
0xc1: {  	s3 =	sand.u32 $0x4000, s31;
	s1 =	sadd.s32 s1, s30  }
0xc2: {  	s0 =	sor.u32 s3, s0;
	s1 =	sshll.u32 s1, $0x11  }
0xc3: {  	s0 =	sor.u32 s1, s0  }
0xc4: {  	s0 =	sadd.s32 $0x8F2B, s0  }
0xc5: {  	[sflag:s0] =	ssyncadd.remote.s32 $0x1  }
0xc6: {  	_ =	sfence.sel $0xFFFF  }
0xc7: {  	[dreg:$0x0] =	wrdreg $0xFFFFFFFF;
	(pc) =	sbr.abs _section_cstart, $3  }
0xc8: {  	[dreg:$0x1] =	wrdreg $0xFFFFFFFF  }
0xc9: {  	_ =	task.clear_ibuf [dreg:s9], $0x2FFFF;
	_ =	strace $0x9FFFFFFF  }
0xca: {  	(tm) =	ssettm $0x7FFFFFFF  }
0xcb: {  	_ =	shalt  }
tec
execute0_lowered:
.L_overlay_start_1:
0x0: {  	(tag) =	ssettag $0x1  }
0x1: {  	s1 =	srdreg.scid  }
0x2: {  	s6 =	sand.u32 $0x1, s1;
	s1 =	stileid.u32  }
0x3: {  	s7 =	sor.u32 s1, s6  }
0x4: {  	p0 =	sne.s32 s7, $0x0  }
.Ltmp0:
0x5: {  	s0 =	rddreg [dreg:$0x0];
	(pc) =	sbr.rel @p0 .LBB2_3-.Ltmp0, $4  }
0x6: {  	s2 =	rddreg [dreg:$0x1]  }
0x7: {  	s4 =	rddreg [dreg:$0x2]  }
0x8: {  	s5 =	rddreg [dreg:$0x3]  }
0x9: {  	s3 =	rddreg [dreg:$0x4];
	_ =	strace $0x80000047  }
0xa: {  	v0 =	vimm.s32 $0x0;
	v1 =	vimm.s32 $0x8  }
0xb: {  	s6 =	ssub.s32 $0x2, s6;
	s5 =	sadd.s32 $0x2400, s5;
	v2 =	vimm.s32 $0x7;
	v3 =	vimm.s32 $0x6;
	v4 =	vimm.s32 $0x5;
	s8 =	simm.s32 $0x1  }
0xc: {  	v5 =	vimm.s32 $0x4;
	v6 =	vimm.s32 $0x3;
	v9 =	vlaneseq.u32;
	s9 =	simm.s32 $0x2080;
	s10 =	simm.s32 $0x1000;
	s7 =	sshrl.u32 s6, $0x1  }
0xd: {  	v7 =	vimm.s32 $0x2;
	v8 =	vimm.s32 $0x1;
	s11 =	simm.s32 $0x2000;
	v9 =	vmul.u32 $0x8, v9;
	s6 =	ssub.s32 s6, s7;
	s7 =	simm.s32 $0x0  }
.LBB2_2:
0xe: {  	[tilespmem:s7], [sflag:$0x1] =	stream.linear.gather [hbm4b:s0+s7], $0x1000, $0x38;
	[tilespmem:$0x2100] =	vst v63  }
0xf: {  	_ =	swait.ge [sflag:s8], $0x1000  }
0x10: {  	[sflag:s8] =	ssyncset.done $0x0  }
0x11: {  	[sflag:s8] =	ssyncadd.s32 $0xFFFFF000  }
0x12: {  	v10 =	vld [tilespmem:$0x0]  }
0x13: {  	v11 =	vld [tilespmem:$0x80]  }
0x14: {  	v12 =	vld [tilespmem:$0x100]  }
0x15: {  	v13 =	vld [tilespmem:$0x180]  }
0x16: {  	v14 =	vld [tilespmem:$0x200]  }
0x17: {  	v15 =	vld [tilespmem:$0x280]  }
0x18: {  	v16 =	vld [tilespmem:$0x300];
	v17 =	vmax.f32 v10, v11  }
0x19: {  	v18 =	vld [tilespmem:$0x380];
	v17 =	vmax.f32 v17, v12  }
0x1a: {  	v17 =	vmax.f32 v17, v13  }
0x1b: {  	v17 =	vmax.f32 v17, v14  }
0x1c: {  	v17 =	vmax.f32 v17, v15  }
0x1d: {  	v17 =	vmax.f32 v17, v16  }
0x1e: {  	v17 =	vmax.f32 v17, v18  }
0x1f: {  	v10 =	vsub.f32 v10, v17  }
0x20: {  	v11 =	vsub.f32 v11, v17  }
0x21: {  	v10 =	vmul.f32 $1.442695020e+00, v10  }
0x22: {  	v12 =	vsub.f32 v12, v17;
	v11 =	vmul.f32 $1.442695020e+00, v11  }
0x23: {  	(erf) = vpow2.f32 v10  }
0x24: {  	v10 =	vmul.f32 $1.442695020e+00, v12;
	(erf) = vpow2.f32 v11;
	v11 =	vsub.f32 v13, v17;
	_ =	sdelay $0x1  }
0x25: {  	(erf) = vpow2.f32 v10;
	v10 =	vmul.f32 $1.442695020e+00, v11;
	v11 =	vsub.f32 v14, v17;
	_ =	sdelay $0x1  }
0x26: {  	(erf) = vpow2.f32 v10;
	v10 =	vmul.f32 $1.442695020e+00, v11;
	v11 =	vsub.f32 v15, v17;
	_ =	sdelay $0x1  }
0x27: {  	(erf) = vpow2.f32 v10;
	v10 =	vmul.f32 $1.442695020e+00, v11;
	v11 =	vsub.f32 v16, v17;
	_ =	sdelay $0x1  }
0x28: {  	v63 =	vpop (erf);
	(erf) = vpow2.f32 v10;
	v10 =	vmul.f32 $1.442695020e+00, v11;
	v11 =	vsub.f32 v18, v17  }
0x29: {  	v21 =	vpop (erf)  }
0x2a: {  	(erf) = vpow2.f32 v10;
	v10 =	vmul.f32 $1.442695020e+00, v11;
	v11 =	vadd.f32 v21, v63;
	_ =	sdelay $0x1  }
0x2b: {  	v22 =	vpop (erf)  }
0x2c: {  	(erf) = vpow2.f32 v10;
	v10 =	vadd.f32 v11, v22  }
0x2d: {  	v11 =	vpop (erf)  }
0x2e: {  	v10 =	vadd.f32 v10, v11  }
0x2f: {  	v23 =	vpop (erf)  }
0x30: {  	v10 =	vadd.f32 v10, v23  }
0x31: {  	v24 =	vpop (erf)  }
0x32: {  	v10 =	vadd.f32 v10, v24  }
0x33: {  	v25 =	vpop (erf)  }
0x34: {  	v10 =	vadd.f32 v10, v25  }
0x35: {  	v26 =	vpop (erf)  }
0x36: {  	v10 =	vadd.f32 v10, v26;
	_ =	sdelay $0x1  }
0x37: {  	(erf) = vrcp.f32 v10;
	_ =	sdelay $0x8  }
0x38: {  	v10 =	vpop (erf)  }
0x39: {  	v12 =	vmul.f32 v10, v63;
	v13 =	vmul.f32 v10, v21  }
0x3a: {  	v14 =	vmul.f32 v10, v22  }
0x3b: {  	v11 =	vmul.f32 v10, v11;
	v19 =	vmax.f32 v12, v13  }
0x3c: {  	v20 =	vmul.f32 v10, v23;
	v27 =	vmax.f32 v19, v14  }
0x3d: {  	v28 =	vmul.f32 v10, v24;
	v15 =	vmax.f32 v27, v11  }
0x3e: {  	v21 =	vmul.f32 v10, v25;
	v15 =	vmax.f32 v15, v20  }
0x3f: {  	v22 =	vmul.f32 v10, v26;
	v10 =	vmax.f32 v15, v28  }
0x40: {  	v10 =	vmax.f32 v10, v21  }
0x41: {  	v23 =	vmax.f32 v10, v22  }
0x42: {  	vm0 =	veq.f32 v22, v23  }
0x43: {  	vm14 =	veq.f32 v21, v23;
	v10 =	vsel vm0, $0x7, v1  }
0x44: {  	vm15 =	veq.f32 v28, v23;
	v10 =	vsel vm14, $0x6, v10  }
0x45: {  	vm4 =	veq.f32 v20, v23;
	v10 =	vsel vm15, $0x5, v10  }
0x46: {  	vm5 =	veq.f32 v11, v23;
	v10 =	vsel vm4, $0x4, v10  }
0x47: {  	vm6 =	veq.f32 v14, v23;
	v10 =	vsel vm5, $0x3, v10  }
0x48: {  	vm7 =	veq.f32 v13, v23;
	vm1 =	vne.f32 v12, v23;
	v10 =	vsel vm6, $0x2, v10  }
0x49: {  	vm12 =	veq.f32 v12, v23;
	vm13 =	vmand vm1, vm7;
	v10 =	vsel vm7, $0x1, v10  }
0x4a: {  	v15 =	vsel vm13, $0xFF800000, v13;
	v24 =	vsel vm12, $0x0, v10  }
0x4b: {  	v10 =	vsel vm12, $0xFF800000, v12;
	vm8 =	veq.s32 v24, $0x2;
	vm9 =	veq.s32 v24, $0x3  }
0x4c: {  	vm10 =	veq.s32 v24, $0x4;
	v17 =	vsel vm9, $0xFF800000, v11;
	v11 =	vimm.s32 $0x0  }
0x4d: {  	v31 =	vmax.f32 v10, v15;
	v16 =	vsel vm8, $0xFF800000, v14;
	v11 =	vsel vm10, $0xFFFFFFFF, v11  }
0x4e: {  	v29 =	vimm.s32 $0x0;
	[tilespmem:$0x1FF10] =	vst v11;
	v11 =	vmax.f32 v31, v16  }
0x4f: {  	vm11 =	veq.s32 v24, $0x5;
	v18 =	vsel vm10, $0xFF800000, v20;
	v11 =	vmax.f32 v11, v17  }
0x50: {  	vm14 =	veq.s32 v24, $0x6;
	v19 =	vsel vm11, $0xFF800000, v28;
	v11 =	vmax.f32 v11, v18  }
0x51: {  	v35 =	vld [tilespmem:$0x400];
	vm15 =	veq.s32 v24, $0x7;
	v20 =	vsel vm14, $0xFF800000, v21;
	v11 =	vmax.f32 v11, v19  }
0x52: {  	v30 =	vimm.s32 $0x0;
	v37 =	vld [tilespmem:$0x480];
	v21 =	vsel vm15, $0xFF800000, v22;
	v11 =	vmax.f32 v11, v20  }
0x53: {  	v39 =	vld [tilespmem:$0x500];
	v36 =	vmul.f32 $1.442695020e+00, v23;
	v12 =	vsel vm8, $0xFFFFFFFF, v29;
	v11 =	vmax.f32 v11, v21  }
0x54: {  	v32 =	vimm.s32 $0x0;
	v40 =	vld [tilespmem:$0x580];
	[tilespmem:$0x1FE00] =	vst v12;
	v12 =	vsel vm9, $0xFFFFFFFF, v30;
	v38 =	vmul.f32 $1.442695020e+00, v11  }
0x55: {  	v33 =	vimm.s32 $0x0;
	v25 =	vld [tilespmem:$0x600];
	(erf) = vpow2.f32 v36;
	[tilespmem:$0x1FE10] =	vst v12;
	v12 =	vsel vm11, $0xFFFFFFFF, v32  }
0x56: {  	v34 =	vimm.s32 $0x0;
	v26 =	vld [tilespmem:$0x680];
	[tilespmem:$0x1FF30] =	vst v12;
	v12 =	vsel vm14, $0xFFFFFFFF, v33;
	(erf) = vpow2.f32 v38  }
0x57: {  	v41 =	vmax.f32 v35, v37;
	[tilespmem:$0x1FFB0] =	vst v12;
	v12 =	vsel vm15, $0xFFFFFFFF, v34  }
0x58: {  	v27 =	vld [tilespmem:$0x700];
	[tilespmem:$0x1FFF0] =	vst v12;
	v12 =	vmax.f32 v41, v39  }
0x59: {  	v28 =	vld [tilespmem:$0x780];
	v12 =	vmax.f32 v12, v40  }
0x5a: {  	v12 =	vmax.f32 v12, v25  }
0x5b: {  	v12 =	vmax.f32 v12, v26;
	_ =	sdelay $0x1  }
0x5c: {  	v42 =	vmax.f32 v12, v27  }
0x5d: {  	v29 =	vmax.f32 v42, v28;
	v12 =	vpop (erf)  }
0x5e: {  	v14 =	vsub.f32 v35, v29;
	v13 =	vpop (erf)  }
0x5f: {  	v22 =	vsub.f32 v37, v29;
	v30 =	vadd.f32 v13, v12  }
0x60: {  	v14 =	vmul.f32 $1.442695020e+00, v14  }
0x61: {  	v23 =	vsub.f32 v39, v29;
	v22 =	vmul.f32 $1.442695020e+00, v22;
	(erf) = vrcp.f32 v30  }
0x62: {  	(erf) = vpow2.f32 v14  }
0x63: {  	v44 =	vsub.f32 v40, v29;
	v43 =	vmul.f32 $1.442695020e+00, v23;
	(erf) = vpow2.f32 v22;
	_ =	sdelay $0x1  }
0x64: {  	v46 =	vsub.f32 v25, v29;
	v45 =	vmul.f32 $1.442695020e+00, v44;
	(erf) = vpow2.f32 v43;
	_ =	sdelay $0x1  }
0x65: {  	v48 =	vsub.f32 v26, v29;
	v47 =	vmul.f32 $1.442695020e+00, v46;
	(erf) = vpow2.f32 v45;
	_ =	sdelay $0x1  }
0x66: {  	v49 =	vsub.f32 v27, v29;
	v22 =	vmul.f32 $1.442695020e+00, v48;
	(erf) = vpow2.f32 v47  }
0x67: {  	v14 =	vpop (erf)  }
0x68: {  	v52 =	vsub.f32 v28, v29;
	v51 =	vmul.f32 $1.442695020e+00, v49;
	v50 =	vpop (erf);
	(erf) = vpow2.f32 v22  }
0x69: {  	v53 =	vpop (erf)  }
0x6a: {  	v54 =	vmul.f32 $1.442695020e+00, v52;
	(erf) = vpow2.f32 v51;
	v55 =	vadd.f32 v53, v50  }
0x6b: {  	v56 =	vpop (erf)  }
0x6c: {  	(erf) = vpow2.f32 v54;
	v57 =	vadd.f32 v55, v56  }
0x6d: {  	v58 =	vpop (erf)  }
0x6e: {  	v22 =	vadd.f32 v57, v58  }
0x6f: {  	v59 =	vpop (erf)  }
0x70: {  	v22 =	vadd.f32 v22, v59  }
0x71: {  	v60 =	vpop (erf)  }
0x72: {  	v22 =	vadd.f32 v22, v60  }
0x73: {  	v61 =	vpop (erf)  }
0x74: {  	v22 =	vadd.f32 v22, v61  }
0x75: {  	v62 =	vpop (erf)  }
0x76: {  	v22 =	vadd.f32 v22, v62;
	_ =	sdelay $0x1  }
0x77: {  	(erf) = vrcp.f32 v22;
	_ =	sdelay $0x8  }
0x78: {  	v22 =	vpop (erf)  }
0x79: {  	v24 =	vmul.f32 v22, v50;
	v25 =	vmul.f32 v22, v53  }
0x7a: {  	v31 =	vmul.f32 v22, v56  }
0x7b: {  	v23 =	vmul.f32 v22, v58;
	v63 =	vmax.f32 v24, v25  }
0x7c: {  	v32 =	vmul.f32 v22, v59;
	v26 =	vmax.f32 v63, v31  }
0x7d: {  	v28 =	vmul.f32 v22, v60;
	v26 =	vmax.f32 v26, v23  }
0x7e: {  	v33 =	vmul.f32 v22, v61;
	v26 =	vmax.f32 v26, v32  }
0x7f: {  	v34 =	vmul.f32 v22, v62;
	v35 =	vmax.f32 v26, v28  }
0x80: {  	v22 =	vmax.f32 v35, v33  }
0x81: {  	v35 =	vmax.f32 v22, v34  }
0x82: {  	vm4 =	veq.f32 v34, v35  }
0x83: {  	vm5 =	veq.f32 v33, v35;
	v36 =	vsel vm4, $0x7, v1  }
0x84: {  	vm6 =	veq.f32 v28, v35;
	v22 =	vsel vm5, $0x6, v36  }
0x85: {  	vm7 =	veq.f32 v32, v35;
	v22 =	vsel vm6, $0x5, v22  }
0x86: {  	vm8 =	veq.f32 v23, v35;
	v22 =	vsel vm7, $0x4, v22  }
0x87: {  	v38 =	vimm.s32 $0x0;
	vm9 =	veq.f32 v31, v35;
	v22 =	vsel vm8, $0x3, v22  }
0x88: {  	vm10 =	veq.f32 v25, v35;
	vm11 =	vne.f32 v24, v35;
	v22 =	vsel vm9, $0x2, v22  }
0x89: {  	vm11 =	vmand vm11, vm10;
	vm5 =	veq.f32 v24, v35;
	v22 =	vsel vm10, $0x1, v22  }
0x8a: {  	v40 =	vimm.s32 $0x0;
	v26 =	vsel vm11, $0xFF800000, v25;
	v36 =	vsel vm5, $0x0, v22  }
0x8b: {  	v22 =	vsel vm5, $0xFF800000, v24;
	vm14 =	veq.s32 v36, $0x2;
	vm15 =	veq.s32 v36, $0x3  }
0x8c: {  	v39 =	vmax.f32 v22, v26;
	vm4 =	veq.s32 v36, $0x4;
	v27 =	vsel vm14, $0xFF800000, v31  }
0x8d: {  	v29 =	vsel vm15, $0xFF800000, v23;
	v23 =	vsel vm4, $0xFFFFFFFF, v40;
	v41 =	vmax.f32 v39, v27  }
0x8e: {  	vm6 =	veq.s32 v36, $0x5;
	v30 =	vsel vm4, $0xFF800000, v32;
	[tilespmem:$0x1FE40] =	vst v23;
	v23 =	vmax.f32 v41, v29  }
0x8f: {  	vm7 =	veq.s32 v36, $0x6;
	v31 =	vsel vm6, $0xFF800000, v28;
	v23 =	vmax.f32 v23, v30  }
0x90: {  	v45 =	vld [tilespmem:$0x800];
	vm8 =	veq.s32 v36, $0x7;
	v32 =	vsel vm7, $0xFF800000, v33;
	v23 =	vmax.f32 v23, v31  }
0x91: {  	v37 =	vimm.s32 $0x0;
	v47 =	vld [tilespmem:$0x880];
	v33 =	vsel vm8, $0xFF800000, v34;
	v23 =	vmax.f32 v23, v32  }
0x92: {  	v49 =	vld [tilespmem:$0x900];
	v46 =	vmul.f32 $1.442695020e+00, v35;
	v24 =	vsel vm14, $0xFFFFFFFF, v37;
	v23 =	vmax.f32 v23, v33  }
0x93: {  	v42 =	vimm.s32 $0x0;
	v50 =	vld [tilespmem:$0x980];
	[tilespmem:$0x1FE20] =	vst v24;
	v24 =	vsel vm15, $0xFFFFFFFF, v38;
	v48 =	vmul.f32 $1.442695020e+00, v23  }
0x94: {  	v43 =	vimm.s32 $0x0;
	(erf) = vpow2.f32 v46;
	v37 =	vld [tilespmem:$0xA00];
	[tilespmem:$0x1FE30] =	vst v24;
	v24 =	vsel vm6, $0xFFFFFFFF, v42  }
0x95: {  	v44 =	vimm.s32 $0x0;
	v38 =	vld [tilespmem:$0xA80];
	[tilespmem:$0x1FE50] =	vst v24;
	v24 =	vsel vm7, $0xFFFFFFFF, v43;
	(erf) = vpow2.f32 v48  }
0x96: {  	v51 =	vmax.f32 v45, v47;
	[tilespmem:$0x1FF80] =	vst v24;
	v24 =	vsel vm8, $0xFFFFFFFF, v44  }
0x97: {  	v39 =	vld [tilespmem:$0xB00];
	[tilespmem:$0x1FE80] =	vst v24;
	v24 =	vmax.f32 v51, v49  }
0x98: {  	v40 =	vld [tilespmem:$0xB80];
	v24 =	vmax.f32 v24, v50  }
0x99: {  	v24 =	vmax.f32 v24, v37  }
0x9a: {  	v24 =	vmax.f32 v24, v38;
	_ =	sdelay $0x1  }
0x9b: {  	v52 =	vmax.f32 v24, v39  }
0x9c: {  	v41 =	vmax.f32 v52, v40;
	v24 =	vpop (erf)  }
0x9d: {  	v28 =	vsub.f32 v45, v41;
	v25 =	vpop (erf)  }
0x9e: {  	v34 =	vsub.f32 v47, v41;
	v42 =	vadd.f32 v25, v24  }
0x9f: {  	v28 =	vmul.f32 $1.442695020e+00, v28  }
0xa0: {  	v35 =	vsub.f32 v49, v41;
	v34 =	vmul.f32 $1.442695020e+00, v34;
	(erf) = vrcp.f32 v42  }
0xa1: {  	(erf) = vpow2.f32 v28  }
0xa2: {  	v54 =	vsub.f32 v50, v41;
	v53 =	vmul.f32 $1.442695020e+00, v35;
	(erf) = vpow2.f32 v34;
	_ =	sdelay $0x1  }
0xa3: {  	v56 =	vsub.f32 v37, v41;
	v55 =	vmul.f32 $1.442695020e+00, v54;
	(erf) = vpow2.f32 v53;
	_ =	sdelay $0x1  }
0xa4: {  	v58 =	vsub.f32 v38, v41;
	v57 =	vmul.f32 $1.442695020e+00, v56;
	(erf) = vpow2.f32 v55;
	_ =	sdelay $0x1  }
0xa5: {  	v59 =	vsub.f32 v39, v41;
	v34 =	vmul.f32 $1.442695020e+00, v58;
	(erf) = vpow2.f32 v57  }
0xa6: {  	v28 =	vpop (erf)  }
0xa7: {  	v62 =	vsub.f32 v40, v41;
	v61 =	vmul.f32 $1.442695020e+00, v59;
	v60 =	vpop (erf);
	(erf) = vpow2.f32 v34  }
0xa8: {  	v63 =	vpop (erf)  }
0xa9: {  	v44 =	vmul.f32 $1.442695020e+00, v62;
	(erf) = vpow2.f32 v61;
	v45 =	vadd.f32 v63, v60  }
0xaa: {  	v46 =	vpop (erf)  }
0xab: {  	(erf) = vpow2.f32 v44;
	v47 =	vadd.f32 v45, v46  }
0xac: {  	v48 =	vpop (erf)  }
0xad: {  	v34 =	vadd.f32 v47, v48  }
0xae: {  	v49 =	vpop (erf)  }
0xaf: {  	v34 =	vadd.f32 v34, v49  }
0xb0: {  	v50 =	vpop (erf)  }
0xb1: {  	v34 =	vadd.f32 v34, v50  }
0xb2: {  	v51 =	vpop (erf)  }
0xb3: {  	v34 =	vadd.f32 v34, v51  }
0xb4: {  	v52 =	vpop (erf)  }
0xb5: {  	v34 =	vadd.f32 v34, v52;
	_ =	sdelay $0x1  }
0xb6: {  	(erf) = vrcp.f32 v34;
	_ =	sdelay $0x8  }
0xb7: {  	v34 =	vpop (erf)  }
0xb8: {  	v36 =	vmul.f32 v34, v60;
	v37 =	vmul.f32 v34, v63  }
0xb9: {  	v38 =	vmul.f32 v34, v46  }
0xba: {  	v43 =	vmul.f32 v34, v48;
	v53 =	vmax.f32 v36, v37  }
0xbb: {  	v39 =	vmul.f32 v34, v49;
	v35 =	vmax.f32 v53, v38  }
0xbc: {  	v44 =	vmul.f32 v34, v50;
	v35 =	vmax.f32 v35, v43  }
0xbd: {  	v41 =	vmul.f32 v34, v51;
	v35 =	vmax.f32 v35, v39  }
0xbe: {  	v45 =	vmul.f32 v34, v52;
	v54 =	vmax.f32 v35, v44  }
0xbf: {  	v34 =	vmax.f32 v54, v41  }
0xc0: {  	v46 =	vmax.f32 v34, v45  }
0xc1: {  	vm9 =	veq.f32 v45, v46  }
0xc2: {  	vm10 =	veq.f32 v41, v46;
	v55 =	vsel vm9, $0x7, v1  }
0xc3: {  	vm14 =	veq.f32 v44, v46;
	v34 =	vsel vm10, $0x6, v55  }
0xc4: {  	vm15 =	veq.f32 v39, v46;
	v34 =	vsel vm14, $0x5, v34  }
0xc5: {  	v56 =	vimm.s32 $0x0;
	vm4 =	veq.f32 v43, v46;
	v34 =	vsel vm15, $0x4, v34  }
0xc6: {  	v57 =	vimm.s32 $0x0;
	vm6 =	veq.f32 v38, v46;
	v34 =	vsel vm4, $0x3, v34  }
0xc7: {  	vm7 =	veq.f32 v37, v46;
	vm8 =	vne.f32 v36, v46;
	v34 =	vsel vm6, $0x2, v34  }
0xc8: {  	vm2 =	veq.f32 v36, v46;
	vm4 =	vmand vm8, vm7;
	v34 =	vsel vm7, $0x1, v34  }
0xc9: {  	v35 =	vsel vm4, $0xFF800000, v37;
	v47 =	vsel vm2, $0x0, v34;
	v34 =	vsel vm2, $0xFF800000, v36  }
0xca: {  	vm15 =	veq.s32 v47, $0x2;
	v36 =	vmax.f32 v34, v35;
	vm9 =	veq.s32 v47, $0x3  }
0xcb: {  	vm10 =	veq.s32 v47, $0x4;
	v37 =	vsel vm15, $0xFF800000, v38;
	v38 =	vsel vm9, $0xFFFFFFFF, v56  }
0xcc: {  	v40 =	vsel vm10, $0xFFFFFFFF, v57;
	[tilespmem:$0x1FE70] =	vst v38;
	v38 =	vsel vm9, $0xFF800000, v43;
	v36 =	vmax.f32 v36, v37  }
0xcd: {  	vm14 =	veq.s32 v47, $0x5;
	[tilespmem:$0x1FEC0] =	vst v40;
	v40 =	vsel vm10, $0xFF800000, v39;
	v36 =	vmax.f32 v36, v38  }
0xce: {  	vm6 =	veq.s32 v47, $0x6;
	v42 =	vsel vm14, $0xFF800000, v44;
	v36 =	vmax.f32 v36, v40  }
0xcf: {  	v61 =	vld [tilespmem:$0xC00];
	vm7 =	veq.s32 v47, $0x7;
	v43 =	vsel vm6, $0xFF800000, v41;
	v36 =	vmax.f32 v36, v42  }
0xd0: {  	v58 =	vimm.s32 $0x0;
	v63 =	vld [tilespmem:$0xC80];
	v45 =	vsel vm7, $0xFF800000, v45;
	v36 =	vmax.f32 v36, v43  }
0xd1: {  	v62 =	vmul.f32 $1.442695020e+00, v46;
	v39 =	vsel vm14, $0xFFFFFFFF, v58;
	v58 =	vld [tilespmem:$0xD00];
	v36 =	vmax.f32 v36, v45  }
0xd2: {  	v48 =	vld [tilespmem:$0xD80];
	v57 =	vmul.f32 $1.442695020e+00, v36  }
0xd3: {  	v59 =	vimm.s32 $0x0;
	v49 =	vld [tilespmem:$0xE00];
	(erf) = vpow2.f32 v62  }
0xd4: {  	v60 =	vimm.s32 $0x0;
	v50 =	vld [tilespmem:$0xE80];
	[tilespmem:$0x1FED0] =	vst v39;
	v39 =	vsel vm6, $0xFFFFFFFF, v59;
	(erf) = vpow2.f32 v57  }
0xd5: {  	v59 =	vmax.f32 v61, v63;
	[tilespmem:$0x1FEF0] =	vst v39;
	v39 =	vsel vm7, $0xFFFFFFFF, v60  }
0xd6: {  	v51 =	vld [tilespmem:$0xF00];
	[tilespmem:$0x1FF50] =	vst v39;
	v39 =	vmax.f32 v59, v58  }
0xd7: {  	v52 =	vld [tilespmem:$0xF80];
	v39 =	vmax.f32 v39, v48  }
0xd8: {  	v39 =	vmax.f32 v39, v49  }
0xd9: {  	v39 =	vmax.f32 v39, v50;
	_ =	sdelay $0x1  }
0xda: {  	v60 =	vmax.f32 v39, v51  }
0xdb: {  	v53 =	vmax.f32 v60, v52;
	v39 =	vpop (erf)  }
0xdc: {  	v44 =	vsub.f32 v61, v53;
	v41 =	vpop (erf)  }
0xdd: {  	v46 =	vsub.f32 v63, v53;
	v54 =	vadd.f32 v41, v39  }
0xde: {  	v44 =	vmul.f32 $1.442695020e+00, v44  }
0xdf: {  	v47 =	vsub.f32 v58, v53;
	v46 =	vmul.f32 $1.442695020e+00, v46;
	(erf) = vrcp.f32 v54  }
0xe0: {  	(erf) = vpow2.f32 v44  }
0xe1: {  	v62 =	vsub.f32 v48, v53;
	v61 =	vmul.f32 $1.442695020e+00, v47;
	(erf) = vpow2.f32 v46;
	_ =	sdelay $0x1  }
0xe2: {  	v48 =	vsub.f32 v49, v53;
	v63 =	vmul.f32 $1.442695020e+00, v62;
	(erf) = vpow2.f32 v61;
	_ =	sdelay $0x1  }
0xe3: {  	v50 =	vsub.f32 v50, v53;
	v49 =	vmul.f32 $1.442695020e+00, v48;
	(erf) = vpow2.f32 v63;
	_ =	sdelay $0x1  }
0xe4: {  	v54 =	vsub.f32 v51, v53;
	v46 =	vmul.f32 $1.442695020e+00, v50;
	(erf) = vpow2.f32 v49  }
0xe5: {  	v44 =	vpop (erf)  }
0xe6: {  	v56 =	vsub.f32 v52, v53;
	v55 =	vmul.f32 $1.442695020e+00, v54;
	(erf) = vpow2.f32 v46;
	v48 =	vpop (erf)  }
0xe7: {  	v49 =	vpop (erf)  }
0xe8: {  	v57 =	vmul.f32 $1.442695020e+00, v56;
	(erf) = vpow2.f32 v55;
	v58 =	vadd.f32 v49, v48  }
0xe9: {  	v59 =	vpop (erf)  }
0xea: {  	(erf) = vpow2.f32 v57;
	v60 =	vadd.f32 v58, v59  }
0xeb: {  	v61 =	vpop (erf)  }
0xec: {  	v46 =	vadd.f32 v60, v61  }
0xed: {  	v62 =	vpop (erf)  }
0xee: {  	v46 =	vadd.f32 v46, v62  }
0xef: {  	v63 =	vpop (erf)  }
0xf0: {  	v46 =	vadd.f32 v46, v63  }
0xf1: {  	v57 =	vpop (erf)  }
0xf2: {  	v46 =	vadd.f32 v46, v57  }
0xf3: {  	v58 =	vpop (erf)  }
0xf4: {  	v46 =	vadd.f32 v46, v58;
	_ =	sdelay $0x1  }
0xf5: {  	(erf) = vrcp.f32 v46;
	_ =	sdelay $0x8  }
0xf6: {  	v46 =	vpop (erf)  }
0xf7: {  	v48 =	vmul.f32 v46, v48;
	v49 =	vmul.f32 v46, v49  }
0xf8: {  	v50 =	vmul.f32 v46, v59  }
0xf9: {  	v47 =	vmul.f32 v46, v61;
	v55 =	vmax.f32 v48, v49  }
0xfa: {  	v51 =	vmul.f32 v46, v62;
	v55 =	vmax.f32 v55, v50  }
0xfb: {  	v52 =	vmul.f32 v46, v63;
	v55 =	vmax.f32 v55, v47  }
0xfc: {  	v53 =	vmul.f32 v46, v57;
	v55 =	vmax.f32 v55, v51  }
0xfd: {  	v46 =	vmul.f32 v46, v58;
	v59 =	vmax.f32 v55, v52  }
0xfe: {  	v54 =	vmax.f32 v59, v53  }
0xff: {  	v13 =	vmul.f32 v14, v13;
	v54 =	vmax.f32 v54, v46  }
0x100: {  	v12 =	vmul.f32 v14, v12;
	v25 =	vmul.f32 v28, v25;
	vm8 =	veq.f32 v46, v54  }
0x101: {  	v56 =	vimm.s32 $0x0;
	vm9 =	veq.f32 v53, v54;
	v60 =	vsel vm8, $0x7, v1  }
0x102: {  	v57 =	vimm.s32 $0x0;
	vm10 =	veq.f32 v52, v54;
	v55 =	vsel vm9, $0x6, v60  }
0x103: {  	v62 =	vimm.s32 $0x0;
	vm14 =	veq.f32 v51, v54;
	v55 =	vsel vm10, $0x5, v55  }
0x104: {  	v63 =	vimm.s32 $0x0;
	vm6 =	veq.f32 v47, v54;
	v55 =	vsel vm14, $0x4, v55  }
0x105: {  	vm7 =	veq.f32 v50, v54;
	vm3 =	vne.f32 v48, v54;
	v55 =	vsel vm6, $0x3, v55  }
0x106: {  	vm0 =	veq.f32 v48, v54;
	vm8 =	veq.f32 v49, v54;
	v55 =	vsel vm7, $0x2, v55  }
0x107: {  	v48 =	vsel vm0, $0xFF800000, v48;
	vm1 =	vmand vm3, vm8;
	v55 =	vsel vm8, $0x1, v55  }
0x108: {  	v54 =	vmul.f32 $1.442695020e+00, v54;
	v49 =	vsel vm1, $0xFF800000, v49;
	v55 =	vsel vm0, $0x0, v55  }
0x109: {  	v60 =	vimm.s32 $0x0;
	v61 =	vmax.f32 v48, v49;
	vm10 =	veq.s32 v55, $0x2  }
0x10a: {  	vm9 =	veq.s32 v55, $0x3;
	vm14 =	veq.s32 v55, $0x4;
	vm6 =	veq.s32 v55, $0x5  }
0x10b: {  	vm7 =	veq.s32 v55, $0x6;
	v50 =	vsel vm10, $0xFF800000, v50;
	v56 =	vsel vm10, $0xFFFFFFFF, v56  }
0x10c: {  	vm8 =	veq.s32 v55, $0x7;
	v47 =	vsel vm9, $0xFF800000, v47;
	[tilespmem:$0x1FE90] =	vst v56;
	v56 =	vmax.f32 v61, v50  }
0x10d: {  	v57 =	vsel vm9, $0xFFFFFFFF, v57;
	v51 =	vsel vm14, $0xFF800000, v51;
	v56 =	vmax.f32 v56, v47  }
0x10e: {  	v52 =	vsel vm6, $0xFF800000, v52;
	v53 =	vsel vm7, $0xFF800000, v53;
	v56 =	vmax.f32 v56, v51  }
0x10f: {  	v46 =	vsel vm8, $0xFF800000, v46;
	v61 =	vimm.s32 $0x0;
	v56 =	vmax.f32 v56, v52  }
0x110: {  	[tilespmem:$0x1FE60] =	vst v57;
	v57 =	vsel vm14, $0xFFFFFFFF, v62;
	v55 =	vsel vm8, $0xFFFFFFFF, v61;
	v62 =	vmax.f32 v56, v53  }
0x111: {  	vm3 =	veq.f32 v15, v11;
	(erf) = vpow2.f32 v54;
	[tilespmem:$0x1FF60] =	vst v55;
	v55 =	vmax.f32 v62, v46  }
0x112: {  	vm9 =	veq.f32 v21, v11;
	[tilespmem:$0x1FEB0] =	vst v57;
	v57 =	vsel vm6, $0xFFFFFFFF, v63;
	v63 =	vmul.f32 $1.442695020e+00, v55  }
0x113: {  	v21 =	vsel vm9, $0x7, v1;
	vm14 =	veq.f32 v20, v11;
	vm9 =	veq.f32 v33, v23  }
0x114: {  	v20 =	vsel vm14, $0x6, v21;
	vm6 =	veq.f32 v19, v11;
	(erf) = vpow2.f32 v63  }
0x115: {  	vm8 =	veq.f32 v17, v11;
	v58 =	vsel vm9, $0x7, v1;
	vm14 =	veq.f32 v16, v11  }
0x116: {  	[tilespmem:$0x1FEE0] =	vst v57;
	v57 =	vsel vm7, $0xFFFFFFFF, v60;
	v19 =	vsel vm6, $0x5, v20;
	vm7 =	veq.f32 v18, v11  }
0x117: {  	vm9 =	veq.f32 v30, v23;
	vm6 =	veq.f32 v32, v23;
	v18 =	vsel vm7, $0x4, v19  }
0x118: {  	v59 =	vsel vm6, $0x6, v58;
	vm7 =	vne.f32 v10, v11;
	vm6 =	veq.f32 v42, v36  }
0x119: {  	v19 =	vmul.f32 v44, v41;
	v17 =	vsel vm8, $0x3, v18;
	vm8 =	veq.f32 v31, v23  }
0x11a: {  	v18 =	vmul.f32 v44, v39;
	v16 =	vsel vm14, $0x2, v17;
	v17 =	vsel vm8, $0x5, v59  }
0x11b: {  	vm14 =	veq.f32 v29, v23;
	vm8 =	veq.f32 v45, v36;
	v62 =	vsel vm9, $0x4, v17  }
0x11c: {  	v60 =	vpop (erf);
	vm9 =	vmand vm7, vm3;
	v32 =	vsel vm8, $0x7, v1;
	vm7 =	vne.f32 v34, v36  }
0x11d: {  	vm8 =	veq.f32 v49, v55;
	v15 =	vsel vm14, $0x3, v62;
	vm14 =	veq.f32 v43, v36;
	v61 =	vpop (erf)  }
0x11e: {  	v63 =	vsel vm3, $0x1, v16;
	vm3 =	veq.f32 v27, v23;
	v31 =	vadd.f32 v61, v60  }
0x11f: {  	v33 =	vsel vm14, $0x6, v32;
	vm14 =	vne.f32 v22, v23;
	v15 =	vsel vm3, $0x2, v15  }
0x120: {  	vm3 =	veq.f32 v26, v23;
	v42 =	vsel vm6, $0x5, v33;
	(erf) = vrcp.f32 v31  }
0x121: {  	vm6 =	veq.f32 v40, v36;
	v40 =	vimm.s32 $0x0;
	v26 =	vsel vm3, $0x1, v15  }
0x122: {  	vm3 =	vmand vm14, vm3;
	vm14 =	veq.f32 v46, v55;
	v15 =	vsel vm6, $0x4, v42  }
0x123: {  	vm6 =	veq.f32 v38, v36;
	v42 =	vimm.s32 $0x0;
	v43 =	vsel vm14, $0x7, v1  }
0x124: {  	vm14 =	veq.f32 v53, v55;
	v15 =	vsel vm6, $0x3, v15;
	vm6 =	veq.f32 v37, v36  }
0x125: {  	v16 =	vsel vm14, $0x6, v43;
	vm14 =	veq.f32 v52, v55;
	v45 =	vsel vm6, $0x2, v15  }
0x126: {  	vm6 =	veq.f32 v35, v36;
	v16 =	vsel vm14, $0x5, v16;
	vm14 =	veq.f32 v51, v55  }
0x127: {  	v43 =	vimm.s32 $0x0;
	v16 =	vsel vm14, $0x4, v16;
	vm14 =	veq.f32 v47, v55  }
0x128: {  	v16 =	vsel vm14, $0x3, v16;
	vm14 =	veq.f32 v50, v55;
	v50 =	vsel vm6, $0x1, v45  }
0x129: {  	vm6 =	vmand vm7, vm6;
	v46 =	vsel vm14, $0x2, v16;
	vm14 =	veq.f32 v48, v55;
	v47 =	vpop (erf)  }
0x12a: {  	v56 =	vnsel vm6, $0x0, v19;
	v51 =	vsel vm8, $0x1, v46;
	v16 =	vmul.f32 v47, v61  }
0x12b: {  	v14 =	vsel vm4, v18, v56;
	v20 =	vsel vm14, $0x0, v51;
	v15 =	vmul.f32 v47, v60  }
0x12c: {  	v60 =	vnsel vm9, $0x0, v13;
	v61 =	vimm.s32 $0x0;
	v52 =	vnsel vm14, $0x0, v16  }
0x12d: {  	v17 =	vsel vm0, v15, v52;
	vm0 =	vmor vm0, vm14;
	vm14 =	veq.f32 v34, v36  }
0x12e: {  	v21 =	vsel vm14, $0x0, v50;
	v53 =	vnsel vm14, $0x0, v19;
	vm0 =	vmor vm14, vm0  }
0x12f: {  	vm14 =	veq.f32 v22, v23;
	v23 =	vmul.f32 v28, v24;
	v28 =	vsel vm13, v12, v60  }
0x130: {  	v27 =	vsel vm2, v18, v53;
	vm0 =	vmor vm2, vm0;
	v22 =	vsel vm14, $0x0, v26  }
0x131: {  	v54 =	vnsel vm14, $0x0, v25;
	vm2 =	veq.f32 v10, v11;
	vm0 =	vmor vm14, vm0  }
0x132: {  	v24 =	vsel vm5, v23, v54;
	vm14 =	vne.f32 v48, v55;
	v11 =	vsel vm2, $0x0, v63  }
0x133: {  	v10 =	vnsel vm2, $0x0, v13;
	v63 =	vimm.s32 $0x0;
	vm0 =	vmor vm5, vm0  }
0x134: {  	[tilespmem:$0x1FF40] =	vst v57;
	vm5 =	vmand vm14, vm8;
	v57 =	vsel vm12, v12, v10;
	v10 =	vimm.s32 $0x0  }
0x135: {  	vm7 =	vmor vm1, vm5;
	vm0 =	vmor vm2, vm0;
	v58 =	vnsel vm5, $0x0, v16  }
0x136: {  	v47 =	vld [tilespmem:$0x1FF30];
	[tilespmem:$0x1000] =	vst v57;
	vm5 =	veq.s32 v11, $0x6;
	v57 =	vimm.s32 $0x0;
	vm14 =	vmor vm6, vm7  }
0x137: {  	vm0 =	vmor vm12, vm0;
	vm6 =	veq.s32 v21, $0x2;
	vm7 =	veq.s32 v20, $0x2  }
0x138: {  	vm12 =	veq.s32 v11, $0x2;
	v46 =	vnsel vm5, $0x0, v13;
	vm2 =	vmor vm4, vm14  }
0x139: {  	v10 =	vsel vm0, $0xFFFFFFFF, v10;
	v62 =	vnsel vm6, $0x0, v19;
	v31 =	vnsel vm7, $0x0, v16  }
0x13a: {  	vm8 =	vmor vm10, vm7;
	v36 =	vnsel vm12, $0x0, v13;
	vm10 =	veq.s32 v11, $0x4  }
0x13b: {  	v60 =	vld [tilespmem:$0x1FE60];
	vm14 =	veq.s32 v11, $0x5;
	vm7 =	vnez.u8 v47;
	vm4 =	vmor vm3, vm2  }
0x13c: {  	v50 =	vld [tilespmem:$0x1FFF0];
	[tilespmem:$0x1FFD0] =	vst v10;
	v10 =	vnsel vm3, $0x0, v25;
	v41 =	vnsel vm10, $0x0, v13;
	vm0 =	vmor vm11, vm4  }
0x13d: {  	v45 =	vnsel vm14, $0x0, v13;
	vm0 =	vmor vm9, vm0;
	vm9 =	veq.s32 v11, $0x3  }
0x13e: {  	v39 =	vld [tilespmem:$0x1FE10];
	v49 =	vsel vm15, v18, v62;
	v32 =	vsel vm9, $0xFFFFFFFF, v63;
	v37 =	vnsel vm9, $0x0, v13  }
0x13f: {  	v38 =	vld [tilespmem:$0x1FE00];
	vm9 =	veq.s32 v11, $0x7;
	v11 =	vimm.s32 $0x0;
	[tilespmem:$0x1FEA0] =	vst v32;
	v32 =	vsel vm10, $0xFFFFFFFF, v40  }
0x140: {  	v44 =	vld [tilespmem:$0x1FF10];
	vm2 =	veq.s32 v20, $0x3;
	vm3 =	vnez.u8 v60;
	v11 =	vsel vm9, $0xFFFFFFFF, v11;
	[tilespmem:$0x1FF00] =	vst v32  }
0x141: {  	v48 =	vld [tilespmem:$0x1FFB0];
	v32 =	vsel vm14, $0xFFFFFFFF, v42;
	[tilespmem:$0x1FFC0] =	vst v11;
	v11 =	vnsel vm9, $0x0, v13;
	vm14 =	vnez.u8 v50  }
0x142: {  	[tilespmem:$0x1080] =	vst v28;
	v59 =	vsel vm11, v23, v10;
	v10 =	vsel vm1, v15, v58;
	v11 =	vsel vm14, v12, v11  }
0x143: {  	vm11 =	vnez.u8 v39;
	vm1 =	veq.s32 v21, $0x3;
	vm0 =	vmor vm13, vm0;
	[tilespmem:$0x1380] =	vst v11;
	v11 =	vld [tilespmem:$0x1FE20]  }
0x144: {  	[tilespmem:$0x1480] =	vst v59;
	v59 =	vimm.s32 $0x0;
	vm13 =	vnez.u8 v38;
	v30 =	vsel vm0, $0xFFFFFFFF, v61  }
0x145: {  	vm0 =	vmor vm6, vm8;
	v26 =	vsel vm13, v12, v36;
	v28 =	vsel vm11, v12, v37;
	[tilespmem:$0x1FFE0] =	vst v30  }
0x146: {  	v56 =	vld [tilespmem:$0x1FE50];
	vm6 =	vnez.u8 v44;
	vm8 =	vnez.u8 v48;
	vm10 =	veq.s32 v22, $0x2;
	[tilespmem:$0x1100] =	vst v26  }
0x147: {  	v53 =	vld [tilespmem:$0x1FE30];
	[tilespmem:$0x1180] =	vst v28;
	v26 =	vsel vm6, v12, v41;
	v28 =	vsel vm8, v12, v46;
	vm0 =	vmor vm15, vm0  }
0x148: {  	v51 =	vnsel vm10, $0x0, v25;
	vm6 =	veq.s32 v22, $0x3;
	[tilespmem:$0x1FF20] =	vst v32;
	vm4 =	vnez.u8 v11  }
0x149: {  	vm9 =	veq.s32 v22, $0x4;
	vm15 =	veq.s32 v22, $0x6;
	[tilespmem:$0x1200] =	vst v26;
	v11 =	vsel vm4, v23, v51  }
0x14a: {  	v30 =	vnsel vm2, $0x0, v16;
	v32 =	vsel vm5, $0xFFFFFFFF, v43;
	v26 =	vsel vm7, v12, v45;
	[tilespmem:$0x1500] =	vst v11;
	v11 =	vld [tilespmem:$0x1FE40]  }
0x14b: {  	v29 =	vld [tilespmem:$0x1FE90];
	vm7 =	vmor vm10, vm0;
	v52 =	vnsel vm6, $0x0, v25;
	vm14 =	veq.s32 v22, $0x5  }
0x14c: {  	v63 =	vld [tilespmem:$0x1FE70];
	vm5 =	vnez.u8 v53;
	v54 =	vnsel vm9, $0x0, v25;
	vm10 =	vnez.u8 v56  }
0x14d: {  	v33 =	vld [tilespmem:$0x1FEB0];
	v58 =	vnsel vm15, $0x0, v25;
	vm0 =	veq.s32 v22, $0x7;
	v12 =	vsel vm5, v23, v52  }
0x14e: {  	v34 =	vld [tilespmem:$0x1FEC0];
	[tilespmem:$0x1280] =	vst v26;
	v55 =	vnsel vm14, $0x0, v25;
	v26 =	vsel vm15, $0xFFFFFFFF, v57;
	v22 =	vsel vm0, $0xFFFFFFFF, v59  }
0x14f: {  	[tilespmem:$0x1400] =	vst v24;
	v61 =	vld [tilespmem:$0x1FF80];
	vm15 =	vmor vm3, vm2;
	v62 =	vnsel vm0, $0x0, v25;
	vm8 =	vnez.u8 v11  }
0x150: {  	[tilespmem:$0x1300] =	vst v28;
	v28 =	vld [tilespmem:$0x1FE80];
	vm2 =	veq.s32 v20, $0x5;
	v24 =	vsel vm10, v23, v55;
	v11 =	vsel vm8, v23, v54  }
0x151: {  	vm0 =	vnez.u8 v63;
	[tilespmem:$0x1600] =	vst v11;
	v11 =	vnsel vm1, $0x0, v19;
	vm1 =	vmor vm1, vm15  }
0x152: {  	v11 =	vsel vm0, v18, v11;
	vm0 =	vmor vm0, vm1;
	vm1 =	vnez.u8 v29  }
0x153: {  	[tilespmem:$0x1FFA0] =	vst v22;
	vm4 =	vmor vm4, vm7;
	vm7 =	vnez.u8 v34;
	v22 =	vsel vm1, v15, v31;
	v31 =	vld [tilespmem:$0x1FEA0]  }
0x154: {  	v35 =	vld [tilespmem:$0x1FED0];
	vm4 =	vmor vm12, vm4;
	vm12 =	vnez.u8 v33;
	vm15 =	vnez.u8 v61  }
0x155: {  	[tilespmem:$0x1580] =	vst v12;
	vm13 =	vmor vm13, vm4;
	v12 =	vsel vm15, v23, v58;
	vm15 =	vnez.u8 v28  }
0x156: {  	v36 =	vld [tilespmem:$0x1FEE0];
	[tilespmem:$0x1700] =	vst v12;
	v12 =	vsel vm15, v23, v62;
	vm0 =	vmor vm6, vm0;
	vm6 =	veq.s32 v20, $0x4  }
0x157: {  	[tilespmem:$0x1780] =	vst v12;
	vm0 =	vmor vm5, vm0;
	v12 =	vsel vm3, v15, v30;
	vm5 =	veq.s32 v21, $0x4  }
0x158: {  	v37 =	vld [tilespmem:$0x1FEF0];
	[tilespmem:$0x1980] =	vst v11;
	vm1 =	vmor vm12, vm6;
	v11 =	vnsel vm5, $0x0, v19;
	vm4 =	vnez.u8 v31  }
0x159: {  	vm3 =	vnez.u8 v35;
	v11 =	vsel vm7, v18, v11;
	vm0 =	vmor vm4, vm0  }
0x15a: {  	[tilespmem:$0x2080] =	vst v0;
	vm4 =	vmor vm11, vm0;
	vm0 =	vmor vm5, vm1;
	vm1 =	veq.s32 v21, $0x5  }
0x15b: {  	v38 =	vld [tilespmem:$0x1FF00];
	[tilespmem:$0x1A00] =	vst v11;
	vm5 =	veq.s32 v21, $0x6;
	vm11 =	vnez.u8 v36;
	v11 =	vnsel vm1, $0x0, v19  }
0x15c: {  	[tilespmem:$0x2090] =	vst v0;
	v41 =	vld [tilespmem:$0x1FF40];
	vm0 =	vmor vm7, vm0;
	vm7 =	vmor vm11, vm2;
	v11 =	vsel vm3, v18, v11  }
0x15d: {  	v43 =	vld [tilespmem:$0x1FF50];
	vm1 =	vmor vm1, vm7;
	vm7 =	vnez.u8 v37;
	[tilespmem:$0x1A80] =	vst v11;
	v11 =	vnsel vm5, $0x0, v19  }
0x15e: {  	[tilespmem:$0x1FF90] =	vst v32;
	v39 =	vld [tilespmem:$0x1FF20];
	v54 =	vsel vm13, $0x1, v0;
	v32 =	vnsel vm6, $0x0, v16;
	v11 =	vsel vm7, v18, v11  }
0x15f: {  	vm6 =	veq.s32 v20, $0x7;
	v13 =	vsel vm12, v15, v32;
	vm0 =	vmor vm9, vm0;
	[tilespmem:$0x1B00] =	vst v11;
	v11 =	vld [tilespmem:$0x1FF10]  }
0x160: {  	[tilespmem:$0x1C80] =	vst v10;
	v10 =	vld [tilespmem:$0x1FFB0];
	v56 =	vsel vm4, $0x1, v0;
	vm0 =	vmor vm8, vm0;
	vm8 =	vnez.u8 v38  }
0x161: {  	[tilespmem:$0x20A0] =	vst v0;
	v40 =	vld [tilespmem:$0x1FF30];
	vm1 =	vmor vm3, vm1;
	vm3 =	veq.s32 v21, $0x7;
	vm0 =	vmor vm8, vm0  }
0x162: {  	[tilespmem:$0x1880] =	vst v14;
	v44 =	vld [tilespmem:$0x1FF60];
	vm1 =	vmor vm14, vm1;
	v42 =	vnsel vm3, $0x0, v19;
	vm8 =	vnez.u8 v43  }
0x163: {  	v48 =	vld [tilespmem:$0x1FF80];
	[tilespmem:$0x1FF70] =	vst v26;
	vm1 =	vmor vm10, vm1;
	vm10 =	vnez.u8 v39;
	v14 =	vsel vm8, v18, v42  }
0x164: {  	[tilespmem:$0x20B0] =	vst v0;
	v46 =	vld [tilespmem:$0x1FF70];
	vm1 =	vmor vm10, vm1;
	vm10 =	vnez.u8 v41;
	vm9 =	vnez.u8 v11  }
0x165: {  	[tilespmem:$0x20C0] =	vst v0;
	v53 =	vld [tilespmem:$0x1FFE0];
	v11 =	vnsel vm2, $0x0, v16;
	vm2 =	veq.s32 v20, $0x6;
	vm0 =	vmor vm9, vm0  }
0x166: {  	[tilespmem:$0x1900] =	vst v49;
	v49 =	vld [tilespmem:$0x1FF90];
	v11 =	vsel vm11, v15, v11;
	vm11 =	vnez.u8 v40;
	vm12 =	vmor vm10, vm2  }
0x167: {  	[tilespmem:$0x20D0] =	vst v0;
	v50 =	vld [tilespmem:$0x1FFA0];
	vm9 =	vnez.u8 v44;
	v45 =	vnsel vm2, $0x0, v16;
	v16 =	vnsel vm6, $0x0, v16  }
0x168: {  	[tilespmem:$0x20E0] =	vst v0;
	v51 =	vld [tilespmem:$0x1FFC0];
	vm1 =	vmor vm11, vm1;
	vm5 =	vmor vm5, vm12;
	vm14 =	vmor vm9, vm6  }
0x169: {  	[tilespmem:$0x20F0] =	vst v0;
	v52 =	vld [tilespmem:$0x1FFD0];
	vm11 =	vnez.u8 v46;
	v47 =	vsel vm10, v15, v45;
	vm12 =	vnez.u8 v48  }
0x16a: {  	[tilespmem:$0x1C00] =	vst v17;
	vm10 =	vnez.u8 v10;
	v10 =	vsel vm9, v15, v16;
	v57 =	vsel vm0, $0x1, v0  }
0x16b: {  	[tilespmem:$0x1800] =	vst v27;
	vm5 =	vmor vm7, vm5;
	vm3 =	vmor vm3, vm14;
	vm14 =	vnez.u8 v49  }
0x16c: {  	[tilespmem:$0x1680] =	vst v24;
	v62 =	vld [tilespmem:$0x1FFF0];
	v59 =	vsel vm1, $0x1, v0;
	vm2 =	vmor vm11, vm5;
	vm3 =	vmor vm8, vm3  }
0x16d: {  	[tilespmem:$0x1D00] =	vst v22;
	vm8 =	vnez.u8 v50;
	vm11 =	vnez.u8 v51;
	vm2 =	vmor vm12, vm2  }
0x16e: {  	[tilespmem:$0x1D80] =	vst v12;
	vm12 =	vnez.u8 v52;
	vm2 =	vmor vm14, vm2;
	vm14 =	vnez.u8 v53  }
0x16f: {  	[tilespmem:$0x1E00] =	vst v13;
	vm3 =	vmor vm8, vm3;
	v15 =	vsel vm12, $0x1, v0;
	v16 =	vsel vm14, $0x1, v0  }
0x170: {  	[tilespmem:$0x1B80] =	vst v14;
	vm3 =	vmor vm15, vm3;
	v55 =	vor.u32 v9, v15;
	v15 =	vadd.s32 v15, v16  }
0x171: {  	[tilespmem:$0x1E80] =	vst v11;
	vm15 =	vnez.u8 v62;
	v11 =	vor.u32 v9, v15;
	v12 =	vadd.s32 v54, v15  }
0x172: {  	[tilespmem:$0x1F00] =	vst v47;
	vm2 =	vmor vm10, vm2;
	v58 =	vor.u32 v9, v12;
	v12 =	vadd.s32 v56, v12  }
0x173: {  	[tilespmem:$0x1F80] =	vst v10;
	vm3 =	vmor vm11, vm3;
	v10 =	vadd.s32 v9, v12;
	v12 =	vadd.s32 v57, v12  }
0x174: {  	v60 =	vsel vm2, $0x1, v0;
	[tilespmem:v9+s9+$0x0] =	vst.idx.msk vm12, v0;
	v61 =	vadd.s32 v9, v12;
	v12 =	vadd.s32 v59, v12  }
0x175: {  	vm3 =	vmor vm15, vm3;
	[tilespmem:v55+s9+$0x0] =	vst.idx.msk vm14, v8;
	v63 =	vadd.s32 v9, v12;
	v12 =	vadd.s32 v60, v12  }
0x176: {  	[tilespmem:v11+s9+$0x0] =	vst.idx.msk vm13, v7;
	v11 =	vadd.s32 v9, v12  }
0x177: {  	[tilespmem:v58+s9+$0x0] =	vst.idx.msk vm4, v6  }
0x178: {  	[tilespmem:v10+s9+$0x0] =	vst.idx.msk vm0, v5  }
0x179: {  	[tilespmem:v61+s9+$0x0] =	vst.idx.msk vm1, v4  }
0x17a: {  	v10 =	vsel vm3, $0x1, v0;
	[tilespmem:v63+s9+$0x0] =	vst.idx.msk vm2, v3  }
0x17b: {  	v10 =	vadd.s32 v10, v12;
	[tilespmem:v11+s9+$0x0] =	vst.idx.msk vm3, v2  }
0x17c: {  	[tilespmem:$0x2000] =	vst v10  }
0x17d: {  	[hbm4b:s2+s7] =	stream.linear.scatter [tilespmem:s10], [sflag:$0x1], $0x1000, $0x38;
	[tilespmem:$0x2100] =	vst v63  }
0x17e: {  	_ =	swait.ge [sflag:s8], $0x1000  }
0x17f: {  	[sflag:s8] =	ssyncset.done $0x0  }
0x180: {  	[sflag:s8] =	ssyncadd.s32 $0xFFFFF000  }
0x181: {  	[hbm4b:s4+s7] =	stream.linear.scatter [tilespmem:s11], [sflag:$0x1], $0x80, $0x38;
	[tilespmem:$0x2100] =	vst v63  }
0x182: {  	_ =	swait.ge [sflag:s8], $0x80  }
0x183: {  	p0 =	sne.s32 s6, $0x1;
	[sflag:s8] =	ssyncset.done $0x0  }
.Ltmp1:
0x184: {  	[sflag:s8] =	ssyncadd.s32 $0xFFFFFF80;
	(pc) =	sbr.rel @p0 .LBB2_2-.Ltmp1, $4  }
0x185: {  	[hbm4b:s5+s7] =	stream.linear.scatter [tilespmem:s9], [sflag:$0x1], $0x80, $0x38;
	[tilespmem:$0x2100] =	vst v63  }
0x186: {  	_ =	swait.ge [sflag:s8], $0x80  }
0x187: {  	[sflag:s8] =	ssyncset.done $0x0  }
0x188: {  	s6 =	sadd.s32 $0xFFFFFFFF, s6;
	[sflag:s8] =	ssyncadd.s32 $0xFFFFFF80  }
.LBB2_3:
0x189: {  	_ =	sfence.sel $0x180000  }
0x18a: {  	[bflag:$0x0] =	sbarrier.arrive $0xFFFF  }
0x18b: {  	p0 =	sne.s32 s1, $0x0;
	_ =	strace $0x90000047  }
0x18c: {  	s0 =	sadd.s32 @!p0 $0x100000, s3;
	[bflag:$0x2] =	sbarrier.arrive $0xFFFF  }
0x18d: {  	[sflag:s0] =	ssyncadd.tile.s32 @!p0 $0x1;
	_ =	shalt  }
.Lfunc_end2:
_tile_overlayer_lowered:
.L_overlay_start_2:
0x18e: {  	(tag) =	ssettag $0x2  }
0x18f: {  	s0 =	rddreg [dreg:$0x0];
	s2 =	stileid.u32  }
0x190: {  	s1 =	rddreg [dreg:$0x1];
	p0 =	sne.s32 s2, $0x0  }
0x191: {  	s3 =	rddreg [dreg:$0x2];
	[bflag:$0x3] =	sbarrier.arrive $0xFFFF;
	s2 =	simm.s32 @!p0 $0x1C01  }
0x192: {  	[timem:s3], [sflag:s2] =	dma.local @!p0 [hbm:s0], s1  }
0x193: {  	s0 =	simm.s32 @!p0 $0x1  }
0x194: {  	_ =	swait.ge @!p0 [sflag:s0], s1  }
0x195: {  	s1 =	ssub.s32 @!p0 $0x0, s1;
	[sflag:s0] =	ssyncset.done @!p0 $0x0  }
0x196: {  	[sflag:s0] =	ssyncadd.s32 @!p0 s1  }
0x197: {  	[bflag:$0x3] =	sbarrier.arrive $0xFFFF  }
0x198: {  	_ =	shalt  }

</sc_bundles>
